<compile_context>
chip_gen: v7x
topology: tpu7x:2x2x1
jax: 0.10.2.dev20260603
libtpu: 0.0.44.dev20260713+nightly
codegen_flags: <defaults>
</compile_context>

<pallas_src>
import functools

import jax
import jax.numpy as jnp
from jax import lax
from jax.experimental import pallas as pl
from jax.experimental.pallas import tpu as pltpu
from jax.experimental.pallas import tpu_sc as plsc

LANES = 16
NBUF = 4
BLK = 128
REDU = 8


def _bow_encode(idx_t, table, *, B, D, NC, NS):
    NW = NC * NS
    RPW = B // NW
    L = idx_t.shape[0]
    bounds = list(range(0, L, 128)) + [L]
    chunks = [(o, n - o) for o, n in zip(bounds[:-1], bounds[1:])]
    assert all(o % 8 == 0 and s % 8 == 0 and s <= 128 for o, s in chunks)
    DB = D // LANES
    NBLK = RPW // BLK
    TGRP = BLK // NBUF

    mesh = plsc.VectorSubcoreMesh(core_axis_name="c", subcore_axis_name="s")

    @functools.partial(
        pl.kernel,
        mesh=mesh,
        out_type=jax.ShapeDtypeStruct((B, D), jnp.float32),
        compiler_params=pltpu.CompilerParams(
            use_tc_tiling_on_sc=False, needs_layout_passes=False),
        scratch_types=[
            pltpu.VMEM((L, BLK), jnp.int32),
            pltpu.VMEM((BLK * L,), jnp.int32),
            pltpu.VMEM((NBUF, L, D), jnp.float32),
            pltpu.VMEM((BLK, D), jnp.float32),
        ]
        + [pltpu.SemaphoreType.DMA] * NBUF,
    )
    def run(idx_hbm, table_hbm, out_hbm, idx_tv, idx_v, rows_v, out_v, *sems):
        wid = lax.axis_index("s") * NC + lax.axis_index("c")
        base = wid * RPW

        def gather_row(r_local, b, make_only):
            mk = pltpu.make_async_copy if make_only else pltpu.async_copy
            return [
                mk(table_hbm.at[idx_v.at[pl.ds(r_local * L + o, s)]],
                   rows_v.at[b, pl.ds(o, s)], sems[b])
                for o, s in chunks
            ]

        def reduce_row(r_local, b):
            accs = tuple(rows_v[b, 0, pl.ds(LANES * d, LANES)]
                         for d in range(DB))

            def jbody(j, accs):
                out = []
                for d in range(DB):
                    a = accs[d]
                    for u in range(REDU):
                        a = jnp.maximum(
                            a, rows_v[b, j * REDU + u, pl.ds(LANES * d, LANES)])
                    out.append(a)
                return tuple(out)

            accs = lax.fori_loop(0, L // REDU, jbody, accs)
            for d in range(DB):
                out_v[r_local, pl.ds(LANES * d, LANES)] = accs[d]

        def transpose_idx():
            lanes = lax.iota(jnp.int32, LANES)

            def tbody(j, carry):
                for k in range(BLK // LANES):
                    v = idx_tv[j, pl.ds(LANES * k, LANES)]
                    plsc.store_scatter(
                        idx_v, [(lanes + LANES * k) * L + j], v + v)
                return carry

            lax.fori_loop(0, L, tbody, 0)

        def blk_body(blk, carry):
            blk_base = base + blk * BLK
            pltpu.sync_copy(idx_hbm.at[:, pl.ds(blk_base, BLK)], idx_tv)
            transpose_idx()
            for b in range(NBUF):
                gather_row(b, b, False)

            def grp_body(t, carry):
                for b in range(NBUF):
                    r = t * NBUF + b
                    for cp in gather_row(r, b, True):
                        cp.wait()
                    reduce_row(r, b)

                    @pl.when(t < TGRP - 1)
                    def _():
                        gather_row(r + NBUF, b, False)
                return carry

            lax.fori_loop(0, TGRP, grp_body, 0)
            pltpu.sync_copy(out_v, out_hbm.at[pl.ds(blk_base, BLK)])
            return carry

        lax.fori_loop(0, NBLK, blk_body, 0)

    return run(idx_t, table)


def kernel(input, emb_weight):
    B, L = input.shape
    V, D = emb_weight.shape
    NC, NS = 2, 16
    assert B % (NC * NS * BLK) == 0 and D % LANES == 0 and L % REDU == 0
    tab128 = jnp.concatenate(
        [emb_weight, jnp.zeros((V, 128 - D), emb_weight.dtype)], axis=1)
    tab2 = tab128.reshape(2 * V, D)
    return _bow_encode(input.T, tab2, B=B, D=D, NC=NC, NS=NS)

# --- scband reference (transcript-rebuilt; emitter-appended) ---
"""Pipeline reference for scband-bowencoder-61203283968749 (READ-ONLY COPY).

The authoritative reference and input builder live on the scoring server;
editing this copy changes nothing except your own understanding.
"""

import jax, jax.numpy as jnp
import numpy as np

VOCAB = 1000000
EMB = 64
BATCH = 16384
SEQ = 200

def setup_inputs(seed: int = 0) -> dict:
    key = jax.random.key(seed)
    k1, k2 = jax.random.split(key)
    inp = jax.random.randint(k1, (BATCH, SEQ), 0, VOCAB, dtype=jnp.int32)
    emb_weight = jax.random.uniform(k2, (VOCAB, EMB), minval=-0.1, maxval=0.1, dtype=jnp.float32)
    emb_weight = emb_weight.at[0].set(0.0)
    return {"input": inp, "emb_weight": emb_weight}

def reference(input, emb_weight):
    # embedding lookup: [B, L] -> [B, L, D]
    embedded = jnp.take(emb_weight, input, axis=0)
    # F.dropout(p=0.25, training=False) is identity in eval mode
    # max_pool1d over full seq_len == max over the sequence dimension
    encoding = jnp.max(embedded, axis=1)  # [B, D]
    return encoding

if __name__ == "__main__":
    import jax
    _d = setup_inputs()
    print(jax.jit(kernel)(*tuple(_d.values())))

</pallas_src>

<mosaic_0001>
#map = affine_map<(d0, d1) -> (0, 0)>
module attributes {stable_mosaic.version = 14 : i64} {
  func.func @run(%arg0: i32, %arg1: i32, %arg2: memref<200x16384xi32, #tpu.memory_space<hbm>>, %arg3: memref<2000000x64xf32, #tpu.memory_space<hbm>>, %arg4: memref<16384x64xf32, #tpu.memory_space<hbm>>, %arg5: memref<200x128xi32, #tpu.memory_space<vmem>>, %arg6: memref<25600xi32, #tpu.memory_space<vmem>>, %arg7: memref<4x200x64xf32, #tpu.memory_space<vmem>>, %arg8: memref<128x64xf32, #tpu.memory_space<vmem>>, %arg9: memref<!tpu.dma_semaphore, #tpu.memory_space<semaphore_mem>>, %arg10: memref<!tpu.dma_semaphore, #tpu.memory_space<semaphore_mem>>, %arg11: memref<!tpu.dma_semaphore, #tpu.memory_space<semaphore_mem>>, %arg12: memref<!tpu.dma_semaphore, #tpu.memory_space<semaphore_mem>>) attributes {dimension_semantics = [#tpu.dimension_semantics<core_parallel>, #tpu.dimension_semantics<subcore_parallel>], iteration_bounds = array<i64: 2, 16>, scalar_prefetch = 0 : i64, scratch_operands = 8 : i64, tpu.core_type = #tpu.core_type<sc_vector_subcore>, window_params = [{transform_indices = #map}, {transform_indices = #map}, {transform_indices = #map}]} {
    %mul3A = arith.constant 2 : i32
    %mul3A_0 = arith.muli %arg1, %mul3A : i32
    %add3A = arith.addi %mul3A_0, %arg0 : i32
    %mul3A_1 = arith.constant 512 : i32
    %mul3A_2 = arith.muli %add3A, %mul3A_1 : i32
    %scan3A = arith.constant 0 : i32
    %scan3A_3 = arith.constant 0 : i32
    %scan3A_4 = arith.constant 4 : i32
    %scan3A_5 = arith.addi %scan3A_3, %scan3A_4 : i32
    %scan3A_6 = arith.constant 1 : i32
    scf.for %scan3A_8 = %scan3A_3 to %scan3A_5 step %scan3A_6  : i32 {
      %mul3A_9 = arith.constant 128 : i32
      %mul3A_10 = arith.muli %scan3A_8, %mul3A_9 : i32
      %add3A_11 = arith.addi %mul3A_2, %mul3A_10 : i32
      "tpu.region"() ({
        %run_scoped3A = tpu.sem_alloc : memref<!tpu.dma_semaphore, #tpu.memory_space<semaphore_mem>>
        %dma_start3A_103 = arith.constant 0 : i32
        %dma_start3A_104 = tpu.memref_slice %arg2[%dma_start3A_103, %add3A_11] : memref<200x16384xi32, #tpu.memory_space<hbm>> -> memref<200x128xi32, #tpu.memory_space<hbm>>
        %dma_start3A_105 = arith.constant 0 : i32
        %dma_start3A_106 = tpu.memref_slice %arg2[%dma_start3A_105, %add3A_11] : memref<200x16384xi32, #tpu.memory_space<hbm>> -> memref<200x128xi32, #tpu.memory_space<hbm>>
        tpu.enqueue_dma source(%dma_start3A_106 : memref<200x128xi32, #tpu.memory_space<hbm>>) target(%arg5 : memref<200x128xi32, #tpu.memory_space<vmem>>) target_semaphore(%run_scoped3A : memref<!tpu.dma_semaphore, #tpu.memory_space<semaphore_mem>>)
        %dma_wait3A = arith.constant 0 : i32
        %dma_wait3A_107 = tpu.memref_slice %arg2[%dma_wait3A, %add3A_11] : memref<200x16384xi32, #tpu.memory_space<hbm>> -> memref<200x128xi32, #tpu.memory_space<hbm>>
        %dma_wait3A_108 = arith.constant 0 : i32
        %dma_wait3A_109 = tpu.memref_slice %arg2[%dma_wait3A_108, %add3A_11] : memref<200x16384xi32, #tpu.memory_space<hbm>> -> memref<200x128xi32, #tpu.memory_space<hbm>>
        tpu.wait_dma2 semaphore(%run_scoped3A : memref<!tpu.dma_semaphore, #tpu.memory_space<semaphore_mem>>) src(%dma_wait3A_109 : memref<200x128xi32, #tpu.memory_space<hbm>>) dst(%arg5 : memref<200x128xi32, #tpu.memory_space<vmem>>)
        tpu.yield
      }) : () -> ()
      %iota3A = tpu.iota {dimensions = array<i32: 0>} : vector<16xi32>
      %scan3A_12 = arith.constant 0 : i32
      %scan3A_13 = arith.constant 0 : i32
      %scan3A_14 = arith.constant 200 : i32
      %scan3A_15 = arith.addi %scan3A_13, %scan3A_14 : i32
      %scan3A_16 = arith.constant 1 : i32
      scf.for %scan3A_103 = %scan3A_13 to %scan3A_15 step %scan3A_16  : i32 {
        %get3A = arith.index_cast %scan3A_103 : i32 to index
        %get3A_104 = arith.constant 0 : index
        %get3A_105 = tpu.vector_load %arg5[%get3A, %get3A_104] {strides = array<i32>} : memref<200x128xi32, #tpu.memory_space<vmem>>, vector<16xi32>,
        %add3A_106 = arith.constant 0 : i32
        %add3A_107 = vector.broadcast %add3A_106 : i32 to vector<16xi32>
        %add3A_108 = arith.addi %iota3A, %add3A_107 : vector<16xi32>
        %mul3A_109 = arith.constant 200 : i32
        %mul3A_110 = vector.broadcast %mul3A_109 : i32 to vector<16xi32>
        %mul3A_111 = arith.muli %add3A_108, %mul3A_110 : vector<16xi32>
        %add3A_112 = vector.broadcast %scan3A_103 : i32 to vector<16xi32>
        %add3A_113 = arith.addi %mul3A_111, %add3A_112 : vector<16xi32>
        %add3A_114 = arith.addi %get3A_105, %get3A_105 : vector<16xi32>
        tpu.vector_store_idx %arg6[%add3A_113], %add3A_114 : memref<25600xi32, #tpu.memory_space<vmem>>[vector<16xi32>], vector<16xi32>,
        %get3A_115 = arith.index_cast %scan3A_103 : i32 to index
        %get3A_116 = arith.constant 16 : index
        %get3A_117 = tpu.vector_load %arg5[%get3A_115, %get3A_116] {strides = array<i32>} : memref<200x128xi32, #tpu.memory_space<vmem>>, vector<16xi32>,
        %add3A_118 = arith.constant 16 : i32
        %add3A_119 = vector.broadcast %add3A_118 : i32 to vector<16xi32>
        %add3A_120 = arith.addi %iota3A, %add3A_119 : vector<16xi32>
        %mul3A_121 = arith.constant 200 : i32
        %mul3A_122 = vector.broadcast %mul3A_121 : i32 to vector<16xi32>
        %mul3A_123 = arith.muli %add3A_120, %mul3A_122 : vector<16xi32>
        %add3A_124 = vector.broadcast %scan3A_103 : i32 to vector<16xi32>
        %add3A_125 = arith.addi %mul3A_123, %add3A_124 : vector<16xi32>
        %add3A_126 = arith.addi %get3A_117, %get3A_117 : vector<16xi32>
        tpu.vector_store_idx %arg6[%add3A_125], %add3A_126 : memref<25600xi32, #tpu.memory_space<vmem>>[vector<16xi32>], vector<16xi32>,
        %get3A_127 = arith.index_cast %scan3A_103 : i32 to index
        %get3A_128 = arith.constant 32 : index
        %get3A_129 = tpu.vector_load %arg5[%get3A_127, %get3A_128] {strides = array<i32>} : memref<200x128xi32, #tpu.memory_space<vmem>>, vector<16xi32>,
        %add3A_130 = arith.constant 32 : i32
        %add3A_131 = vector.broadcast %add3A_130 : i32 to vector<16xi32>
        %add3A_132 = arith.addi %iota3A, %add3A_131 : vector<16xi32>
        %mul3A_133 = arith.constant 200 : i32
        %mul3A_134 = vector.broadcast %mul3A_133 : i32 to vector<16xi32>
        %mul3A_135 = arith.muli %add3A_132, %mul3A_134 : vector<16xi32>
        %add3A_136 = vector.broadcast %scan3A_103 : i32 to vector<16xi32>
        %add3A_137 = arith.addi %mul3A_135, %add3A_136 : vector<16xi32>
        %add3A_138 = arith.addi %get3A_129, %get3A_129 : vector<16xi32>
        tpu.vector_store_idx %arg6[%add3A_137], %add3A_138 : memref<25600xi32, #tpu.memory_space<vmem>>[vector<16xi32>], vector<16xi32>,
        %get3A_139 = arith.index_cast %scan3A_103 : i32 to index
        %get3A_140 = arith.constant 48 : index
        %get3A_141 = tpu.vector_load %arg5[%get3A_139, %get3A_140] {strides = array<i32>} : memref<200x128xi32, #tpu.memory_space<vmem>>, vector<16xi32>,
        %add3A_142 = arith.constant 48 : i32
        %add3A_143 = vector.broadcast %add3A_142 : i32 to vector<16xi32>
        %add3A_144 = arith.addi %iota3A, %add3A_143 : vector<16xi32>
        %mul3A_145 = arith.constant 200 : i32
        %mul3A_146 = vector.broadcast %mul3A_145 : i32 to vector<16xi32>
        %mul3A_147 = arith.muli %add3A_144, %mul3A_146 : vector<16xi32>
        %add3A_148 = vector.broadcast %scan3A_103 : i32 to vector<16xi32>
        %add3A_149 = arith.addi %mul3A_147, %add3A_148 : vector<16xi32>
        %add3A_150 = arith.addi %get3A_141, %get3A_141 : vector<16xi32>
        tpu.vector_store_idx %arg6[%add3A_149], %add3A_150 : memref<25600xi32, #tpu.memory_space<vmem>>[vector<16xi32>], vector<16xi32>,
        %get3A_151 = arith.index_cast %scan3A_103 : i32 to index
        %get3A_152 = arith.constant 64 : index
        %get3A_153 = tpu.vector_load %arg5[%get3A_151, %get3A_152] {strides = array<i32>} : memref<200x128xi32, #tpu.memory_space<vmem>>, vector<16xi32>,
        %add3A_154 = arith.constant 64 : i32
        %add3A_155 = vector.broadcast %add3A_154 : i32 to vector<16xi32>
        %add3A_156 = arith.addi %iota3A, %add3A_155 : vector<16xi32>
        %mul3A_157 = arith.constant 200 : i32
        %mul3A_158 = vector.broadcast %mul3A_157 : i32 to vector<16xi32>
        %mul3A_159 = arith.muli %add3A_156, %mul3A_158 : vector<16xi32>
        %add3A_160 = vector.broadcast %scan3A_103 : i32 to vector<16xi32>
        %add3A_161 = arith.addi %mul3A_159, %add3A_160 : vector<16xi32>
        %add3A_162 = arith.addi %get3A_153, %get3A_153 : vector<16xi32>
        tpu.vector_store_idx %arg6[%add3A_161], %add3A_162 : memref<25600xi32, #tpu.memory_space<vmem>>[vector<16xi32>], vector<16xi32>,
        %get3A_163 = arith.index_cast %scan3A_103 : i32 to index
        %get3A_164 = arith.constant 80 : index
        %get3A_165 = tpu.vector_load %arg5[%get3A_163, %get3A_164] {strides = array<i32>} : memref<200x128xi32, #tpu.memory_space<vmem>>, vector<16xi32>,
        %add3A_166 = arith.constant 80 : i32
        %add3A_167 = vector.broadcast %add3A_166 : i32 to vector<16xi32>
        %add3A_168 = arith.addi %iota3A, %add3A_167 : vector<16xi32>
        %mul3A_169 = arith.constant 200 : i32
        %mul3A_170 = vector.broadcast %mul3A_169 : i32 to vector<16xi32>
        %mul3A_171 = arith.muli %add3A_168, %mul3A_170 : vector<16xi32>
        %add3A_172 = vector.broadcast %scan3A_103 : i32 to vector<16xi32>
        %add3A_173 = arith.addi %mul3A_171, %add3A_172 : vector<16xi32>
        %add3A_174 = arith.addi %get3A_165, %get3A_165 : vector<16xi32>
        tpu.vector_store_idx %arg6[%add3A_173], %add3A_174 : memref<25600xi32, #tpu.memory_space<vmem>>[vector<16xi32>], vector<16xi32>,
        %get3A_175 = arith.index_cast %scan3A_103 : i32 to index
        %get3A_176 = arith.constant 96 : index
        %get3A_177 = tpu.vector_load %arg5[%get3A_175, %get3A_176] {strides = array<i32>} : memref<200x128xi32, #tpu.memory_space<vmem>>, vector<16xi32>,
        %add3A_178 = arith.constant 96 : i32
        %add3A_179 = vector.broadcast %add3A_178 : i32 to vector<16xi32>
        %add3A_180 = arith.addi %iota3A, %add3A_179 : vector<16xi32>
        %mul3A_181 = arith.constant 200 : i32
        %mul3A_182 = vector.broadcast %mul3A_181 : i32 to vector<16xi32>
        %mul3A_183 = arith.muli %add3A_180, %mul3A_182 : vector<16xi32>
        %add3A_184 = vector.broadcast %scan3A_103 : i32 to vector<16xi32>
        %add3A_185 = arith.addi %mul3A_183, %add3A_184 : vector<16xi32>
        %add3A_186 = arith.addi %get3A_177, %get3A_177 : vector<16xi32>
        tpu.vector_store_idx %arg6[%add3A_185], %add3A_186 : memref<25600xi32, #tpu.memory_space<vmem>>[vector<16xi32>], vector<16xi32>,
        %get3A_187 = arith.index_cast %scan3A_103 : i32 to index
        %get3A_188 = arith.constant 112 : index
        %get3A_189 = tpu.vector_load %arg5[%get3A_187, %get3A_188] {strides = array<i32>} : memref<200x128xi32, #tpu.memory_space<vmem>>, vector<16xi32>,
        %add3A_190 = arith.constant 112 : i32
        %add3A_191 = vector.broadcast %add3A_190 : i32 to vector<16xi32>
        %add3A_192 = arith.addi %iota3A, %add3A_191 : vector<16xi32>
        %mul3A_193 = arith.constant 200 : i32
        %mul3A_194 = vector.broadcast %mul3A_193 : i32 to vector<16xi32>
        %mul3A_195 = arith.muli %add3A_192, %mul3A_194 : vector<16xi32>
        %add3A_196 = vector.broadcast %scan3A_103 : i32 to vector<16xi32>
        %add3A_197 = arith.addi %mul3A_195, %add3A_196 : vector<16xi32>
        %add3A_198 = arith.addi %get3A_189, %get3A_189 : vector<16xi32>
        tpu.vector_store_idx %arg6[%add3A_197], %add3A_198 : memref<25600xi32, #tpu.memory_space<vmem>>[vector<16xi32>], vector<16xi32>,
      }
      %scan3A_17 = arith.constant 200 : i32
      %dma_start3A = arith.constant 0 : i32
      %dma_start3A_18 = arith.constant 0 : i32
      %dma_start3A_19 = arith.constant 0 : i32
      %dma_start3A_20 = tpu.memref_slice %arg7[%dma_start3A, %dma_start3A_18, %dma_start3A_19] : memref<4x200x64xf32, #tpu.memory_space<vmem>> -> memref<1x128x64xf32, #tpu.memory_space<vmem>>
      %dma_start3A_21 = tpu.memref_squeeze %dma_start3A_20 : memref<1x128x64xf32, #tpu.memory_space<vmem>> -> memref<128x64xf32, #tpu.memory_space<vmem>>
      %dma_start3A_22 = arith.constant 0 : i32
      %dma_start3A_23 = tpu.memref_slice %arg6[%dma_start3A_22] : memref<25600xi32, #tpu.memory_space<vmem>> -> memref<128xi32, #tpu.memory_space<vmem>>
      %dma_start3A_24 = arith.constant 0 : i32
      %dma_start3A_25 = arith.constant 0 : i32
      %dma_start3A_26 = tpu.memref_slice %arg3[%dma_start3A_24, %dma_start3A_25] : memref<2000000x64xf32, #tpu.memory_space<hbm>> -> memref<2000000x64xf32, #tpu.memory_space<hbm>>
      tpu.enqueue_indirect_dma source(%dma_start3A_26 : memref<2000000x64xf32, #tpu.memory_space<hbm>>) target(%dma_start3A_21 : memref<128x64xf32, #tpu.memory_space<vmem>>) offsets(%dma_start3A_23 : memref<128xi32, #tpu.memory_space<vmem>>) semaphore(%arg9 : memref<!tpu.dma_semaphore, #tpu.memory_space<semaphore_mem>>)
      %dma_start3A_27 = arith.constant 0 : i32
      %dma_start3A_28 = arith.constant 128 : i32
      %dma_start3A_29 = arith.constant 0 : i32
      %dma_start3A_30 = tpu.memref_slice %arg7[%dma_start3A_27, %dma_start3A_28, %dma_start3A_29] : memref<4x200x64xf32, #tpu.memory_space<vmem>> -> memref<1x72x64xf32, #tpu.memory_space<vmem>>
      %dma_start3A_31 = tpu.memref_squeeze %dma_start3A_30 : memref<1x72x64xf32, #tpu.memory_space<vmem>> -> memref<72x64xf32, #tpu.memory_space<vmem>>
      %dma_start3A_32 = arith.constant 128 : i32
      %dma_start3A_33 = tpu.memref_slice %arg6[%dma_start3A_32] : memref<25600xi32, #tpu.memory_space<vmem>> -> memref<72xi32, #tpu.memory_space<vmem>>
      %dma_start3A_34 = arith.constant 0 : i32
      %dma_start3A_35 = arith.constant 0 : i32
      %dma_start3A_36 = tpu.memref_slice %arg3[%dma_start3A_34, %dma_start3A_35] : memref<2000000x64xf32, #tpu.memory_space<hbm>> -> memref<2000000x64xf32, #tpu.memory_space<hbm>>
      tpu.enqueue_indirect_dma source(%dma_start3A_36 : memref<2000000x64xf32, #tpu.memory_space<hbm>>) target(%dma_start3A_31 : memref<72x64xf32, #tpu.memory_space<vmem>>) offsets(%dma_start3A_33 : memref<72xi32, #tpu.memory_space<vmem>>) semaphore(%arg9 : memref<!tpu.dma_semaphore, #tpu.memory_space<semaphore_mem>>)
      %dma_start3A_37 = arith.constant 1 : i32
      %dma_start3A_38 = arith.constant 0 : i32
      %dma_start3A_39 = arith.constant 0 : i32
      %dma_start3A_40 = tpu.memref_slice %arg7[%dma_start3A_37, %dma_start3A_38, %dma_start3A_39] : memref<4x200x64xf32, #tpu.memory_space<vmem>> -> memref<1x128x64xf32, #tpu.memory_space<vmem>>
      %dma_start3A_41 = tpu.memref_squeeze %dma_start3A_40 : memref<1x128x64xf32, #tpu.memory_space<vmem>> -> memref<128x64xf32, #tpu.memory_space<vmem>>
      %dma_start3A_42 = arith.constant 200 : i32
      %dma_start3A_43 = tpu.memref_slice %arg6[%dma_start3A_42] : memref<25600xi32, #tpu.memory_space<vmem>> -> memref<128xi32, #tpu.memory_space<vmem>>
      %dma_start3A_44 = arith.constant 0 : i32
      %dma_start3A_45 = arith.constant 0 : i32
      %dma_start3A_46 = tpu.memref_slice %arg3[%dma_start3A_44, %dma_start3A_45] : memref<2000000x64xf32, #tpu.memory_space<hbm>> -> memref<2000000x64xf32, #tpu.memory_space<hbm>>
      tpu.enqueue_indirect_dma source(%dma_start3A_46 : memref<2000000x64xf32, #tpu.memory_space<hbm>>) target(%dma_start3A_41 : memref<128x64xf32, #tpu.memory_space<vmem>>) offsets(%dma_start3A_43 : memref<128xi32, #tpu.memory_space<vmem>>) semaphore(%arg10 : memref<!tpu.dma_semaphore, #tpu.memory_space<semaphore_mem>>)
      %dma_start3A_47 = arith.constant 1 : i32
      %dma_start3A_48 = arith.constant 128 : i32
      %dma_start3A_49 = arith.constant 0 : i32
      %dma_start3A_50 = tpu.memref_slice %arg7[%dma_start3A_47, %dma_start3A_48, %dma_start3A_49] : memref<4x200x64xf32, #tpu.memory_space<vmem>> -> memref<1x72x64xf32, #tpu.memory_space<vmem>>
      %dma_start3A_51 = tpu.memref_squeeze %dma_start3A_50 : memref<1x72x64xf32, #tpu.memory_space<vmem>> -> memref<72x64xf32, #tpu.memory_space<vmem>>
      %dma_start3A_52 = arith.constant 328 : i32
      %dma_start3A_53 = tpu.memref_slice %arg6[%dma_start3A_52] : memref<25600xi32, #tpu.memory_space<vmem>> -> memref<72xi32, #tpu.memory_space<vmem>>
      %dma_start3A_54 = arith.constant 0 : i32
      %dma_start3A_55 = arith.constant 0 : i32
      %dma_start3A_56 = tpu.memref_slice %arg3[%dma_start3A_54, %dma_start3A_55] : memref<2000000x64xf32, #tpu.memory_space<hbm>> -> memref<2000000x64xf32, #tpu.memory_space<hbm>>
      tpu.enqueue_indirect_dma source(%dma_start3A_56 : memref<2000000x64xf32, #tpu.memory_space<hbm>>) target(%dma_start3A_51 : memref<72x64xf32, #tpu.memory_space<vmem>>) offsets(%dma_start3A_53 : memref<72xi32, #tpu.memory_space<vmem>>) semaphore(%arg10 : memref<!tpu.dma_semaphore, #tpu.memory_space<semaphore_mem>>)
      %dma_start3A_57 = arith.constant 2 : i32
      %dma_start3A_58 = arith.constant 0 : i32
      %dma_start3A_59 = arith.constant 0 : i32
      %dma_start3A_60 = tpu.memref_slice %arg7[%dma_start3A_57, %dma_start3A_58, %dma_start3A_59] : memref<4x200x64xf32, #tpu.memory_space<vmem>> -> memref<1x128x64xf32, #tpu.memory_space<vmem>>
      %dma_start3A_61 = tpu.memref_squeeze %dma_start3A_60 : memref<1x128x64xf32, #tpu.memory_space<vmem>> -> memref<128x64xf32, #tpu.memory_space<vmem>>
      %dma_start3A_62 = arith.constant 400 : i32
      %dma_start3A_63 = tpu.memref_slice %arg6[%dma_start3A_62] : memref<25600xi32, #tpu.memory_space<vmem>> -> memref<128xi32, #tpu.memory_space<vmem>>
      %dma_start3A_64 = arith.constant 0 : i32
      %dma_start3A_65 = arith.constant 0 : i32
      %dma_start3A_66 = tpu.memref_slice %arg3[%dma_start3A_64, %dma_start3A_65] : memref<2000000x64xf32, #tpu.memory_space<hbm>> -> memref<2000000x64xf32, #tpu.memory_space<hbm>>
      tpu.enqueue_indirect_dma source(%dma_start3A_66 : memref<2000000x64xf32, #tpu.memory_space<hbm>>) target(%dma_start3A_61 : memref<128x64xf32, #tpu.memory_space<vmem>>) offsets(%dma_start3A_63 : memref<128xi32, #tpu.memory_space<vmem>>) semaphore(%arg11 : memref<!tpu.dma_semaphore, #tpu.memory_space<semaphore_mem>>)
      %dma_start3A_67 = arith.constant 2 : i32
      %dma_start3A_68 = arith.constant 128 : i32
      %dma_start3A_69 = arith.constant 0 : i32
      %dma_start3A_70 = tpu.memref_slice %arg7[%dma_start3A_67, %dma_start3A_68, %dma_start3A_69] : memref<4x200x64xf32, #tpu.memory_space<vmem>> -> memref<1x72x64xf32, #tpu.memory_space<vmem>>
      %dma_start3A_71 = tpu.memref_squeeze %dma_start3A_70 : memref<1x72x64xf32, #tpu.memory_space<vmem>> -> memref<72x64xf32, #tpu.memory_space<vmem>>
      %dma_start3A_72 = arith.constant 528 : i32
      %dma_start3A_73 = tpu.memref_slice %arg6[%dma_start3A_72] : memref<25600xi32, #tpu.memory_space<vmem>> -> memref<72xi32, #tpu.memory_space<vmem>>
      %dma_start3A_74 = arith.constant 0 : i32
      %dma_start3A_75 = arith.constant 0 : i32
      %dma_start3A_76 = tpu.memref_slice %arg3[%dma_start3A_74, %dma_start3A_75] : memref<2000000x64xf32, #tpu.memory_space<hbm>> -> memref<2000000x64xf32, #tpu.memory_space<hbm>>
      tpu.enqueue_indirect_dma source(%dma_start3A_76 : memref<2000000x64xf32, #tpu.memory_space<hbm>>) target(%dma_start3A_71 : memref<72x64xf32, #tpu.memory_space<vmem>>) offsets(%dma_start3A_73 : memref<72xi32, #tpu.memory_space<vmem>>) semaphore(%arg11 : memref<!tpu.dma_semaphore, #tpu.memory_space<semaphore_mem>>)
      %dma_start3A_77 = arith.constant 3 : i32
      %dma_start3A_78 = arith.constant 0 : i32
      %dma_start3A_79 = arith.constant 0 : i32
      %dma_start3A_80 = tpu.memref_slice %arg7[%dma_start3A_77, %dma_start3A_78, %dma_start3A_79] : memref<4x200x64xf32, #tpu.memory_space<vmem>> -> memref<1x128x64xf32, #tpu.memory_space<vmem>>
      %dma_start3A_81 = tpu.memref_squeeze %dma_start3A_80 : memref<1x128x64xf32, #tpu.memory_space<vmem>> -> memref<128x64xf32, #tpu.memory_space<vmem>>
      %dma_start3A_82 = arith.constant 600 : i32
      %dma_start3A_83 = tpu.memref_slice %arg6[%dma_start3A_82] : memref<25600xi32, #tpu.memory_space<vmem>> -> memref<128xi32, #tpu.memory_space<vmem>>
      %dma_start3A_84 = arith.constant 0 : i32
      %dma_start3A_85 = arith.constant 0 : i32
      %dma_start3A_86 = tpu.memref_slice %arg3[%dma_start3A_84, %dma_start3A_85] : memref<2000000x64xf32, #tpu.memory_space<hbm>> -> memref<2000000x64xf32, #tpu.memory_space<hbm>>
      tpu.enqueue_indirect_dma source(%dma_start3A_86 : memref<2000000x64xf32, #tpu.memory_space<hbm>>) target(%dma_start3A_81 : memref<128x64xf32, #tpu.memory_space<vmem>>) offsets(%dma_start3A_83 : memref<128xi32, #tpu.memory_space<vmem>>) semaphore(%arg12 : memref<!tpu.dma_semaphore, #tpu.memory_space<semaphore_mem>>)
      %dma_start3A_87 = arith.constant 3 : i32
      %dma_start3A_88 = arith.constant 128 : i32
      %dma_start3A_89 = arith.constant 0 : i32
      %dma_start3A_90 = tpu.memref_slice %arg7[%dma_start3A_87, %dma_start3A_88, %dma_start3A_89] : memref<4x200x64xf32, #tpu.memory_space<vmem>> -> memref<1x72x64xf32, #tpu.memory_space<vmem>>
      %dma_start3A_91 = tpu.memref_squeeze %dma_start3A_90 : memref<1x72x64xf32, #tpu.memory_space<vmem>> -> memref<72x64xf32, #tpu.memory_space<vmem>>
      %dma_start3A_92 = arith.constant 728 : i32
      %dma_start3A_93 = tpu.memref_slice %arg6[%dma_start3A_92] : memref<25600xi32, #tpu.memory_space<vmem>> -> memref<72xi32, #tpu.memory_space<vmem>>
      %dma_start3A_94 = arith.constant 0 : i32
      %dma_start3A_95 = arith.constant 0 : i32
      %dma_start3A_96 = tpu.memref_slice %arg3[%dma_start3A_94, %dma_start3A_95] : memref<2000000x64xf32, #tpu.memory_space<hbm>> -> memref<2000000x64xf32, #tpu.memory_space<hbm>>
      tpu.enqueue_indirect_dma source(%dma_start3A_96 : memref<2000000x64xf32, #tpu.memory_space<hbm>>) target(%dma_start3A_91 : memref<72x64xf32, #tpu.memory_space<vmem>>) offsets(%dma_start3A_93 : memref<72xi32, #tpu.memory_space<vmem>>) semaphore(%arg12 : memref<!tpu.dma_semaphore, #tpu.memory_space<semaphore_mem>>)
      %scan3A_97 = arith.constant 0 : i32
      %scan3A_98 = arith.constant 0 : i32
      %scan3A_99 = arith.constant 32 : i32
      %scan3A_100 = arith.addi %scan3A_98, %scan3A_99 : i32
      %scan3A_101 = arith.constant 1 : i32
      scf.for %scan3A_103 = %scan3A_98 to %scan3A_100 step %scan3A_101  : i32 {
        %mul3A_104 = arith.constant 4 : i32
        %mul3A_105 = arith.muli %scan3A_103, %mul3A_104 : i32
        %add3A_106 = arith.constant 0 : i32
        %add3A_107 = arith.addi %mul3A_105, %add3A_106 : i32
        %mul3A_108 = arith.constant 200 : i32
        %mul3A_109 = arith.muli %add3A_107, %mul3A_108 : i32
        %add3A_110 = arith.constant 0 : i32
        %add3A_111 = arith.addi %mul3A_109, %add3A_110 : i32
        %mul3A_112 = arith.constant 200 : i32
        %mul3A_113 = arith.muli %add3A_107, %mul3A_112 : i32
        %add3A_114 = arith.constant 128 : i32
        %add3A_115 = arith.addi %mul3A_113, %add3A_114 : i32
        %dma_wait3A = arith.constant 0 : i32
        %dma_wait3A_116 = arith.constant 0 : i32
        %dma_wait3A_117 = arith.constant 0 : i32
        %dma_wait3A_118 = tpu.memref_slice %arg7[%dma_wait3A, %dma_wait3A_116, %dma_wait3A_117] : memref<4x200x64xf32, #tpu.memory_space<vmem>> -> memref<1x128x64xf32, #tpu.memory_space<vmem>>
        %dma_wait3A_119 = tpu.memref_squeeze %dma_wait3A_118 : memref<1x128x64xf32, #tpu.memory_space<vmem>> -> memref<128x64xf32, #tpu.memory_space<vmem>>
        %dma_wait3A_120 = tpu.memref_slice %arg6[%add3A_111] : memref<25600xi32, #tpu.memory_space<vmem>> -> memref<128xi32, #tpu.memory_space<vmem>>
        %dma_wait3A_121 = arith.constant 0 : i32
        %dma_wait3A_122 = arith.constant 0 : i32
        %dma_wait3A_123 = tpu.memref_slice %arg3[%dma_wait3A_121, %dma_wait3A_122] : memref<2000000x64xf32, #tpu.memory_space<hbm>> -> memref<2000000x64xf32, #tpu.memory_space<hbm>>
        tpu.wait_indirect_dma semaphore(%arg9 : memref<!tpu.dma_semaphore, #tpu.memory_space<semaphore_mem>>) src(%dma_wait3A_123 : memref<2000000x64xf32, #tpu.memory_space<hbm>>) dst(%dma_wait3A_119 : memref<128x64xf32, #tpu.memory_space<vmem>>)
        %dma_wait3A_124 = arith.constant 0 : i32
        %dma_wait3A_125 = arith.constant 128 : i32
        %dma_wait3A_126 = arith.constant 0 : i32
        %dma_wait3A_127 = tpu.memref_slice %arg7[%dma_wait3A_124, %dma_wait3A_125, %dma_wait3A_126] : memref<4x200x64xf32, #tpu.memory_space<vmem>> -> memref<1x72x64xf32, #tpu.memory_space<vmem>>
        %dma_wait3A_128 = tpu.memref_squeeze %dma_wait3A_127 : memref<1x72x64xf32, #tpu.memory_space<vmem>> -> memref<72x64xf32, #tpu.memory_space<vmem>>
        %dma_wait3A_129 = tpu.memref_slice %arg6[%add3A_115] : memref<25600xi32, #tpu.memory_space<vmem>> -> memref<72xi32, #tpu.memory_space<vmem>>
        %dma_wait3A_130 = arith.constant 0 : i32
        %dma_wait3A_131 = arith.constant 0 : i32
        %dma_wait3A_132 = tpu.memref_slice %arg3[%dma_wait3A_130, %dma_wait3A_131] : memref<2000000x64xf32, #tpu.memory_space<hbm>> -> memref<2000000x64xf32, #tpu.memory_space<hbm>>
        tpu.wait_indirect_dma semaphore(%arg9 : memref<!tpu.dma_semaphore, #tpu.memory_space<semaphore_mem>>) src(%dma_wait3A_132 : memref<2000000x64xf32, #tpu.memory_space<hbm>>) dst(%dma_wait3A_128 : memref<72x64xf32, #tpu.memory_space<vmem>>)
        %get3A = arith.constant 0 : i32
        %get3A_133 = arith.constant 0 : i32
        %get3A_134 = arith.index_cast %get3A : i32 to index
        %get3A_135 = arith.index_cast %get3A_133 : i32 to index
        %get3A_136 = arith.constant 0 : index
        %get3A_137 = tpu.vector_load %arg7[%get3A_134, %get3A_135, %get3A_136] {strides = array<i32>} : memref<4x200x64xf32, #tpu.memory_space<vmem>>, vector<16xf32>,
        %get3A_138 = arith.constant 0 : i32
        %get3A_139 = arith.constant 0 : i32
        %get3A_140 = arith.index_cast %get3A_138 : i32 to index
        %get3A_141 = arith.index_cast %get3A_139 : i32 to index
        %get3A_142 = arith.constant 16 : index
        %get3A_143 = tpu.vector_load %arg7[%get3A_140, %get3A_141, %get3A_142] {strides = array<i32>} : memref<4x200x64xf32, #tpu.memory_space<vmem>>, vector<16xf32>,
        %get3A_144 = arith.constant 0 : i32
        %get3A_145 = arith.constant 0 : i32
        %get3A_146 = arith.index_cast %get3A_144 : i32 to index
        %get3A_147 = arith.index_cast %get3A_145 : i32 to index
        %get3A_148 = arith.constant 32 : index
        %get3A_149 = tpu.vector_load %arg7[%get3A_146, %get3A_147, %get3A_148] {strides = array<i32>} : memref<4x200x64xf32, #tpu.memory_space<vmem>>, vector<16xf32>,
        %get3A_150 = arith.constant 0 : i32
        %get3A_151 = arith.constant 0 : i32
        %get3A_152 = arith.index_cast %get3A_150 : i32 to index
        %get3A_153 = arith.index_cast %get3A_151 : i32 to index
        %get3A_154 = arith.constant 48 : index
        %get3A_155 = tpu.vector_load %arg7[%get3A_152, %get3A_153, %get3A_154] {strides = array<i32>} : memref<4x200x64xf32, #tpu.memory_space<vmem>>, vector<16xf32>,
        %scan3A_156 = arith.constant 0 : i32
        %scan3A_157 = arith.constant 25 : i32
        %scan3A_158 = arith.addi %scan3A_156, %scan3A_157 : i32
        %scan3A_159 = arith.constant 1 : i32
        %scan3A_160:4 = scf.for %scan3A_406 = %scan3A_156 to %scan3A_158 step %scan3A_159 iter_args(%scan3A_407 = %get3A_137, %scan3A_408 = %get3A_143, %scan3A_409 = %get3A_149, %scan3A_410 = %get3A_155) -> (vector<16xf32>, vector<16xf32>, vector<16xf32>, vector<16xf32>)  : i32 {
          %mul3A_411 = arith.constant 8 : i32
          %mul3A_412 = arith.muli %scan3A_406, %mul3A_411 : i32
          %add3A_413 = arith.constant 0 : i32
          %add3A_414 = arith.addi %mul3A_412, %add3A_413 : i32
          %get3A_415 = arith.constant 0 : i32
          %get3A_416 = arith.index_cast %get3A_415 : i32 to index
          %get3A_417 = arith.index_cast %add3A_414 : i32 to index
          %get3A_418 = arith.constant 0 : index
          %get3A_419 = tpu.vector_load %arg7[%get3A_416, %get3A_417, %get3A_418] {strides = array<i32>} : memref<4x200x64xf32, #tpu.memory_space<vmem>>, vector<16xf32>,
          %max3A = arith.maximumf %scan3A_407, %get3A_419 : vector<16xf32>
          %mul3A_420 = arith.constant 8 : i32
          %mul3A_421 = arith.muli %scan3A_406, %mul3A_420 : i32
          %add3A_422 = arith.constant 1 : i32
          %add3A_423 = arith.addi %mul3A_421, %add3A_422 : i32
          %get3A_424 = arith.constant 0 : i32
          %get3A_425 = arith.index_cast %get3A_424 : i32 to index
          %get3A_426 = arith.index_cast %add3A_423 : i32 to index
          %get3A_427 = arith.constant 0 : index
          %get3A_428 = tpu.vector_load %arg7[%get3A_425, %get3A_426, %get3A_427] {strides = array<i32>} : memref<4x200x64xf32, #tpu.memory_space<vmem>>, vector<16xf32>,
          %max3A_429 = arith.maximumf %max3A, %get3A_428 : vector<16xf32>
          %mul3A_430 = arith.constant 8 : i32
          %mul3A_431 = arith.muli %scan3A_406, %mul3A_430 : i32
          %add3A_432 = arith.constant 2 : i32
          %add3A_433 = arith.addi %mul3A_431, %add3A_432 : i32
          %get3A_434 = arith.constant 0 : i32
          %get3A_435 = arith.index_cast %get3A_434 : i32 to index
          %get3A_436 = arith.index_cast %add3A_433 : i32 to index
          %get3A_437 = arith.constant 0 : index
          %get3A_438 = tpu.vector_load %arg7[%get3A_435, %get3A_436, %get3A_437] {strides = array<i32>} : memref<4x200x64xf32, #tpu.memory_space<vmem>>, vector<16xf32>,
          %max3A_439 = arith.maximumf %max3A_429, %get3A_438 : vector<16xf32>
          %mul3A_440 = arith.constant 8 : i32
          %mul3A_441 = arith.muli %scan3A_406, %mul3A_440 : i32
          %add3A_442 = arith.constant 3 : i32
          %add3A_443 = arith.addi %mul3A_441, %add3A_442 : i32
          %get3A_444 = arith.constant 0 : i32
          %get3A_445 = arith.index_cast %get3A_444 : i32 to index
          %get3A_446 = arith.index_cast %add3A_443 : i32 to index
          %get3A_447 = arith.constant 0 : index
          %get3A_448 = tpu.vector_load %arg7[%get3A_445, %get3A_446, %get3A_447] {strides = array<i32>} : memref<4x200x64xf32, #tpu.memory_space<vmem>>, vector<16xf32>,
          %max3A_449 = arith.maximumf %max3A_439, %get3A_448 : vector<16xf32>
          %mul3A_450 = arith.constant 8 : i32
          %mul3A_451 = arith.muli %scan3A_406, %mul3A_450 : i32
          %add3A_452 = arith.constant 4 : i32
          %add3A_453 = arith.addi %mul3A_451, %add3A_452 : i32
          %get3A_454 = arith.constant 0 : i32
          %get3A_455 = arith.index_cast %get3A_454 : i32 to index
          %get3A_456 = arith.index_cast %add3A_453 : i32 to index
          %get3A_457 = arith.constant 0 : index
          %get3A_458 = tpu.vector_load %arg7[%get3A_455, %get3A_456, %get3A_457] {strides = array<i32>} : memref<4x200x64xf32, #tpu.memory_space<vmem>>, vector<16xf32>,
          %max3A_459 = arith.maximumf %max3A_449, %get3A_458 : vector<16xf32>
          %mul3A_460 = arith.constant 8 : i32
          %mul3A_461 = arith.muli %scan3A_406, %mul3A_460 : i32
          %add3A_462 = arith.constant 5 : i32
          %add3A_463 = arith.addi %mul3A_461, %add3A_462 : i32
          %get3A_464 = arith.constant 0 : i32
          %get3A_465 = arith.index_cast %get3A_464 : i32 to index
          %get3A_466 = arith.index_cast %add3A_463 : i32 to index
          %get3A_467 = arith.constant 0 : index
          %get3A_468 = tpu.vector_load %arg7[%get3A_465, %get3A_466, %get3A_467] {strides = array<i32>} : memref<4x200x64xf32, #tpu.memory_space<vmem>>, vector<16xf32>,
          %max3A_469 = arith.maximumf %max3A_459, %get3A_468 : vector<16xf32>
          %mul3A_470 = arith.constant 8 : i32
          %mul3A_471 = arith.muli %scan3A_406, %mul3A_470 : i32
          %add3A_472 = arith.constant 6 : i32
          %add3A_473 = arith.addi %mul3A_471, %add3A_472 : i32
          %get3A_474 = arith.constant 0 : i32
          %get3A_475 = arith.index_cast %get3A_474 : i32 to index
          %get3A_476 = arith.index_cast %add3A_473 : i32 to index
          %get3A_477 = arith.constant 0 : index
          %get3A_478 = tpu.vector_load %arg7[%get3A_475, %get3A_476, %get3A_477] {strides = array<i32>} : memref<4x200x64xf32, #tpu.memory_space<vmem>>, vector<16xf32>,
          %max3A_479 = arith.maximumf %max3A_469, %get3A_478 : vector<16xf32>
          %mul3A_480 = arith.constant 8 : i32
          %mul3A_481 = arith.muli %scan3A_406, %mul3A_480 : i32
          %add3A_482 = arith.constant 7 : i32
          %add3A_483 = arith.addi %mul3A_481, %add3A_482 : i32
          %get3A_484 = arith.constant 0 : i32
          %get3A_485 = arith.index_cast %get3A_484 : i32 to index
          %get3A_486 = arith.index_cast %add3A_483 : i32 to index
          %get3A_487 = arith.constant 0 : index
          %get3A_488 = tpu.vector_load %arg7[%get3A_485, %get3A_486, %get3A_487] {strides = array<i32>} : memref<4x200x64xf32, #tpu.memory_space<vmem>>, vector<16xf32>,
          %max3A_489 = arith.maximumf %max3A_479, %get3A_488 : vector<16xf32>
          %mul3A_490 = arith.constant 8 : i32
          %mul3A_491 = arith.muli %scan3A_406, %mul3A_490 : i32
          %add3A_492 = arith.constant 0 : i32
          %add3A_493 = arith.addi %mul3A_491, %add3A_492 : i32
          %get3A_494 = arith.constant 0 : i32
          %get3A_495 = arith.index_cast %get3A_494 : i32 to index
          %get3A_496 = arith.index_cast %add3A_493 : i32 to index
          %get3A_497 = arith.constant 16 : index
          %get3A_498 = tpu.vector_load %arg7[%get3A_495, %get3A_496, %get3A_497] {strides = array<i32>} : memref<4x200x64xf32, #tpu.memory_space<vmem>>, vector<16xf32>,
          %max3A_499 = arith.maximumf %scan3A_408, %get3A_498 : vector<16xf32>
          %mul3A_500 = arith.constant 8 : i32
          %mul3A_501 = arith.muli %scan3A_406, %mul3A_500 : i32
          %add3A_502 = arith.constant 1 : i32
          %add3A_503 = arith.addi %mul3A_501, %add3A_502 : i32
          %get3A_504 = arith.constant 0 : i32
          %get3A_505 = arith.index_cast %get3A_504 : i32 to index
          %get3A_506 = arith.index_cast %add3A_503 : i32 to index
          %get3A_507 = arith.constant 16 : index
          %get3A_508 = tpu.vector_load %arg7[%get3A_505, %get3A_506, %get3A_507] {strides = array<i32>} : memref<4x200x64xf32, #tpu.memory_space<vmem>>, vector<16xf32>,
          %max3A_509 = arith.maximumf %max3A_499, %get3A_508 : vector<16xf32>
          %mul3A_510 = arith.constant 8 : i32
          %mul3A_511 = arith.muli %scan3A_406, %mul3A_510 : i32
          %add3A_512 = arith.constant 2 : i32
          %add3A_513 = arith.addi %mul3A_511, %add3A_512 : i32
          %get3A_514 = arith.constant 0 : i32
          %get3A_515 = arith.index_cast %get3A_514 : i32 to index
          %get3A_516 = arith.index_cast %add3A_513 : i32 to index
          %get3A_517 = arith.constant 16 : index
          %get3A_518 = tpu.vector_load %arg7[%get3A_515, %get3A_516, %get3A_517] {strides = array<i32>} : memref<4x200x64xf32, #tpu.memory_space<vmem>>, vector<16xf32>,
          %max3A_519 = arith.maximumf %max3A_509, %get3A_518 : vector<16xf32>
          %mul3A_520 = arith.constant 8 : i32
          %mul3A_521 = arith.muli %scan3A_406, %mul3A_520 : i32
          %add3A_522 = arith.constant 3 : i32
          %add3A_523 = arith.addi %mul3A_521, %add3A_522 : i32
          %get3A_524 = arith.constant 0 : i32
          %get3A_525 = arith.index_cast %get3A_524 : i32 to index
          %get3A_526 = arith.index_cast %add3A_523 : i32 to index
          %get3A_527 = arith.constant 16 : index
          %get3A_528 = tpu.vector_load %arg7[%get3A_525, %get3A_526, %get3A_527] {strides = array<i32>} : memref<4x200x64xf32, #tpu.memory_space<vmem>>, vector<16xf32>,
          %max3A_529 = arith.maximumf %max3A_519, %get3A_528 : vector<16xf32>
          %mul3A_530 = arith.constant 8 : i32
          %mul3A_531 = arith.muli %scan3A_406, %mul3A_530 : i32
          %add3A_532 = arith.constant 4 : i32
          %add3A_533 = arith.addi %mul3A_531, %add3A_532 : i32
          %get3A_534 = arith.constant 0 : i32
          %get3A_535 = arith.index_cast %get3A_534 : i32 to index
          %get3A_536 = arith.index_cast %add3A_533 : i32 to index
          %get3A_537 = arith.constant 16 : index
          %get3A_538 = tpu.vector_load %arg7[%get3A_535, %get3A_536, %get3A_537] {strides = array<i32>} : memref<4x200x64xf32, #tpu.memory_space<vmem>>, vector<16xf32>,
          %max3A_539 = arith.maximumf %max3A_529, %get3A_538 : vector<16xf32>
          %mul3A_540 = arith.constant 8 : i32
          %mul3A_541 = arith.muli %scan3A_406, %mul3A_540 : i32
          %add3A_542 = arith.constant 5 : i32
          %add3A_543 = arith.addi %mul3A_541, %add3A_542 : i32
          %get3A_544 = arith.constant 0 : i32
          %get3A_545 = arith.index_cast %get3A_544 : i32 to index
          %get3A_546 = arith.index_cast %add3A_543 : i32 to index
          %get3A_547 = arith.constant 16 : index
          %get3A_548 = tpu.vector_load %arg7[%get3A_545, %get3A_546, %get3A_547] {strides = array<i32>} : memref<4x200x64xf32, #tpu.memory_space<vmem>>, vector<16xf32>,
          %max3A_549 = arith.maximumf %max3A_539, %get3A_548 : vector<16xf32>
          %mul3A_550 = arith.constant 8 : i32
          %mul3A_551 = arith.muli %scan3A_406, %mul3A_550 : i32
          %add3A_552 = arith.constant 6 : i32
          %add3A_553 = arith.addi %mul3A_551, %add3A_552 : i32
          %get3A_554 = arith.constant 0 : i32
          %get3A_555 = arith.index_cast %get3A_554 : i32 to index
          %get3A_556 = arith.index_cast %add3A_553 : i32 to index
          %get3A_557 = arith.constant 16 : index
          %get3A_558 = tpu.vector_load %arg7[%get3A_555, %get3A_556, %get3A_557] {strides = array<i32>} : memref<4x200x64xf32, #tpu.memory_space<vmem>>, vector<16xf32>,
          %max3A_559 = arith.maximumf %max3A_549, %get3A_558 : vector<16xf32>
          %mul3A_560 = arith.constant 8 : i32
          %mul3A_561 = arith.muli %scan3A_406, %mul3A_560 : i32
          %add3A_562 = arith.constant 7 : i32
          %add3A_563 = arith.addi %mul3A_561, %add3A_562 : i32
          %get3A_564 = arith.constant 0 : i32
          %get3A_565 = arith.index_cast %get3A_564 : i32 to index
          %get3A_566 = arith.index_cast %add3A_563 : i32 to index
          %get3A_567 = arith.constant 16 : index
          %get3A_568 = tpu.vector_load %arg7[%get3A_565, %get3A_566, %get3A_567] {strides = array<i32>} : memref<4x200x64xf32, #tpu.memory_space<vmem>>, vector<16xf32>,
          %max3A_569 = arith.maximumf %max3A_559, %get3A_568 : vector<16xf32>
          %mul3A_570 = arith.constant 8 : i32
          %mul3A_571 = arith.muli %scan3A_406, %mul3A_570 : i32
          %add3A_572 = arith.constant 0 : i32
          %add3A_573 = arith.addi %mul3A_571, %add3A_572 : i32
          %get3A_574 = arith.constant 0 : i32
          %get3A_575 = arith.index_cast %get3A_574 : i32 to index
          %get3A_576 = arith.index_cast %add3A_573 : i32 to index
          %get3A_577 = arith.constant 32 : index
          %get3A_578 = tpu.vector_load %arg7[%get3A_575, %get3A_576, %get3A_577] {strides = array<i32>} : memref<4x200x64xf32, #tpu.memory_space<vmem>>, vector<16xf32>,
          %max3A_579 = arith.maximumf %scan3A_409, %get3A_578 : vector<16xf32>
          %mul3A_580 = arith.constant 8 : i32
          %mul3A_581 = arith.muli %scan3A_406, %mul3A_580 : i32
          %add3A_582 = arith.constant 1 : i32
          %add3A_583 = arith.addi %mul3A_581, %add3A_582 : i32
          %get3A_584 = arith.constant 0 : i32
          %get3A_585 = arith.index_cast %get3A_584 : i32 to index
          %get3A_586 = arith.index_cast %add3A_583 : i32 to index
          %get3A_587 = arith.constant 32 : index
          %get3A_588 = tpu.vector_load %arg7[%get3A_585, %get3A_586, %get3A_587] {strides = array<i32>} : memref<4x200x64xf32, #tpu.memory_space<vmem>>, vector<16xf32>,
          %max3A_589 = arith.maximumf %max3A_579, %get3A_588 : vector<16xf32>
          %mul3A_590 = arith.constant 8 : i32
          %mul3A_591 = arith.muli %scan3A_406, %mul3A_590 : i32
          %add3A_592 = arith.constant 2 : i32
          %add3A_593 = arith.addi %mul3A_591, %add3A_592 : i32
          %get3A_594 = arith.constant 0 : i32
          %get3A_595 = arith.index_cast %get3A_594 : i32 to index
          %get3A_596 = arith.index_cast %add3A_593 : i32 to index
          %get3A_597 = arith.constant 32 : index
          %get3A_598 = tpu.vector_load %arg7[%get3A_595, %get3A_596, %get3A_597] {strides = array<i32>} : memref<4x200x64xf32, #tpu.memory_space<vmem>>, vector<16xf32>,
          %max3A_599 = arith.maximumf %max3A_589, %get3A_598 : vector<16xf32>
          %mul3A_600 = arith.constant 8 : i32
          %mul3A_601 = arith.muli %scan3A_406, %mul3A_600 : i32
          %add3A_602 = arith.constant 3 : i32
          %add3A_603 = arith.addi %mul3A_601, %add3A_602 : i32
          %get3A_604 = arith.constant 0 : i32
          %get3A_605 = arith.index_cast %get3A_604 : i32 to index
          %get3A_606 = arith.index_cast %add3A_603 : i32 to index
          %get3A_607 = arith.constant 32 : index
          %get3A_608 = tpu.vector_load %arg7[%get3A_605, %get3A_606, %get3A_607] {strides = array<i32>} : memref<4x200x64xf32, #tpu.memory_space<vmem>>, vector<16xf32>,
          %max3A_609 = arith.maximumf %max3A_599, %get3A_608 : vector<16xf32>
          %mul3A_610 = arith.constant 8 : i32
          %mul3A_611 = arith.muli %scan3A_406, %mul3A_610 : i32
          %add3A_612 = arith.constant 4 : i32
          %add3A_613 = arith.addi %mul3A_611, %add3A_612 : i32
          %get3A_614 = arith.constant 0 : i32
          %get3A_615 = arith.index_cast %get3A_614 : i32 to index
          %get3A_616 = arith.index_cast %add3A_613 : i32 to index
          %get3A_617 = arith.constant 32 : index
          %get3A_618 = tpu.vector_load %arg7[%get3A_615, %get3A_616, %get3A_617] {strides = array<i32>} : memref<4x200x64xf32, #tpu.memory_space<vmem>>, vector<16xf32>,
          %max3A_619 = arith.maximumf %max3A_609, %get3A_618 : vector<16xf32>
          %mul3A_620 = arith.constant 8 : i32
          %mul3A_621 = arith.muli %scan3A_406, %mul3A_620 : i32
          %add3A_622 = arith.constant 5 : i32
          %add3A_623 = arith.addi %mul3A_621, %add3A_622 : i32
          %get3A_624 = arith.constant 0 : i32
          %get3A_625 = arith.index_cast %get3A_624 : i32 to index
          %get3A_626 = arith.index_cast %add3A_623 : i32 to index
          %get3A_627 = arith.constant 32 : index
          %get3A_628 = tpu.vector_load %arg7[%get3A_625, %get3A_626, %get3A_627] {strides = array<i32>} : memref<4x200x64xf32, #tpu.memory_space<vmem>>, vector<16xf32>,
          %max3A_629 = arith.maximumf %max3A_619, %get3A_628 : vector<16xf32>
          %mul3A_630 = arith.constant 8 : i32
          %mul3A_631 = arith.muli %scan3A_406, %mul3A_630 : i32
          %add3A_632 = arith.constant 6 : i32
          %add3A_633 = arith.addi %mul3A_631, %add3A_632 : i32
          %get3A_634 = arith.constant 0 : i32
          %get3A_635 = arith.index_cast %get3A_634 : i32 to index
          %get3A_636 = arith.index_cast %add3A_633 : i32 to index
          %get3A_637 = arith.constant 32 : index
          %get3A_638 = tpu.vector_load %arg7[%get3A_635, %get3A_636, %get3A_637] {strides = array<i32>} : memref<4x200x64xf32, #tpu.memory_space<vmem>>, vector<16xf32>,
          %max3A_639 = arith.maximumf %max3A_629, %get3A_638 : vector<16xf32>
          %mul3A_640 = arith.constant 8 : i32
          %mul3A_641 = arith.muli %scan3A_406, %mul3A_640 : i32
          %add3A_642 = arith.constant 7 : i32
          %add3A_643 = arith.addi %mul3A_641, %add3A_642 : i32
          %get3A_644 = arith.constant 0 : i32
          %get3A_645 = arith.index_cast %get3A_644 : i32 to index
          %get3A_646 = arith.index_cast %add3A_643 : i32 to index
          %get3A_647 = arith.constant 32 : index
          %get3A_648 = tpu.vector_load %arg7[%get3A_645, %get3A_646, %get3A_647] {strides = array<i32>} : memref<4x200x64xf32, #tpu.memory_space<vmem>>, vector<16xf32>,
          %max3A_649 = arith.maximumf %max3A_639, %get3A_648 : vector<16xf32>
          %mul3A_650 = arith.constant 8 : i32
          %mul3A_651 = arith.muli %scan3A_406, %mul3A_650 : i32
          %add3A_652 = arith.constant 0 : i32
          %add3A_653 = arith.addi %mul3A_651, %add3A_652 : i32
          %get3A_654 = arith.constant 0 : i32
          %get3A_655 = arith.index_cast %get3A_654 : i32 to index
          %get3A_656 = arith.index_cast %add3A_653 : i32 to index
          %get3A_657 = arith.constant 48 : index
          %get3A_658 = tpu.vector_load %arg7[%get3A_655, %get3A_656, %get3A_657] {strides = array<i32>} : memref<4x200x64xf32, #tpu.memory_space<vmem>>, vector<16xf32>,
          %max3A_659 = arith.maximumf %scan3A_410, %get3A_658 : vector<16xf32>
          %mul3A_660 = arith.constant 8 : i32
          %mul3A_661 = arith.muli %scan3A_406, %mul3A_660 : i32
          %add3A_662 = arith.constant 1 : i32
          %add3A_663 = arith.addi %mul3A_661, %add3A_662 : i32
          %get3A_664 = arith.constant 0 : i32
          %get3A_665 = arith.index_cast %get3A_664 : i32 to index
          %get3A_666 = arith.index_cast %add3A_663 : i32 to index
          %get3A_667 = arith.constant 48 : index
          %get3A_668 = tpu.vector_load %arg7[%get3A_665, %get3A_666, %get3A_667] {strides = array<i32>} : memref<4x200x64xf32, #tpu.memory_space<vmem>>, vector<16xf32>,
          %max3A_669 = arith.maximumf %max3A_659, %get3A_668 : vector<16xf32>
          %mul3A_670 = arith.constant 8 : i32
          %mul3A_671 = arith.muli %scan3A_406, %mul3A_670 : i32
          %add3A_672 = arith.constant 2 : i32
          %add3A_673 = arith.addi %mul3A_671, %add3A_672 : i32
          %get3A_674 = arith.constant 0 : i32
          %get3A_675 = arith.index_cast %get3A_674 : i32 to index
          %get3A_676 = arith.index_cast %add3A_673 : i32 to index
          %get3A_677 = arith.constant 48 : index
          %get3A_678 = tpu.vector_load %arg7[%get3A_675, %get3A_676, %get3A_677] {strides = array<i32>} : memref<4x200x64xf32, #tpu.memory_space<vmem>>, vector<16xf32>,
          %max3A_679 = arith.maximumf %max3A_669, %get3A_678 : vector<16xf32>
          %mul3A_680 = arith.constant 8 : i32
          %mul3A_681 = arith.muli %scan3A_406, %mul3A_680 : i32
          %add3A_682 = arith.constant 3 : i32
          %add3A_683 = arith.addi %mul3A_681, %add3A_682 : i32
          %get3A_684 = arith.constant 0 : i32
          %get3A_685 = arith.index_cast %get3A_684 : i32 to index
          %get3A_686 = arith.index_cast %add3A_683 : i32 to index
          %get3A_687 = arith.constant 48 : index
          %get3A_688 = tpu.vector_load %arg7[%get3A_685, %get3A_686, %get3A_687] {strides = array<i32>} : memref<4x200x64xf32, #tpu.memory_space<vmem>>, vector<16xf32>,
          %max3A_689 = arith.maximumf %max3A_679, %get3A_688 : vector<16xf32>
          %mul3A_690 = arith.constant 8 : i32
          %mul3A_691 = arith.muli %scan3A_406, %mul3A_690 : i32
          %add3A_692 = arith.constant 4 : i32
          %add3A_693 = arith.addi %mul3A_691, %add3A_692 : i32
          %get3A_694 = arith.constant 0 : i32
          %get3A_695 = arith.index_cast %get3A_694 : i32 to index
          %get3A_696 = arith.index_cast %add3A_693 : i32 to index
          %get3A_697 = arith.constant 48 : index
          %get3A_698 = tpu.vector_load %arg7[%get3A_695, %get3A_696, %get3A_697] {strides = array<i32>} : memref<4x200x64xf32, #tpu.memory_space<vmem>>, vector<16xf32>,
          %max3A_699 = arith.maximumf %max3A_689, %get3A_698 : vector<16xf32>
          %mul3A_700 = arith.constant 8 : i32
          %mul3A_701 = arith.muli %scan3A_406, %mul3A_700 : i32
          %add3A_702 = arith.constant 5 : i32
          %add3A_703 = arith.addi %mul3A_701, %add3A_702 : i32
          %get3A_704 = arith.constant 0 : i32
          %get3A_705 = arith.index_cast %get3A_704 : i32 to index
          %get3A_706 = arith.index_cast %add3A_703 : i32 to index
          %get3A_707 = arith.constant 48 : index
          %get3A_708 = tpu.vector_load %arg7[%get3A_705, %get3A_706, %get3A_707] {strides = array<i32>} : memref<4x200x64xf32, #tpu.memory_space<vmem>>, vector<16xf32>,
          %max3A_709 = arith.maximumf %max3A_699, %get3A_708 : vector<16xf32>
          %mul3A_710 = arith.constant 8 : i32
          %mul3A_711 = arith.muli %scan3A_406, %mul3A_710 : i32
          %add3A_712 = arith.constant 6 : i32
          %add3A_713 = arith.addi %mul3A_711, %add3A_712 : i32
          %get3A_714 = arith.constant 0 : i32
          %get3A_715 = arith.index_cast %get3A_714 : i32 to index
          %get3A_716 = arith.index_cast %add3A_713 : i32 to index
          %get3A_717 = arith.constant 48 : index
          %get3A_718 = tpu.vector_load %arg7[%get3A_715, %get3A_716, %get3A_717] {strides = array<i32>} : memref<4x200x64xf32, #tpu.memory_space<vmem>>, vector<16xf32>,
          %max3A_719 = arith.maximumf %max3A_709, %get3A_718 : vector<16xf32>
          %mul3A_720 = arith.constant 8 : i32
          %mul3A_721 = arith.muli %scan3A_406, %mul3A_720 : i32
          %add3A_722 = arith.constant 7 : i32
          %add3A_723 = arith.addi %mul3A_721, %add3A_722 : i32
          %get3A_724 = arith.constant 0 : i32
          %get3A_725 = arith.index_cast %get3A_724 : i32 to index
          %get3A_726 = arith.index_cast %add3A_723 : i32 to index
          %get3A_727 = arith.constant 48 : index
          %get3A_728 = tpu.vector_load %arg7[%get3A_725, %get3A_726, %get3A_727] {strides = array<i32>} : memref<4x200x64xf32, #tpu.memory_space<vmem>>, vector<16xf32>,
          %max3A_729 = arith.maximumf %max3A_719, %get3A_728 : vector<16xf32>
          scf.yield %max3A_489, %max3A_569, %max3A_649, %max3A_729 : vector<16xf32>, vector<16xf32>, vector<16xf32>, vector<16xf32>
        }
        %scan3A_161 = arith.constant 25 : i32
        %swap3A = arith.index_cast %add3A_107 : i32 to index
        %swap3A_162 = arith.constant 0 : index
        %swap3A_163 = tpu.vector_load %arg8[%swap3A, %swap3A_162] {strides = array<i32>} : memref<128x64xf32, #tpu.memory_space<vmem>>, vector<16xf32>,
        tpu.vector_store %arg8[%swap3A, %swap3A_162], %scan3A_160#0 {strides = array<i32>} : memref<128x64xf32, #tpu.memory_space<vmem>>, vector<16xf32>,
        %swap3A_164 = arith.index_cast %add3A_107 : i32 to index
        %swap3A_165 = arith.constant 16 : index
        %swap3A_166 = tpu.vector_load %arg8[%swap3A_164, %swap3A_165] {strides = array<i32>} : memref<128x64xf32, #tpu.memory_space<vmem>>, vector<16xf32>,
        tpu.vector_store %arg8[%swap3A_164, %swap3A_165], %scan3A_160#1 {strides = array<i32>} : memref<128x64xf32, #tpu.memory_space<vmem>>, vector<16xf32>,
        %swap3A_167 = arith.index_cast %add3A_107 : i32 to index
        %swap3A_168 = arith.constant 32 : index
        %swap3A_169 = tpu.vector_load %arg8[%swap3A_167, %swap3A_168] {strides = array<i32>} : memref<128x64xf32, #tpu.memory_space<vmem>>, vector<16xf32>,
        tpu.vector_store %arg8[%swap3A_167, %swap3A_168], %scan3A_160#2 {strides = array<i32>} : memref<128x64xf32, #tpu.memory_space<vmem>>, vector<16xf32>,
        %swap3A_170 = arith.index_cast %add3A_107 : i32 to index
        %swap3A_171 = arith.constant 48 : index
        %swap3A_172 = tpu.vector_load %arg8[%swap3A_170, %swap3A_171] {strides = array<i32>} : memref<128x64xf32, #tpu.memory_space<vmem>>, vector<16xf32>,
        tpu.vector_store %arg8[%swap3A_170, %swap3A_171], %scan3A_160#3 {strides = array<i32>} : memref<128x64xf32, #tpu.memory_space<vmem>>, vector<16xf32>,
        %lt3A = arith.constant 31 : i32
        %lt3A_173 = arith.cmpi slt, %scan3A_103, %lt3A : i32
        %convert_element_type3A = arith.extui %lt3A_173 : i1 to i32
        %cond3A = arith.constant 0 : i32
        %cond3A_174 = arith.cmpi ne, %convert_element_type3A, %cond3A : i32
        scf.if %cond3A_174 {
          %add3A_406 = arith.constant 4 : i32
          %add3A_407 = arith.addi %add3A_107, %add3A_406 : i32
          %mul3A_408 = arith.constant 200 : i32
          %mul3A_409 = arith.muli %add3A_407, %mul3A_408 : i32
          %add3A_410 = arith.constant 0 : i32
          %add3A_411 = arith.addi %mul3A_409, %add3A_410 : i32
          %dma_start3A_412 = arith.constant 0 : i32
          %dma_start3A_413 = arith.constant 0 : i32
          %dma_start3A_414 = arith.constant 0 : i32
          %dma_start3A_415 = tpu.memref_slice %arg7[%dma_start3A_412, %dma_start3A_413, %dma_start3A_414] : memref<4x200x64xf32, #tpu.memory_space<vmem>> -> memref<1x128x64xf32, #tpu.memory_space<vmem>>
          %dma_start3A_416 = tpu.memref_squeeze %dma_start3A_415 : memref<1x128x64xf32, #tpu.memory_space<vmem>> -> memref<128x64xf32, #tpu.memory_space<vmem>>
          %dma_start3A_417 = tpu.memref_slice %arg6[%add3A_411] : memref<25600xi32, #tpu.memory_space<vmem>> -> memref<128xi32, #tpu.memory_space<vmem>>
          %dma_start3A_418 = arith.constant 0 : i32
          %dma_start3A_419 = arith.constant 0 : i32
          %dma_start3A_420 = tpu.memref_slice %arg3[%dma_start3A_418, %dma_start3A_419] : memref<2000000x64xf32, #tpu.memory_space<hbm>> -> memref<2000000x64xf32, #tpu.memory_space<hbm>>
          tpu.enqueue_indirect_dma source(%dma_start3A_420 : memref<2000000x64xf32, #tpu.memory_space<hbm>>) target(%dma_start3A_416 : memref<128x64xf32, #tpu.memory_space<vmem>>) offsets(%dma_start3A_417 : memref<128xi32, #tpu.memory_space<vmem>>) semaphore(%arg9 : memref<!tpu.dma_semaphore, #tpu.memory_space<semaphore_mem>>)
          %mul3A_421 = arith.constant 200 : i32
          %mul3A_422 = arith.muli %add3A_407, %mul3A_421 : i32
          %add3A_423 = arith.constant 128 : i32
          %add3A_424 = arith.addi %mul3A_422, %add3A_423 : i32
          %dma_start3A_425 = arith.constant 0 : i32
          %dma_start3A_426 = arith.constant 128 : i32
          %dma_start3A_427 = arith.constant 0 : i32
          %dma_start3A_428 = tpu.memref_slice %arg7[%dma_start3A_425, %dma_start3A_426, %dma_start3A_427] : memref<4x200x64xf32, #tpu.memory_space<vmem>> -> memref<1x72x64xf32, #tpu.memory_space<vmem>>
          %dma_start3A_429 = tpu.memref_squeeze %dma_start3A_428 : memref<1x72x64xf32, #tpu.memory_space<vmem>> -> memref<72x64xf32, #tpu.memory_space<vmem>>
          %dma_start3A_430 = tpu.memref_slice %arg6[%add3A_424] : memref<25600xi32, #tpu.memory_space<vmem>> -> memref<72xi32, #tpu.memory_space<vmem>>
          %dma_start3A_431 = arith.constant 0 : i32
          %dma_start3A_432 = arith.constant 0 : i32
          %dma_start3A_433 = tpu.memref_slice %arg3[%dma_start3A_431, %dma_start3A_432] : memref<2000000x64xf32, #tpu.memory_space<hbm>> -> memref<2000000x64xf32, #tpu.memory_space<hbm>>
          tpu.enqueue_indirect_dma source(%dma_start3A_433 : memref<2000000x64xf32, #tpu.memory_space<hbm>>) target(%dma_start3A_429 : memref<72x64xf32, #tpu.memory_space<vmem>>) offsets(%dma_start3A_430 : memref<72xi32, #tpu.memory_space<vmem>>) semaphore(%arg9 : memref<!tpu.dma_semaphore, #tpu.memory_space<semaphore_mem>>)
        } else {
        }
        %mul3A_175 = arith.constant 4 : i32
        %mul3A_176 = arith.muli %scan3A_103, %mul3A_175 : i32
        %add3A_177 = arith.constant 1 : i32
        %add3A_178 = arith.addi %mul3A_176, %add3A_177 : i32
        %mul3A_179 = arith.constant 200 : i32
        %mul3A_180 = arith.muli %add3A_178, %mul3A_179 : i32
        %add3A_181 = arith.constant 0 : i32
        %add3A_182 = arith.addi %mul3A_180, %add3A_181 : i32
        %mul3A_183 = arith.constant 200 : i32
        %mul3A_184 = arith.muli %add3A_178, %mul3A_183 : i32
        %add3A_185 = arith.constant 128 : i32
        %add3A_186 = arith.addi %mul3A_184, %add3A_185 : i32
        %dma_wait3A_187 = arith.constant 1 : i32
        %dma_wait3A_188 = arith.constant 0 : i32
        %dma_wait3A_189 = arith.constant 0 : i32
        %dma_wait3A_190 = tpu.memref_slice %arg7[%dma_wait3A_187, %dma_wait3A_188, %dma_wait3A_189] : memref<4x200x64xf32, #tpu.memory_space<vmem>> -> memref<1x128x64xf32, #tpu.memory_space<vmem>>
        %dma_wait3A_191 = tpu.memref_squeeze %dma_wait3A_190 : memref<1x128x64xf32, #tpu.memory_space<vmem>> -> memref<128x64xf32, #tpu.memory_space<vmem>>
        %dma_wait3A_192 = tpu.memref_slice %arg6[%add3A_182] : memref<25600xi32, #tpu.memory_space<vmem>> -> memref<128xi32, #tpu.memory_space<vmem>>
        %dma_wait3A_193 = arith.constant 0 : i32
        %dma_wait3A_194 = arith.constant 0 : i32
        %dma_wait3A_195 = tpu.memref_slice %arg3[%dma_wait3A_193, %dma_wait3A_194] : memref<2000000x64xf32, #tpu.memory_space<hbm>> -> memref<2000000x64xf32, #tpu.memory_space<hbm>>
        tpu.wait_indirect_dma semaphore(%arg10 : memref<!tpu.dma_semaphore, #tpu.memory_space<semaphore_mem>>) src(%dma_wait3A_195 : memref<2000000x64xf32, #tpu.memory_space<hbm>>) dst(%dma_wait3A_191 : memref<128x64xf32, #tpu.memory_space<vmem>>)
        %dma_wait3A_196 = arith.constant 1 : i32
        %dma_wait3A_197 = arith.constant 128 : i32
        %dma_wait3A_198 = arith.constant 0 : i32
        %dma_wait3A_199 = tpu.memref_slice %arg7[%dma_wait3A_196, %dma_wait3A_197, %dma_wait3A_198] : memref<4x200x64xf32, #tpu.memory_space<vmem>> -> memref<1x72x64xf32, #tpu.memory_space<vmem>>
        %dma_wait3A_200 = tpu.memref_squeeze %dma_wait3A_199 : memref<1x72x64xf32, #tpu.memory_space<vmem>> -> memref<72x64xf32, #tpu.memory_space<vmem>>
        %dma_wait3A_201 = tpu.memref_slice %arg6[%add3A_186] : memref<25600xi32, #tpu.memory_space<vmem>> -> memref<72xi32, #tpu.memory_space<vmem>>
        %dma_wait3A_202 = arith.constant 0 : i32
        %dma_wait3A_203 = arith.constant 0 : i32
        %dma_wait3A_204 = tpu.memref_slice %arg3[%dma_wait3A_202, %dma_wait3A_203] : memref<2000000x64xf32, #tpu.memory_space<hbm>> -> memref<2000000x64xf32, #tpu.memory_space<hbm>>
        tpu.wait_indirect_dma semaphore(%arg10 : memref<!tpu.dma_semaphore, #tpu.memory_space<semaphore_mem>>) src(%dma_wait3A_204 : memref<2000000x64xf32, #tpu.memory_space<hbm>>) dst(%dma_wait3A_200 : memref<72x64xf32, #tpu.memory_space<vmem>>)
        %get3A_205 = arith.constant 1 : i32
        %get3A_206 = arith.constant 0 : i32
        %get3A_207 = arith.index_cast %get3A_205 : i32 to index
        %get3A_208 = arith.index_cast %get3A_206 : i32 to index
        %get3A_209 = arith.constant 0 : index
        %get3A_210 = tpu.vector_load %arg7[%get3A_207, %get3A_208, %get3A_209] {strides = array<i32>} : memref<4x200x64xf32, #tpu.memory_space<vmem>>, vector<16xf32>,
        %get3A_211 = arith.constant 1 : i32
        %get3A_212 = arith.constant 0 : i32
        %get3A_213 = arith.index_cast %get3A_211 : i32 to index
        %get3A_214 = arith.index_cast %get3A_212 : i32 to index
        %get3A_215 = arith.constant 16 : index
        %get3A_216 = tpu.vector_load %arg7[%get3A_213, %get3A_214, %get3A_215] {strides = array<i32>} : memref<4x200x64xf32, #tpu.memory_space<vmem>>, vector<16xf32>,
        %get3A_217 = arith.constant 1 : i32
        %get3A_218 = arith.constant 0 : i32
        %get3A_219 = arith.index_cast %get3A_217 : i32 to index
        %get3A_220 = arith.index_cast %get3A_218 : i32 to index
        %get3A_221 = arith.constant 32 : index
        %get3A_222 = tpu.vector_load %arg7[%get3A_219, %get3A_220, %get3A_221] {strides = array<i32>} : memref<4x200x64xf32, #tpu.memory_space<vmem>>, vector<16xf32>,
        %get3A_223 = arith.constant 1 : i32
        %get3A_224 = arith.constant 0 : i32
        %get3A_225 = arith.index_cast %get3A_223 : i32 to index
        %get3A_226 = arith.index_cast %get3A_224 : i32 to index
        %get3A_227 = arith.constant 48 : index
        %get3A_228 = tpu.vector_load %arg7[%get3A_225, %get3A_226, %get3A_227] {strides = array<i32>} : memref<4x200x64xf32, #tpu.memory_space<vmem>>, vector<16xf32>,
        %scan3A_229 = arith.constant 0 : i32
        %scan3A_230 = arith.constant 25 : i32
        %scan3A_231 = arith.addi %scan3A_229, %scan3A_230 : i32
        %scan3A_232 = arith.constant 1 : i32
        %scan3A_233:4 = scf.for %scan3A_406 = %scan3A_229 to %scan3A_231 step %scan3A_232 iter_args(%scan3A_407 = %get3A_210, %scan3A_408 = %get3A_216, %scan3A_409 = %get3A_222, %scan3A_410 = %get3A_228) -> (vector<16xf32>, vector<16xf32>, vector<16xf32>, vector<16xf32>)  : i32 {
          %mul3A_411 = arith.constant 8 : i32
          %mul3A_412 = arith.muli %scan3A_406, %mul3A_411 : i32
          %add3A_413 = arith.constant 0 : i32
          %add3A_414 = arith.addi %mul3A_412, %add3A_413 : i32
          %get3A_415 = arith.constant 1 : i32
          %get3A_416 = arith.index_cast %get3A_415 : i32 to index
          %get3A_417 = arith.index_cast %add3A_414 : i32 to index
          %get3A_418 = arith.constant 0 : index
          %get3A_419 = tpu.vector_load %arg7[%get3A_416, %get3A_417, %get3A_418] {strides = array<i32>} : memref<4x200x64xf32, #tpu.memory_space<vmem>>, vector<16xf32>,
          %max3A = arith.maximumf %scan3A_407, %get3A_419 : vector<16xf32>
          %mul3A_420 = arith.constant 8 : i32
          %mul3A_421 = arith.muli %scan3A_406, %mul3A_420 : i32
          %add3A_422 = arith.constant 1 : i32
          %add3A_423 = arith.addi %mul3A_421, %add3A_422 : i32
          %get3A_424 = arith.constant 1 : i32
          %get3A_425 = arith.index_cast %get3A_424 : i32 to index
          %get3A_426 = arith.index_cast %add3A_423 : i32 to index
          %get3A_427 = arith.constant 0 : index
          %get3A_428 = tpu.vector_load %arg7[%get3A_425, %get3A_426, %get3A_427] {strides = array<i32>} : memref<4x200x64xf32, #tpu.memory_space<vmem>>, vector<16xf32>,
          %max3A_429 = arith.maximumf %max3A, %get3A_428 : vector<16xf32>
          %mul3A_430 = arith.constant 8 : i32
          %mul3A_431 = arith.muli %scan3A_406, %mul3A_430 : i32
          %add3A_432 = arith.constant 2 : i32
          %add3A_433 = arith.addi %mul3A_431, %add3A_432 : i32
          %get3A_434 = arith.constant 1 : i32
          %get3A_435 = arith.index_cast %get3A_434 : i32 to index
          %get3A_436 = arith.index_cast %add3A_433 : i32 to index
          %get3A_437 = arith.constant 0 : index
          %get3A_438 = tpu.vector_load %arg7[%get3A_435, %get3A_436, %get3A_437] {strides = array<i32>} : memref<4x200x64xf32, #tpu.memory_space<vmem>>, vector<16xf32>,
          %max3A_439 = arith.maximumf %max3A_429, %get3A_438 : vector<16xf32>
          %mul3A_440 = arith.constant 8 : i32
          %mul3A_441 = arith.muli %scan3A_406, %mul3A_440 : i32
          %add3A_442 = arith.constant 3 : i32
          %add3A_443 = arith.addi %mul3A_441, %add3A_442 : i32
          %get3A_444 = arith.constant 1 : i32
          %get3A_445 = arith.index_cast %get3A_444 : i32 to index
          %get3A_446 = arith.index_cast %add3A_443 : i32 to index
          %get3A_447 = arith.constant 0 : index
          %get3A_448 = tpu.vector_load %arg7[%get3A_445, %get3A_446, %get3A_447] {strides = array<i32>} : memref<4x200x64xf32, #tpu.memory_space<vmem>>, vector<16xf32>,
          %max3A_449 = arith.maximumf %max3A_439, %get3A_448 : vector<16xf32>
          %mul3A_450 = arith.constant 8 : i32
          %mul3A_451 = arith.muli %scan3A_406, %mul3A_450 : i32
          %add3A_452 = arith.constant 4 : i32
          %add3A_453 = arith.addi %mul3A_451, %add3A_452 : i32
          %get3A_454 = arith.constant 1 : i32
          %get3A_455 = arith.index_cast %get3A_454 : i32 to index
          %get3A_456 = arith.index_cast %add3A_453 : i32 to index
          %get3A_457 = arith.constant 0 : index
          %get3A_458 = tpu.vector_load %arg7[%get3A_455, %get3A_456, %get3A_457] {strides = array<i32>} : memref<4x200x64xf32, #tpu.memory_space<vmem>>, vector<16xf32>,
          %max3A_459 = arith.maximumf %max3A_449, %get3A_458 : vector<16xf32>
          %mul3A_460 = arith.constant 8 : i32
          %mul3A_461 = arith.muli %scan3A_406, %mul3A_460 : i32
          %add3A_462 = arith.constant 5 : i32
          %add3A_463 = arith.addi %mul3A_461, %add3A_462 : i32
          %get3A_464 = arith.constant 1 : i32
          %get3A_465 = arith.index_cast %get3A_464 : i32 to index
          %get3A_466 = arith.index_cast %add3A_463 : i32 to index
          %get3A_467 = arith.constant 0 : index
          %get3A_468 = tpu.vector_load %arg7[%get3A_465, %get3A_466, %get3A_467] {strides = array<i32>} : memref<4x200x64xf32, #tpu.memory_space<vmem>>, vector<16xf32>,
          %max3A_469 = arith.maximumf %max3A_459, %get3A_468 : vector<16xf32>
          %mul3A_470 = arith.constant 8 : i32
          %mul3A_471 = arith.muli %scan3A_406, %mul3A_470 : i32
          %add3A_472 = arith.constant 6 : i32
          %add3A_473 = arith.addi %mul3A_471, %add3A_472 : i32
          %get3A_474 = arith.constant 1 : i32
          %get3A_475 = arith.index_cast %get3A_474 : i32 to index
          %get3A_476 = arith.index_cast %add3A_473 : i32 to index
          %get3A_477 = arith.constant 0 : index
          %get3A_478 = tpu.vector_load %arg7[%get3A_475, %get3A_476, %get3A_477] {strides = array<i32>} : memref<4x200x64xf32, #tpu.memory_space<vmem>>, vector<16xf32>,
          %max3A_479 = arith.maximumf %max3A_469, %get3A_478 : vector<16xf32>
          %mul3A_480 = arith.constant 8 : i32
          %mul3A_481 = arith.muli %scan3A_406, %mul3A_480 : i32
          %add3A_482 = arith.constant 7 : i32
          %add3A_483 = arith.addi %mul3A_481, %add3A_482 : i32
          %get3A_484 = arith.constant 1 : i32
          %get3A_485 = arith.index_cast %get3A_484 : i32 to index
          %get3A_486 = arith.index_cast %add3A_483 : i32 to index
          %get3A_487 = arith.constant 0 : index
          %get3A_488 = tpu.vector_load %arg7[%get3A_485, %get3A_486, %get3A_487] {strides = array<i32>} : memref<4x200x64xf32, #tpu.memory_space<vmem>>, vector<16xf32>,
          %max3A_489 = arith.maximumf %max3A_479, %get3A_488 : vector<16xf32>
          %mul3A_490 = arith.constant 8 : i32
          %mul3A_491 = arith.muli %scan3A_406, %mul3A_490 : i32
          %add3A_492 = arith.constant 0 : i32
          %add3A_493 = arith.addi %mul3A_491, %add3A_492 : i32
          %get3A_494 = arith.constant 1 : i32
          %get3A_495 = arith.index_cast %get3A_494 : i32 to index
          %get3A_496 = arith.index_cast %add3A_493 : i32 to index
          %get3A_497 = arith.constant 16 : index
          %get3A_498 = tpu.vector_load %arg7[%get3A_495, %get3A_496, %get3A_497] {strides = array<i32>} : memref<4x200x64xf32, #tpu.memory_space<vmem>>, vector<16xf32>,
          %max3A_499 = arith.maximumf %scan3A_408, %get3A_498 : vector<16xf32>
          %mul3A_500 = arith.constant 8 : i32
          %mul3A_501 = arith.muli %scan3A_406, %mul3A_500 : i32
          %add3A_502 = arith.constant 1 : i32
          %add3A_503 = arith.addi %mul3A_501, %add3A_502 : i32
          %get3A_504 = arith.constant 1 : i32
          %get3A_505 = arith.index_cast %get3A_504 : i32 to index
          %get3A_506 = arith.index_cast %add3A_503 : i32 to index
          %get3A_507 = arith.constant 16 : index
          %get3A_508 = tpu.vector_load %arg7[%get3A_505, %get3A_506, %get3A_507] {strides = array<i32>} : memref<4x200x64xf32, #tpu.memory_space<vmem>>, vector<16xf32>,
          %max3A_509 = arith.maximumf %max3A_499, %get3A_508 : vector<16xf32>
          %mul3A_510 = arith.constant 8 : i32
          %mul3A_511 = arith.muli %scan3A_406, %mul3A_510 : i32
          %add3A_512 = arith.constant 2 : i32
          %add3A_513 = arith.addi %mul3A_511, %add3A_512 : i32
          %get3A_514 = arith.constant 1 : i32
          %get3A_515 = arith.index_cast %get3A_514 : i32 to index
          %get3A_516 = arith.index_cast %add3A_513 : i32 to index
          %get3A_517 = arith.constant 16 : index
          %get3A_518 = tpu.vector_load %arg7[%get3A_515, %get3A_516, %get3A_517] {strides = array<i32>} : memref<4x200x64xf32, #tpu.memory_space<vmem>>, vector<16xf32>,
          %max3A_519 = arith.maximumf %max3A_509, %get3A_518 : vector<16xf32>
          %mul3A_520 = arith.constant 8 : i32
          %mul3A_521 = arith.muli %scan3A_406, %mul3A_520 : i32
          %add3A_522 = arith.constant 3 : i32
          %add3A_523 = arith.addi %mul3A_521, %add3A_522 : i32
          %get3A_524 = arith.constant 1 : i32
          %get3A_525 = arith.index_cast %get3A_524 : i32 to index
          %get3A_526 = arith.index_cast %add3A_523 : i32 to index
          %get3A_527 = arith.constant 16 : index
          %get3A_528 = tpu.vector_load %arg7[%get3A_525, %get3A_526, %get3A_527] {strides = array<i32>} : memref<4x200x64xf32, #tpu.memory_space<vmem>>, vector<16xf32>,
          %max3A_529 = arith.maximumf %max3A_519, %get3A_528 : vector<16xf32>
          %mul3A_530 = arith.constant 8 : i32
          %mul3A_531 = arith.muli %scan3A_406, %mul3A_530 : i32
          %add3A_532 = arith.constant 4 : i32
          %add3A_533 = arith.addi %mul3A_531, %add3A_532 : i32
          %get3A_534 = arith.constant 1 : i32
          %get3A_535 = arith.index_cast %get3A_534 : i32 to index
          %get3A_536 = arith.index_cast %add3A_533 : i32 to index
          %get3A_537 = arith.constant 16 : index
          %get3A_538 = tpu.vector_load %arg7[%get3A_535, %get3A_536, %get3A_537] {strides = array<i32>} : memref<4x200x64xf32, #tpu.memory_space<vmem>>, vector<16xf32>,
          %max3A_539 = arith.maximumf %max3A_529, %get3A_538 : vector<16xf32>
          %mul3A_540 = arith.constant 8 : i32
          %mul3A_541 = arith.muli %scan3A_406, %mul3A_540 : i32
          %add3A_542 = arith.constant 5 : i32
          %add3A_543 = arith.addi %mul3A_541, %add3A_542 : i32
          %get3A_544 = arith.constant 1 : i32
          %get3A_545 = arith.index_cast %get3A_544 : i32 to index
          %get3A_546 = arith.index_cast %add3A_543 : i32 to index
          %get3A_547 = arith.constant 16 : index
          %get3A_548 = tpu.vector_load %arg7[%get3A_545, %get3A_546, %get3A_547] {strides = array<i32>} : memref<4x200x64xf32, #tpu.memory_space<vmem>>, vector<16xf32>,
          %max3A_549 = arith.maximumf %max3A_539, %get3A_548 : vector<16xf32>
          %mul3A_550 = arith.constant 8 : i32
          %mul3A_551 = arith.muli %scan3A_406, %mul3A_550 : i32
          %add3A_552 = arith.constant 6 : i32
          %add3A_553 = arith.addi %mul3A_551, %add3A_552 : i32
          %get3A_554 = arith.constant 1 : i32
          %get3A_555 = arith.index_cast %get3A_554 : i32 to index
          %get3A_556 = arith.index_cast %add3A_553 : i32 to index
          %get3A_557 = arith.constant 16 : index
          %get3A_558 = tpu.vector_load %arg7[%get3A_555, %get3A_556, %get3A_557] {strides = array<i32>} : memref<4x200x64xf32, #tpu.memory_space<vmem>>, vector<16xf32>,
          %max3A_559 = arith.maximumf %max3A_549, %get3A_558 : vector<16xf32>
          %mul3A_560 = arith.constant 8 : i32
          %mul3A_561 = arith.muli %scan3A_406, %mul3A_560 : i32
          %add3A_562 = arith.constant 7 : i32
          %add3A_563 = arith.addi %mul3A_561, %add3A_562 : i32
          %get3A_564 = arith.constant 1 : i32
          %get3A_565 = arith.index_cast %get3A_564 : i32 to index
          %get3A_566 = arith.index_cast %add3A_563 : i32 to index
          %get3A_567 = arith.constant 16 : index
          %get3A_568 = tpu.vector_load %arg7[%get3A_565, %get3A_566, %get3A_567] {strides = array<i32>} : memref<4x200x64xf32, #tpu.memory_space<vmem>>, vector<16xf32>,
          %max3A_569 = arith.maximumf %max3A_559, %get3A_568 : vector<16xf32>
          %mul3A_570 = arith.constant 8 : i32
          %mul3A_571 = arith.muli %scan3A_406, %mul3A_570 : i32
          %add3A_572 = arith.constant 0 : i32
          %add3A_573 = arith.addi %mul3A_571, %add3A_572 : i32
          %get3A_574 = arith.constant 1 : i32
          %get3A_575 = arith.index_cast %get3A_574 : i32 to index
          %get3A_576 = arith.index_cast %add3A_573 : i32 to index
          %get3A_577 = arith.constant 32 : index
          %get3A_578 = tpu.vector_load %arg7[%get3A_575, %get3A_576, %get3A_577] {strides = array<i32>} : memref<4x200x64xf32, #tpu.memory_space<vmem>>, vector<16xf32>,
          %max3A_579 = arith.maximumf %scan3A_409, %get3A_578 : vector<16xf32>
          %mul3A_580 = arith.constant 8 : i32
          %mul3A_581 = arith.muli %scan3A_406, %mul3A_580 : i32
          %add3A_582 = arith.constant 1 : i32
          %add3A_583 = arith.addi %mul3A_581, %add3A_582 : i32
          %get3A_584 = arith.constant 1 : i32
          %get3A_585 = arith.index_cast %get3A_584 : i32 to index
          %get3A_586 = arith.index_cast %add3A_583 : i32 to index
          %get3A_587 = arith.constant 32 : index
          %get3A_588 = tpu.vector_load %arg7[%get3A_585, %get3A_586, %get3A_587] {strides = array<i32>} : memref<4x200x64xf32, #tpu.memory_space<vmem>>, vector<16xf32>,
          %max3A_589 = arith.maximumf %max3A_579, %get3A_588 : vector<16xf32>
          %mul3A_590 = arith.constant 8 : i32
          %mul3A_591 = arith.muli %scan3A_406, %mul3A_590 : i32
          %add3A_592 = arith.constant 2 : i32
          %add3A_593 = arith.addi %mul3A_591, %add3A_592 : i32
          %get3A_594 = arith.constant 1 : i32
          %get3A_595 = arith.index_cast %get3A_594 : i32 to index
          %get3A_596 = arith.index_cast %add3A_593 : i32 to index
          %get3A_597 = arith.constant 32 : index
          %get3A_598 = tpu.vector_load %arg7[%get3A_595, %get3A_596, %get3A_597] {strides = array<i32>} : memref<4x200x64xf32, #tpu.memory_space<vmem>>, vector<16xf32>,
          %max3A_599 = arith.maximumf %max3A_589, %get3A_598 : vector<16xf32>
          %mul3A_600 = arith.constant 8 : i32
          %mul3A_601 = arith.muli %scan3A_406, %mul3A_600 : i32
          %add3A_602 = arith.constant 3 : i32
          %add3A_603 = arith.addi %mul3A_601, %add3A_602 : i32
          %get3A_604 = arith.constant 1 : i32
          %get3A_605 = arith.index_cast %get3A_604 : i32 to index
          %get3A_606 = arith.index_cast %add3A_603 : i32 to index
          %get3A_607 = arith.constant 32 : index
          %get3A_608 = tpu.vector_load %arg7[%get3A_605, %get3A_606, %get3A_607] {strides = array<i32>} : memref<4x200x64xf32, #tpu.memory_space<vmem>>, vector<16xf32>,
          %max3A_609 = arith.maximumf %max3A_599, %get3A_608 : vector<16xf32>
          %mul3A_610 = arith.constant 8 : i32
          %mul3A_611 = arith.muli %scan3A_406, %mul3A_610 : i32
          %add3A_612 = arith.constant 4 : i32
          %add3A_613 = arith.addi %mul3A_611, %add3A_612 : i32
          %get3A_614 = arith.constant 1 : i32
          %get3A_615 = arith.index_cast %get3A_614 : i32 to index
          %get3A_616 = arith.index_cast %add3A_613 : i32 to index
          %get3A_617 = arith.constant 32 : index
          %get3A_618 = tpu.vector_load %arg7[%get3A_615, %get3A_616, %get3A_617] {strides = array<i32>} : memref<4x200x64xf32, #tpu.memory_space<vmem>>, vector<16xf32>,
          %max3A_619 = arith.maximumf %max3A_609, %get3A_618 : vector<16xf32>
          %mul3A_620 = arith.constant 8 : i32
          %mul3A_621 = arith.muli %scan3A_406, %mul3A_620 : i32
          %add3A_622 = arith.constant 5 : i32
          %add3A_623 = arith.addi %mul3A_621, %add3A_622 : i32
          %get3A_624 = arith.constant 1 : i32
          %get3A_625 = arith.index_cast %get3A_624 : i32 to index
          %get3A_626 = arith.index_cast %add3A_623 : i32 to index
          %get3A_627 = arith.constant 32 : index
          %get3A_628 = tpu.vector_load %arg7[%get3A_625, %get3A_626, %get3A_627] {strides = array<i32>} : memref<4x200x64xf32, #tpu.memory_space<vmem>>, vector<16xf32>,
          %max3A_629 = arith.maximumf %max3A_619, %get3A_628 : vector<16xf32>
          %mul3A_630 = arith.constant 8 : i32
          %mul3A_631 = arith.muli %scan3A_406, %mul3A_630 : i32
          %add3A_632 = arith.constant 6 : i32
          %add3A_633 = arith.addi %mul3A_631, %add3A_632 : i32
          %get3A_634 = arith.constant 1 : i32
          %get3A_635 = arith.index_cast %get3A_634 : i32 to index
          %get3A_636 = arith.index_cast %add3A_633 : i32 to index
          %get3A_637 = arith.constant 32 : index
          %get3A_638 = tpu.vector_load %arg7[%get3A_635, %get3A_636, %get3A_637] {strides = array<i32>} : memref<4x200x64xf32, #tpu.memory_space<vmem>>, vector<16xf32>,
          %max3A_639 = arith.maximumf %max3A_629, %get3A_638 : vector<16xf32>
          %mul3A_640 = arith.constant 8 : i32
          %mul3A_641 = arith.muli %scan3A_406, %mul3A_640 : i32
          %add3A_642 = arith.constant 7 : i32
          %add3A_643 = arith.addi %mul3A_641, %add3A_642 : i32
          %get3A_644 = arith.constant 1 : i32
          %get3A_645 = arith.index_cast %get3A_644 : i32 to index
          %get3A_646 = arith.index_cast %add3A_643 : i32 to index
          %get3A_647 = arith.constant 32 : index
          %get3A_648 = tpu.vector_load %arg7[%get3A_645, %get3A_646, %get3A_647] {strides = array<i32>} : memref<4x200x64xf32, #tpu.memory_space<vmem>>, vector<16xf32>,
          %max3A_649 = arith.maximumf %max3A_639, %get3A_648 : vector<16xf32>
          %mul3A_650 = arith.constant 8 : i32
          %mul3A_651 = arith.muli %scan3A_406, %mul3A_650 : i32
          %add3A_652 = arith.constant 0 : i32
          %add3A_653 = arith.addi %mul3A_651, %add3A_652 : i32
          %get3A_654 = arith.constant 1 : i32
          %get3A_655 = arith.index_cast %get3A_654 : i32 to index
          %get3A_656 = arith.index_cast %add3A_653 : i32 to index
          %get3A_657 = arith.constant 48 : index
          %get3A_658 = tpu.vector_load %arg7[%get3A_655, %get3A_656, %get3A_657] {strides = array<i32>} : memref<4x200x64xf32, #tpu.memory_space<vmem>>, vector<16xf32>,
          %max3A_659 = arith.maximumf %scan3A_410, %get3A_658 : vector<16xf32>
          %mul3A_660 = arith.constant 8 : i32
          %mul3A_661 = arith.muli %scan3A_406, %mul3A_660 : i32
          %add3A_662 = arith.constant 1 : i32
          %add3A_663 = arith.addi %mul3A_661, %add3A_662 : i32
          %get3A_664 = arith.constant 1 : i32
          %get3A_665 = arith.index_cast %get3A_664 : i32 to index
          %get3A_666 = arith.index_cast %add3A_663 : i32 to index
          %get3A_667 = arith.constant 48 : index
          %get3A_668 = tpu.vector_load %arg7[%get3A_665, %get3A_666, %get3A_667] {strides = array<i32>} : memref<4x200x64xf32, #tpu.memory_space<vmem>>, vector<16xf32>,
          %max3A_669 = arith.maximumf %max3A_659, %get3A_668 : vector<16xf32>
          %mul3A_670 = arith.constant 8 : i32
          %mul3A_671 = arith.muli %scan3A_406, %mul3A_670 : i32
          %add3A_672 = arith.constant 2 : i32
          %add3A_673 = arith.addi %mul3A_671, %add3A_672 : i32
          %get3A_674 = arith.constant 1 : i32
          %get3A_675 = arith.index_cast %get3A_674 : i32 to index
          %get3A_676 = arith.index_cast %add3A_673 : i32 to index
          %get3A_677 = arith.constant 48 : index
          %get3A_678 = tpu.vector_load %arg7[%get3A_675, %get3A_676, %get3A_677] {strides = array<i32>} : memref<4x200x64xf32, #tpu.memory_space<vmem>>, vector<16xf32>,
          %max3A_679 = arith.maximumf %max3A_669, %get3A_678 : vector<16xf32>
          %mul3A_680 = arith.constant 8 : i32
          %mul3A_681 = arith.muli %scan3A_406, %mul3A_680 : i32
          %add3A_682 = arith.constant 3 : i32
          %add3A_683 = arith.addi %mul3A_681, %add3A_682 : i32
          %get3A_684 = arith.constant 1 : i32
          %get3A_685 = arith.index_cast %get3A_684 : i32 to index
          %get3A_686 = arith.index_cast %add3A_683 : i32 to index
          %get3A_687 = arith.constant 48 : index
          %get3A_688 = tpu.vector_load %arg7[%get3A_685, %get3A_686, %get3A_687] {strides = array<i32>} : memref<4x200x64xf32, #tpu.memory_space<vmem>>, vector<16xf32>,
          %max3A_689 = arith.maximumf %max3A_679, %get3A_688 : vector<16xf32>
          %mul3A_690 = arith.constant 8 : i32
          %mul3A_691 = arith.muli %scan3A_406, %mul3A_690 : i32
          %add3A_692 = arith.constant 4 : i32
          %add3A_693 = arith.addi %mul3A_691, %add3A_692 : i32
          %get3A_694 = arith.constant 1 : i32
          %get3A_695 = arith.index_cast %get3A_694 : i32 to index
          %get3A_696 = arith.index_cast %add3A_693 : i32 to index
          %get3A_697 = arith.constant 48 : index
          %get3A_698 = tpu.vector_load %arg7[%get3A_695, %get3A_696, %get3A_697] {strides = array<i32>} : memref<4x200x64xf32, #tpu.memory_space<vmem>>, vector<16xf32>,
          %max3A_699 = arith.maximumf %max3A_689, %get3A_698 : vector<16xf32>
          %mul3A_700 = arith.constant 8 : i32
          %mul3A_701 = arith.muli %scan3A_406, %mul3A_700 : i32
          %add3A_702 = arith.constant 5 : i32
          %add3A_703 = arith.addi %mul3A_701, %add3A_702 : i32
          %get3A_704 = arith.constant 1 : i32
          %get3A_705 = arith.index_cast %get3A_704 : i32 to index
          %get3A_706 = arith.index_cast %add3A_703 : i32 to index
          %get3A_707 = arith.constant 48 : index
          %get3A_708 = tpu.vector_load %arg7[%get3A_705, %get3A_706, %get3A_707] {strides = array<i32>} : memref<4x200x64xf32, #tpu.memory_space<vmem>>, vector<16xf32>,
          %max3A_709 = arith.maximumf %max3A_699, %get3A_708 : vector<16xf32>
          %mul3A_710 = arith.constant 8 : i32
          %mul3A_711 = arith.muli %scan3A_406, %mul3A_710 : i32
          %add3A_712 = arith.constant 6 : i32
          %add3A_713 = arith.addi %mul3A_711, %add3A_712 : i32
          %get3A_714 = arith.constant 1 : i32
          %get3A_715 = arith.index_cast %get3A_714 : i32 to index
          %get3A_716 = arith.index_cast %add3A_713 : i32 to index
          %get3A_717 = arith.constant 48 : index
          %get3A_718 = tpu.vector_load %arg7[%get3A_715, %get3A_716, %get3A_717] {strides = array<i32>} : memref<4x200x64xf32, #tpu.memory_space<vmem>>, vector<16xf32>,
          %max3A_719 = arith.maximumf %max3A_709, %get3A_718 : vector<16xf32>
          %mul3A_720 = arith.constant 8 : i32
          %mul3A_721 = arith.muli %scan3A_406, %mul3A_720 : i32
          %add3A_722 = arith.constant 7 : i32
          %add3A_723 = arith.addi %mul3A_721, %add3A_722 : i32
          %get3A_724 = arith.constant 1 : i32
          %get3A_725 = arith.index_cast %get3A_724 : i32 to index
          %get3A_726 = arith.index_cast %add3A_723 : i32 to index
          %get3A_727 = arith.constant 48 : index
          %get3A_728 = tpu.vector_load %arg7[%get3A_725, %get3A_726, %get3A_727] {strides = array<i32>} : memref<4x200x64xf32, #tpu.memory_space<vmem>>, vector<16xf32>,
          %max3A_729 = arith.maximumf %max3A_719, %get3A_728 : vector<16xf32>
          scf.yield %max3A_489, %max3A_569, %max3A_649, %max3A_729 : vector<16xf32>, vector<16xf32>, vector<16xf32>, vector<16xf32>
        }
        %scan3A_234 = arith.constant 25 : i32
        %swap3A_235 = arith.index_cast %add3A_178 : i32 to index
        %swap3A_236 = arith.constant 0 : index
        %swap3A_237 = tpu.vector_load %arg8[%swap3A_235, %swap3A_236] {strides = array<i32>} : memref<128x64xf32, #tpu.memory_space<vmem>>, vector<16xf32>,
        tpu.vector_store %arg8[%swap3A_235, %swap3A_236], %scan3A_233#0 {strides = array<i32>} : memref<128x64xf32, #tpu.memory_space<vmem>>, vector<16xf32>,
        %swap3A_238 = arith.index_cast %add3A_178 : i32 to index
        %swap3A_239 = arith.constant 16 : index
        %swap3A_240 = tpu.vector_load %arg8[%swap3A_238, %swap3A_239] {strides = array<i32>} : memref<128x64xf32, #tpu.memory_space<vmem>>, vector<16xf32>,
        tpu.vector_store %arg8[%swap3A_238, %swap3A_239], %scan3A_233#1 {strides = array<i32>} : memref<128x64xf32, #tpu.memory_space<vmem>>, vector<16xf32>,
        %swap3A_241 = arith.index_cast %add3A_178 : i32 to index
        %swap3A_242 = arith.constant 32 : index
        %swap3A_243 = tpu.vector_load %arg8[%swap3A_241, %swap3A_242] {strides = array<i32>} : memref<128x64xf32, #tpu.memory_space<vmem>>, vector<16xf32>,
        tpu.vector_store %arg8[%swap3A_241, %swap3A_242], %scan3A_233#2 {strides = array<i32>} : memref<128x64xf32, #tpu.memory_space<vmem>>, vector<16xf32>,
        %swap3A_244 = arith.index_cast %add3A_178 : i32 to index
        %swap3A_245 = arith.constant 48 : index
        %swap3A_246 = tpu.vector_load %arg8[%swap3A_244, %swap3A_245] {strides = array<i32>} : memref<128x64xf32, #tpu.memory_space<vmem>>, vector<16xf32>,
        tpu.vector_store %arg8[%swap3A_244, %swap3A_245], %scan3A_233#3 {strides = array<i32>} : memref<128x64xf32, #tpu.memory_space<vmem>>, vector<16xf32>,
        %lt3A_247 = arith.constant 31 : i32
        %lt3A_248 = arith.cmpi slt, %scan3A_103, %lt3A_247 : i32
        %convert_element_type3A_249 = arith.extui %lt3A_248 : i1 to i32
        %cond3A_250 = arith.constant 0 : i32
        %cond3A_251 = arith.cmpi ne, %convert_element_type3A_249, %cond3A_250 : i32
        scf.if %cond3A_251 {
          %add3A_406 = arith.constant 4 : i32
          %add3A_407 = arith.addi %add3A_178, %add3A_406 : i32
          %mul3A_408 = arith.constant 200 : i32
          %mul3A_409 = arith.muli %add3A_407, %mul3A_408 : i32
          %add3A_410 = arith.constant 0 : i32
          %add3A_411 = arith.addi %mul3A_409, %add3A_410 : i32
          %dma_start3A_412 = arith.constant 1 : i32
          %dma_start3A_413 = arith.constant 0 : i32
          %dma_start3A_414 = arith.constant 0 : i32
          %dma_start3A_415 = tpu.memref_slice %arg7[%dma_start3A_412, %dma_start3A_413, %dma_start3A_414] : memref<4x200x64xf32, #tpu.memory_space<vmem>> -> memref<1x128x64xf32, #tpu.memory_space<vmem>>
          %dma_start3A_416 = tpu.memref_squeeze %dma_start3A_415 : memref<1x128x64xf32, #tpu.memory_space<vmem>> -> memref<128x64xf32, #tpu.memory_space<vmem>>
          %dma_start3A_417 = tpu.memref_slice %arg6[%add3A_411] : memref<25600xi32, #tpu.memory_space<vmem>> -> memref<128xi32, #tpu.memory_space<vmem>>
          %dma_start3A_418 = arith.constant 0 : i32
          %dma_start3A_419 = arith.constant 0 : i32
          %dma_start3A_420 = tpu.memref_slice %arg3[%dma_start3A_418, %dma_start3A_419] : memref<2000000x64xf32, #tpu.memory_space<hbm>> -> memref<2000000x64xf32, #tpu.memory_space<hbm>>
          tpu.enqueue_indirect_dma source(%dma_start3A_420 : memref<2000000x64xf32, #tpu.memory_space<hbm>>) target(%dma_start3A_416 : memref<128x64xf32, #tpu.memory_space<vmem>>) offsets(%dma_start3A_417 : memref<128xi32, #tpu.memory_space<vmem>>) semaphore(%arg10 : memref<!tpu.dma_semaphore, #tpu.memory_space<semaphore_mem>>)
          %mul3A_421 = arith.constant 200 : i32
          %mul3A_422 = arith.muli %add3A_407, %mul3A_421 : i32
          %add3A_423 = arith.constant 128 : i32
          %add3A_424 = arith.addi %mul3A_422, %add3A_423 : i32
          %dma_start3A_425 = arith.constant 1 : i32
          %dma_start3A_426 = arith.constant 128 : i32
          %dma_start3A_427 = arith.constant 0 : i32
          %dma_start3A_428 = tpu.memref_slice %arg7[%dma_start3A_425, %dma_start3A_426, %dma_start3A_427] : memref<4x200x64xf32, #tpu.memory_space<vmem>> -> memref<1x72x64xf32, #tpu.memory_space<vmem>>
          %dma_start3A_429 = tpu.memref_squeeze %dma_start3A_428 : memref<1x72x64xf32, #tpu.memory_space<vmem>> -> memref<72x64xf32, #tpu.memory_space<vmem>>
          %dma_start3A_430 = tpu.memref_slice %arg6[%add3A_424] : memref<25600xi32, #tpu.memory_space<vmem>> -> memref<72xi32, #tpu.memory_space<vmem>>
          %dma_start3A_431 = arith.constant 0 : i32
          %dma_start3A_432 = arith.constant 0 : i32
          %dma_start3A_433 = tpu.memref_slice %arg3[%dma_start3A_431, %dma_start3A_432] : memref<2000000x64xf32, #tpu.memory_space<hbm>> -> memref<2000000x64xf32, #tpu.memory_space<hbm>>
          tpu.enqueue_indirect_dma source(%dma_start3A_433 : memref<2000000x64xf32, #tpu.memory_space<hbm>>) target(%dma_start3A_429 : memref<72x64xf32, #tpu.memory_space<vmem>>) offsets(%dma_start3A_430 : memref<72xi32, #tpu.memory_space<vmem>>) semaphore(%arg10 : memref<!tpu.dma_semaphore, #tpu.memory_space<semaphore_mem>>)
        } else {
        }
        %mul3A_252 = arith.constant 4 : i32
        %mul3A_253 = arith.muli %scan3A_103, %mul3A_252 : i32
        %add3A_254 = arith.constant 2 : i32
        %add3A_255 = arith.addi %mul3A_253, %add3A_254 : i32
        %mul3A_256 = arith.constant 200 : i32
        %mul3A_257 = arith.muli %add3A_255, %mul3A_256 : i32
        %add3A_258 = arith.constant 0 : i32
        %add3A_259 = arith.addi %mul3A_257, %add3A_258 : i32
        %mul3A_260 = arith.constant 200 : i32
        %mul3A_261 = arith.muli %add3A_255, %mul3A_260 : i32
        %add3A_262 = arith.constant 128 : i32
        %add3A_263 = arith.addi %mul3A_261, %add3A_262 : i32
        %dma_wait3A_264 = arith.constant 2 : i32
        %dma_wait3A_265 = arith.constant 0 : i32
        %dma_wait3A_266 = arith.constant 0 : i32
        %dma_wait3A_267 = tpu.memref_slice %arg7[%dma_wait3A_264, %dma_wait3A_265, %dma_wait3A_266] : memref<4x200x64xf32, #tpu.memory_space<vmem>> -> memref<1x128x64xf32, #tpu.memory_space<vmem>>
        %dma_wait3A_268 = tpu.memref_squeeze %dma_wait3A_267 : memref<1x128x64xf32, #tpu.memory_space<vmem>> -> memref<128x64xf32, #tpu.memory_space<vmem>>
        %dma_wait3A_269 = tpu.memref_slice %arg6[%add3A_259] : memref<25600xi32, #tpu.memory_space<vmem>> -> memref<128xi32, #tpu.memory_space<vmem>>
        %dma_wait3A_270 = arith.constant 0 : i32
        %dma_wait3A_271 = arith.constant 0 : i32
        %dma_wait3A_272 = tpu.memref_slice %arg3[%dma_wait3A_270, %dma_wait3A_271] : memref<2000000x64xf32, #tpu.memory_space<hbm>> -> memref<2000000x64xf32, #tpu.memory_space<hbm>>
        tpu.wait_indirect_dma semaphore(%arg11 : memref<!tpu.dma_semaphore, #tpu.memory_space<semaphore_mem>>) src(%dma_wait3A_272 : memref<2000000x64xf32, #tpu.memory_space<hbm>>) dst(%dma_wait3A_268 : memref<128x64xf32, #tpu.memory_space<vmem>>)
        %dma_wait3A_273 = arith.constant 2 : i32
        %dma_wait3A_274 = arith.constant 128 : i32
        %dma_wait3A_275 = arith.constant 0 : i32
        %dma_wait3A_276 = tpu.memref_slice %arg7[%dma_wait3A_273, %dma_wait3A_274, %dma_wait3A_275] : memref<4x200x64xf32, #tpu.memory_space<vmem>> -> memref<1x72x64xf32, #tpu.memory_space<vmem>>
        %dma_wait3A_277 = tpu.memref_squeeze %dma_wait3A_276 : memref<1x72x64xf32, #tpu.memory_space<vmem>> -> memref<72x64xf32, #tpu.memory_space<vmem>>
        %dma_wait3A_278 = tpu.memref_slice %arg6[%add3A_263] : memref<25600xi32, #tpu.memory_space<vmem>> -> memref<72xi32, #tpu.memory_space<vmem>>
        %dma_wait3A_279 = arith.constant 0 : i32
        %dma_wait3A_280 = arith.constant 0 : i32
        %dma_wait3A_281 = tpu.memref_slice %arg3[%dma_wait3A_279, %dma_wait3A_280] : memref<2000000x64xf32, #tpu.memory_space<hbm>> -> memref<2000000x64xf32, #tpu.memory_space<hbm>>
        tpu.wait_indirect_dma semaphore(%arg11 : memref<!tpu.dma_semaphore, #tpu.memory_space<semaphore_mem>>) src(%dma_wait3A_281 : memref<2000000x64xf32, #tpu.memory_space<hbm>>) dst(%dma_wait3A_277 : memref<72x64xf32, #tpu.memory_space<vmem>>)
        %get3A_282 = arith.constant 2 : i32
        %get3A_283 = arith.constant 0 : i32
        %get3A_284 = arith.index_cast %get3A_282 : i32 to index
        %get3A_285 = arith.index_cast %get3A_283 : i32 to index
        %get3A_286 = arith.constant 0 : index
        %get3A_287 = tpu.vector_load %arg7[%get3A_284, %get3A_285, %get3A_286] {strides = array<i32>} : memref<4x200x64xf32, #tpu.memory_space<vmem>>, vector<16xf32>,
        %get3A_288 = arith.constant 2 : i32
        %get3A_289 = arith.constant 0 : i32
        %get3A_290 = arith.index_cast %get3A_288 : i32 to index
        %get3A_291 = arith.index_cast %get3A_289 : i32 to index
        %get3A_292 = arith.constant 16 : index
        %get3A_293 = tpu.vector_load %arg7[%get3A_290, %get3A_291, %get3A_292] {strides = array<i32>} : memref<4x200x64xf32, #tpu.memory_space<vmem>>, vector<16xf32>,
        %get3A_294 = arith.constant 2 : i32
        %get3A_295 = arith.constant 0 : i32
        %get3A_296 = arith.index_cast %get3A_294 : i32 to index
        %get3A_297 = arith.index_cast %get3A_295 : i32 to index
        %get3A_298 = arith.constant 32 : index
        %get3A_299 = tpu.vector_load %arg7[%get3A_296, %get3A_297, %get3A_298] {strides = array<i32>} : memref<4x200x64xf32, #tpu.memory_space<vmem>>, vector<16xf32>,
        %get3A_300 = arith.constant 2 : i32
        %get3A_301 = arith.constant 0 : i32
        %get3A_302 = arith.index_cast %get3A_300 : i32 to index
        %get3A_303 = arith.index_cast %get3A_301 : i32 to index
        %get3A_304 = arith.constant 48 : index
        %get3A_305 = tpu.vector_load %arg7[%get3A_302, %get3A_303, %get3A_304] {strides = array<i32>} : memref<4x200x64xf32, #tpu.memory_space<vmem>>, vector<16xf32>,
        %scan3A_306 = arith.constant 0 : i32
        %scan3A_307 = arith.constant 25 : i32
        %scan3A_308 = arith.addi %scan3A_306, %scan3A_307 : i32
        %scan3A_309 = arith.constant 1 : i32
        %scan3A_310:4 = scf.for %scan3A_406 = %scan3A_306 to %scan3A_308 step %scan3A_309 iter_args(%scan3A_407 = %get3A_287, %scan3A_408 = %get3A_293, %scan3A_409 = %get3A_299, %scan3A_410 = %get3A_305) -> (vector<16xf32>, vector<16xf32>, vector<16xf32>, vector<16xf32>)  : i32 {
          %mul3A_411 = arith.constant 8 : i32
          %mul3A_412 = arith.muli %scan3A_406, %mul3A_411 : i32
          %add3A_413 = arith.constant 0 : i32
          %add3A_414 = arith.addi %mul3A_412, %add3A_413 : i32
          %get3A_415 = arith.constant 2 : i32
          %get3A_416 = arith.index_cast %get3A_415 : i32 to index
          %get3A_417 = arith.index_cast %add3A_414 : i32 to index
          %get3A_418 = arith.constant 0 : index
          %get3A_419 = tpu.vector_load %arg7[%get3A_416, %get3A_417, %get3A_418] {strides = array<i32>} : memref<4x200x64xf32, #tpu.memory_space<vmem>>, vector<16xf32>,
          %max3A = arith.maximumf %scan3A_407, %get3A_419 : vector<16xf32>
          %mul3A_420 = arith.constant 8 : i32
          %mul3A_421 = arith.muli %scan3A_406, %mul3A_420 : i32
          %add3A_422 = arith.constant 1 : i32
          %add3A_423 = arith.addi %mul3A_421, %add3A_422 : i32
          %get3A_424 = arith.constant 2 : i32
          %get3A_425 = arith.index_cast %get3A_424 : i32 to index
          %get3A_426 = arith.index_cast %add3A_423 : i32 to index
          %get3A_427 = arith.constant 0 : index
          %get3A_428 = tpu.vector_load %arg7[%get3A_425, %get3A_426, %get3A_427] {strides = array<i32>} : memref<4x200x64xf32, #tpu.memory_space<vmem>>, vector<16xf32>,
          %max3A_429 = arith.maximumf %max3A, %get3A_428 : vector<16xf32>
          %mul3A_430 = arith.constant 8 : i32
          %mul3A_431 = arith.muli %scan3A_406, %mul3A_430 : i32
          %add3A_432 = arith.constant 2 : i32
          %add3A_433 = arith.addi %mul3A_431, %add3A_432 : i32
          %get3A_434 = arith.constant 2 : i32
          %get3A_435 = arith.index_cast %get3A_434 : i32 to index
          %get3A_436 = arith.index_cast %add3A_433 : i32 to index
          %get3A_437 = arith.constant 0 : index
          %get3A_438 = tpu.vector_load %arg7[%get3A_435, %get3A_436, %get3A_437] {strides = array<i32>} : memref<4x200x64xf32, #tpu.memory_space<vmem>>, vector<16xf32>,
          %max3A_439 = arith.maximumf %max3A_429, %get3A_438 : vector<16xf32>
          %mul3A_440 = arith.constant 8 : i32
          %mul3A_441 = arith.muli %scan3A_406, %mul3A_440 : i32
          %add3A_442 = arith.constant 3 : i32
          %add3A_443 = arith.addi %mul3A_441, %add3A_442 : i32
          %get3A_444 = arith.constant 2 : i32
          %get3A_445 = arith.index_cast %get3A_444 : i32 to index
          %get3A_446 = arith.index_cast %add3A_443 : i32 to index
          %get3A_447 = arith.constant 0 : index
          %get3A_448 = tpu.vector_load %arg7[%get3A_445, %get3A_446, %get3A_447] {strides = array<i32>} : memref<4x200x64xf32, #tpu.memory_space<vmem>>, vector<16xf32>,
          %max3A_449 = arith.maximumf %max3A_439, %get3A_448 : vector<16xf32>
          %mul3A_450 = arith.constant 8 : i32
          %mul3A_451 = arith.muli %scan3A_406, %mul3A_450 : i32
          %add3A_452 = arith.constant 4 : i32
          %add3A_453 = arith.addi %mul3A_451, %add3A_452 : i32
          %get3A_454 = arith.constant 2 : i32
          %get3A_455 = arith.index_cast %get3A_454 : i32 to index
          %get3A_456 = arith.index_cast %add3A_453 : i32 to index
          %get3A_457 = arith.constant 0 : index
          %get3A_458 = tpu.vector_load %arg7[%get3A_455, %get3A_456, %get3A_457] {strides = array<i32>} : memref<4x200x64xf32, #tpu.memory_space<vmem>>, vector<16xf32>,
          %max3A_459 = arith.maximumf %max3A_449, %get3A_458 : vector<16xf32>
          %mul3A_460 = arith.constant 8 : i32
          %mul3A_461 = arith.muli %scan3A_406, %mul3A_460 : i32
          %add3A_462 = arith.constant 5 : i32
          %add3A_463 = arith.addi %mul3A_461, %add3A_462 : i32
          %get3A_464 = arith.constant 2 : i32
          %get3A_465 = arith.index_cast %get3A_464 : i32 to index
          %get3A_466 = arith.index_cast %add3A_463 : i32 to index
          %get3A_467 = arith.constant 0 : index
          %get3A_468 = tpu.vector_load %arg7[%get3A_465, %get3A_466, %get3A_467] {strides = array<i32>} : memref<4x200x64xf32, #tpu.memory_space<vmem>>, vector<16xf32>,
          %max3A_469 = arith.maximumf %max3A_459, %get3A_468 : vector<16xf32>
          %mul3A_470 = arith.constant 8 : i32
          %mul3A_471 = arith.muli %scan3A_406, %mul3A_470 : i32
          %add3A_472 = arith.constant 6 : i32
          %add3A_473 = arith.addi %mul3A_471, %add3A_472 : i32
          %get3A_474 = arith.constant 2 : i32
          %get3A_475 = arith.index_cast %get3A_474 : i32 to index
          %get3A_476 = arith.index_cast %add3A_473 : i32 to index
          %get3A_477 = arith.constant 0 : index
          %get3A_478 = tpu.vector_load %arg7[%get3A_475, %get3A_476, %get3A_477] {strides = array<i32>} : memref<4x200x64xf32, #tpu.memory_space<vmem>>, vector<16xf32>,
          %max3A_479 = arith.maximumf %max3A_469, %get3A_478 : vector<16xf32>
          %mul3A_480 = arith.constant 8 : i32
          %mul3A_481 = arith.muli %scan3A_406, %mul3A_480 : i32
          %add3A_482 = arith.constant 7 : i32
          %add3A_483 = arith.addi %mul3A_481, %add3A_482 : i32
          %get3A_484 = arith.constant 2 : i32
          %get3A_485 = arith.index_cast %get3A_484 : i32 to index
          %get3A_486 = arith.index_cast %add3A_483 : i32 to index
          %get3A_487 = arith.constant 0 : index
          %get3A_488 = tpu.vector_load %arg7[%get3A_485, %get3A_486, %get3A_487] {strides = array<i32>} : memref<4x200x64xf32, #tpu.memory_space<vmem>>, vector<16xf32>,
          %max3A_489 = arith.maximumf %max3A_479, %get3A_488 : vector<16xf32>
          %mul3A_490 = arith.constant 8 : i32
          %mul3A_491 = arith.muli %scan3A_406, %mul3A_490 : i32
          %add3A_492 = arith.constant 0 : i32
          %add3A_493 = arith.addi %mul3A_491, %add3A_492 : i32
          %get3A_494 = arith.constant 2 : i32
          %get3A_495 = arith.index_cast %get3A_494 : i32 to index
          %get3A_496 = arith.index_cast %add3A_493 : i32 to index
          %get3A_497 = arith.constant 16 : index
          %get3A_498 = tpu.vector_load %arg7[%get3A_495, %get3A_496, %get3A_497] {strides = array<i32>} : memref<4x200x64xf32, #tpu.memory_space<vmem>>, vector<16xf32>,
          %max3A_499 = arith.maximumf %scan3A_408, %get3A_498 : vector<16xf32>
          %mul3A_500 = arith.constant 8 : i32
          %mul3A_501 = arith.muli %scan3A_406, %mul3A_500 : i32
          %add3A_502 = arith.constant 1 : i32
          %add3A_503 = arith.addi %mul3A_501, %add3A_502 : i32
          %get3A_504 = arith.constant 2 : i32
          %get3A_505 = arith.index_cast %get3A_504 : i32 to index
          %get3A_506 = arith.index_cast %add3A_503 : i32 to index
          %get3A_507 = arith.constant 16 : index
          %get3A_508 = tpu.vector_load %arg7[%get3A_505, %get3A_506, %get3A_507] {strides = array<i32>} : memref<4x200x64xf32, #tpu.memory_space<vmem>>, vector<16xf32>,
          %max3A_509 = arith.maximumf %max3A_499, %get3A_508 : vector<16xf32>
          %mul3A_510 = arith.constant 8 : i32
          %mul3A_511 = arith.muli %scan3A_406, %mul3A_510 : i32
          %add3A_512 = arith.constant 2 : i32
          %add3A_513 = arith.addi %mul3A_511, %add3A_512 : i32
          %get3A_514 = arith.constant 2 : i32
          %get3A_515 = arith.index_cast %get3A_514 : i32 to index
          %get3A_516 = arith.index_cast %add3A_513 : i32 to index
          %get3A_517 = arith.constant 16 : index
          %get3A_518 = tpu.vector_load %arg7[%get3A_515, %get3A_516, %get3A_517] {strides = array<i32>} : memref<4x200x64xf32, #tpu.memory_space<vmem>>, vector<16xf32>,
          %max3A_519 = arith.maximumf %max3A_509, %get3A_518 : vector<16xf32>
          %mul3A_520 = arith.constant 8 : i32
          %mul3A_521 = arith.muli %scan3A_406, %mul3A_520 : i32
          %add3A_522 = arith.constant 3 : i32
          %add3A_523 = arith.addi %mul3A_521, %add3A_522 : i32
          %get3A_524 = arith.constant 2 : i32
          %get3A_525 = arith.index_cast %get3A_524 : i32 to index
          %get3A_526 = arith.index_cast %add3A_523 : i32 to index
          %get3A_527 = arith.constant 16 : index
          %get3A_528 = tpu.vector_load %arg7[%get3A_525, %get3A_526, %get3A_527] {strides = array<i32>} : memref<4x200x64xf32, #tpu.memory_space<vmem>>, vector<16xf32>,
          %max3A_529 = arith.maximumf %max3A_519, %get3A_528 : vector<16xf32>
          %mul3A_530 = arith.constant 8 : i32
          %mul3A_531 = arith.muli %scan3A_406, %mul3A_530 : i32
          %add3A_532 = arith.constant 4 : i32
          %add3A_533 = arith.addi %mul3A_531, %add3A_532 : i32
          %get3A_534 = arith.constant 2 : i32
          %get3A_535 = arith.index_cast %get3A_534 : i32 to index
          %get3A_536 = arith.index_cast %add3A_533 : i32 to index
          %get3A_537 = arith.constant 16 : index
          %get3A_538 = tpu.vector_load %arg7[%get3A_535, %get3A_536, %get3A_537] {strides = array<i32>} : memref<4x200x64xf32, #tpu.memory_space<vmem>>, vector<16xf32>,
          %max3A_539 = arith.maximumf %max3A_529, %get3A_538 : vector<16xf32>
          %mul3A_540 = arith.constant 8 : i32
          %mul3A_541 = arith.muli %scan3A_406, %mul3A_540 : i32
          %add3A_542 = arith.constant 5 : i32
          %add3A_543 = arith.addi %mul3A_541, %add3A_542 : i32
          %get3A_544 = arith.constant 2 : i32
          %get3A_545 = arith.index_cast %get3A_544 : i32 to index
          %get3A_546 = arith.index_cast %add3A_543 : i32 to index
          %get3A_547 = arith.constant 16 : index
          %get3A_548 = tpu.vector_load %arg7[%get3A_545, %get3A_546, %get3A_547] {strides = array<i32>} : memref<4x200x64xf32, #tpu.memory_space<vmem>>, vector<16xf32>,
          %max3A_549 = arith.maximumf %max3A_539, %get3A_548 : vector<16xf32>
          %mul3A_550 = arith.constant 8 : i32
          %mul3A_551 = arith.muli %scan3A_406, %mul3A_550 : i32
          %add3A_552 = arith.constant 6 : i32
          %add3A_553 = arith.addi %mul3A_551, %add3A_552 : i32
          %get3A_554 = arith.constant 2 : i32
          %get3A_555 = arith.index_cast %get3A_554 : i32 to index
          %get3A_556 = arith.index_cast %add3A_553 : i32 to index
          %get3A_557 = arith.constant 16 : index
          %get3A_558 = tpu.vector_load %arg7[%get3A_555, %get3A_556, %get3A_557] {strides = array<i32>} : memref<4x200x64xf32, #tpu.memory_space<vmem>>, vector<16xf32>,
          %max3A_559 = arith.maximumf %max3A_549, %get3A_558 : vector<16xf32>
          %mul3A_560 = arith.constant 8 : i32
          %mul3A_561 = arith.muli %scan3A_406, %mul3A_560 : i32
          %add3A_562 = arith.constant 7 : i32
          %add3A_563 = arith.addi %mul3A_561, %add3A_562 : i32
          %get3A_564 = arith.constant 2 : i32
          %get3A_565 = arith.index_cast %get3A_564 : i32 to index
          %get3A_566 = arith.index_cast %add3A_563 : i32 to index
          %get3A_567 = arith.constant 16 : index
          %get3A_568 = tpu.vector_load %arg7[%get3A_565, %get3A_566, %get3A_567] {strides = array<i32>} : memref<4x200x64xf32, #tpu.memory_space<vmem>>, vector<16xf32>,
          %max3A_569 = arith.maximumf %max3A_559, %get3A_568 : vector<16xf32>
          %mul3A_570 = arith.constant 8 : i32
          %mul3A_571 = arith.muli %scan3A_406, %mul3A_570 : i32
          %add3A_572 = arith.constant 0 : i32
          %add3A_573 = arith.addi %mul3A_571, %add3A_572 : i32
          %get3A_574 = arith.constant 2 : i32
          %get3A_575 = arith.index_cast %get3A_574 : i32 to index
          %get3A_576 = arith.index_cast %add3A_573 : i32 to index
          %get3A_577 = arith.constant 32 : index
          %get3A_578 = tpu.vector_load %arg7[%get3A_575, %get3A_576, %get3A_577] {strides = array<i32>} : memref<4x200x64xf32, #tpu.memory_space<vmem>>, vector<16xf32>,
          %max3A_579 = arith.maximumf %scan3A_409, %get3A_578 : vector<16xf32>
          %mul3A_580 = arith.constant 8 : i32
          %mul3A_581 = arith.muli %scan3A_406, %mul3A_580 : i32
          %add3A_582 = arith.constant 1 : i32
          %add3A_583 = arith.addi %mul3A_581, %add3A_582 : i32
          %get3A_584 = arith.constant 2 : i32
          %get3A_585 = arith.index_cast %get3A_584 : i32 to index
          %get3A_586 = arith.index_cast %add3A_583 : i32 to index
          %get3A_587 = arith.constant 32 : index
          %get3A_588 = tpu.vector_load %arg7[%get3A_585, %get3A_586, %get3A_587] {strides = array<i32>} : memref<4x200x64xf32, #tpu.memory_space<vmem>>, vector<16xf32>,
          %max3A_589 = arith.maximumf %max3A_579, %get3A_588 : vector<16xf32>
          %mul3A_590 = arith.constant 8 : i32
          %mul3A_591 = arith.muli %scan3A_406, %mul3A_590 : i32
          %add3A_592 = arith.constant 2 : i32
          %add3A_593 = arith.addi %mul3A_591, %add3A_592 : i32
          %get3A_594 = arith.constant 2 : i32
          %get3A_595 = arith.index_cast %get3A_594 : i32 to index
          %get3A_596 = arith.index_cast %add3A_593 : i32 to index
          %get3A_597 = arith.constant 32 : index
          %get3A_598 = tpu.vector_load %arg7[%get3A_595, %get3A_596, %get3A_597] {strides = array<i32>} : memref<4x200x64xf32, #tpu.memory_space<vmem>>, vector<16xf32>,
          %max3A_599 = arith.maximumf %max3A_589, %get3A_598 : vector<16xf32>
          %mul3A_600 = arith.constant 8 : i32
          %mul3A_601 = arith.muli %scan3A_406, %mul3A_600 : i32
          %add3A_602 = arith.constant 3 : i32
          %add3A_603 = arith.addi %mul3A_601, %add3A_602 : i32
          %get3A_604 = arith.constant 2 : i32
          %get3A_605 = arith.index_cast %get3A_604 : i32 to index
          %get3A_606 = arith.index_cast %add3A_603 : i32 to index
          %get3A_607 = arith.constant 32 : index
          %get3A_608 = tpu.vector_load %arg7[%get3A_605, %get3A_606, %get3A_607] {strides = array<i32>} : memref<4x200x64xf32, #tpu.memory_space<vmem>>, vector<16xf32>,
          %max3A_609 = arith.maximumf %max3A_599, %get3A_608 : vector<16xf32>
          %mul3A_610 = arith.constant 8 : i32
          %mul3A_611 = arith.muli %scan3A_406, %mul3A_610 : i32
          %add3A_612 = arith.constant 4 : i32
          %add3A_613 = arith.addi %mul3A_611, %add3A_612 : i32
          %get3A_614 = arith.constant 2 : i32
          %get3A_615 = arith.index_cast %get3A_614 : i32 to index
          %get3A_616 = arith.index_cast %add3A_613 : i32 to index
          %get3A_617 = arith.constant 32 : index
          %get3A_618 = tpu.vector_load %arg7[%get3A_615, %get3A_616, %get3A_617] {strides = array<i32>} : memref<4x200x64xf32, #tpu.memory_space<vmem>>, vector<16xf32>,
          %max3A_619 = arith.maximumf %max3A_609, %get3A_618 : vector<16xf32>
          %mul3A_620 = arith.constant 8 : i32
          %mul3A_621 = arith.muli %scan3A_406, %mul3A_620 : i32
          %add3A_622 = arith.constant 5 : i32
          %add3A_623 = arith.addi %mul3A_621, %add3A_622 : i32
          %get3A_624 = arith.constant 2 : i32
          %get3A_625 = arith.index_cast %get3A_624 : i32 to index
          %get3A_626 = arith.index_cast %add3A_623 : i32 to index
          %get3A_627 = arith.constant 32 : index
          %get3A_628 = tpu.vector_load %arg7[%get3A_625, %get3A_626, %get3A_627] {strides = array<i32>} : memref<4x200x64xf32, #tpu.memory_space<vmem>>, vector<16xf32>,
          %max3A_629 = arith.maximumf %max3A_619, %get3A_628 : vector<16xf32>
          %mul3A_630 = arith.constant 8 : i32
          %mul3A_631 = arith.muli %scan3A_406, %mul3A_630 : i32
          %add3A_632 = arith.constant 6 : i32
          %add3A_633 = arith.addi %mul3A_631, %add3A_632 : i32
          %get3A_634 = arith.constant 2 : i32
          %get3A_635 = arith.index_cast %get3A_634 : i32 to index
          %get3A_636 = arith.index_cast %add3A_633 : i32 to index
          %get3A_637 = arith.constant 32 : index
          %get3A_638 = tpu.vector_load %arg7[%get3A_635, %get3A_636, %get3A_637] {strides = array<i32>} : memref<4x200x64xf32, #tpu.memory_space<vmem>>, vector<16xf32>,
          %max3A_639 = arith.maximumf %max3A_629, %get3A_638 : vector<16xf32>
          %mul3A_640 = arith.constant 8 : i32
          %mul3A_641 = arith.muli %scan3A_406, %mul3A_640 : i32
          %add3A_642 = arith.constant 7 : i32
          %add3A_643 = arith.addi %mul3A_641, %add3A_642 : i32
          %get3A_644 = arith.constant 2 : i32
          %get3A_645 = arith.index_cast %get3A_644 : i32 to index
          %get3A_646 = arith.index_cast %add3A_643 : i32 to index
          %get3A_647 = arith.constant 32 : index
          %get3A_648 = tpu.vector_load %arg7[%get3A_645, %get3A_646, %get3A_647] {strides = array<i32>} : memref<4x200x64xf32, #tpu.memory_space<vmem>>, vector<16xf32>,
          %max3A_649 = arith.maximumf %max3A_639, %get3A_648 : vector<16xf32>
          %mul3A_650 = arith.constant 8 : i32
          %mul3A_651 = arith.muli %scan3A_406, %mul3A_650 : i32
          %add3A_652 = arith.constant 0 : i32
          %add3A_653 = arith.addi %mul3A_651, %add3A_652 : i32
          %get3A_654 = arith.constant 2 : i32
          %get3A_655 = arith.index_cast %get3A_654 : i32 to index
          %get3A_656 = arith.index_cast %add3A_653 : i32 to index
          %get3A_657 = arith.constant 48 : index
          %get3A_658 = tpu.vector_load %arg7[%get3A_655, %get3A_656, %get3A_657] {strides = array<i32>} : memref<4x200x64xf32, #tpu.memory_space<vmem>>, vector<16xf32>,
          %max3A_659 = arith.maximumf %scan3A_410, %get3A_658 : vector<16xf32>
          %mul3A_660 = arith.constant 8 : i32
          %mul3A_661 = arith.muli %scan3A_406, %mul3A_660 : i32
          %add3A_662 = arith.constant 1 : i32
          %add3A_663 = arith.addi %mul3A_661, %add3A_662 : i32
          %get3A_664 = arith.constant 2 : i32
          %get3A_665 = arith.index_cast %get3A_664 : i32 to index
          %get3A_666 = arith.index_cast %add3A_663 : i32 to index
          %get3A_667 = arith.constant 48 : index
          %get3A_668 = tpu.vector_load %arg7[%get3A_665, %get3A_666, %get3A_667] {strides = array<i32>} : memref<4x200x64xf32, #tpu.memory_space<vmem>>, vector<16xf32>,
          %max3A_669 = arith.maximumf %max3A_659, %get3A_668 : vector<16xf32>
          %mul3A_670 = arith.constant 8 : i32
          %mul3A_671 = arith.muli %scan3A_406, %mul3A_670 : i32
          %add3A_672 = arith.constant 2 : i32
          %add3A_673 = arith.addi %mul3A_671, %add3A_672 : i32
          %get3A_674 = arith.constant 2 : i32
          %get3A_675 = arith.index_cast %get3A_674 : i32 to index
          %get3A_676 = arith.index_cast %add3A_673 : i32 to index
          %get3A_677 = arith.constant 48 : index
          %get3A_678 = tpu.vector_load %arg7[%get3A_675, %get3A_676, %get3A_677] {strides = array<i32>} : memref<4x200x64xf32, #tpu.memory_space<vmem>>, vector<16xf32>,
          %max3A_679 = arith.maximumf %max3A_669, %get3A_678 : vector<16xf32>
          %mul3A_680 = arith.constant 8 : i32
          %mul3A_681 = arith.muli %scan3A_406, %mul3A_680 : i32
          %add3A_682 = arith.constant 3 : i32
          %add3A_683 = arith.addi %mul3A_681, %add3A_682 : i32
          %get3A_684 = arith.constant 2 : i32
          %get3A_685 = arith.index_cast %get3A_684 : i32 to index
          %get3A_686 = arith.index_cast %add3A_683 : i32 to index
          %get3A_687 = arith.constant 48 : index
          %get3A_688 = tpu.vector_load %arg7[%get3A_685, %get3A_686, %get3A_687] {strides = array<i32>} : memref<4x200x64xf32, #tpu.memory_space<vmem>>, vector<16xf32>,
          %max3A_689 = arith.maximumf %max3A_679, %get3A_688 : vector<16xf32>
          %mul3A_690 = arith.constant 8 : i32
          %mul3A_691 = arith.muli %scan3A_406, %mul3A_690 : i32
          %add3A_692 = arith.constant 4 : i32
          %add3A_693 = arith.addi %mul3A_691, %add3A_692 : i32
          %get3A_694 = arith.constant 2 : i32
          %get3A_695 = arith.index_cast %get3A_694 : i32 to index
          %get3A_696 = arith.index_cast %add3A_693 : i32 to index
          %get3A_697 = arith.constant 48 : index
          %get3A_698 = tpu.vector_load %arg7[%get3A_695, %get3A_696, %get3A_697] {strides = array<i32>} : memref<4x200x64xf32, #tpu.memory_space<vmem>>, vector<16xf32>,
          %max3A_699 = arith.maximumf %max3A_689, %get3A_698 : vector<16xf32>
          %mul3A_700 = arith.constant 8 : i32
          %mul3A_701 = arith.muli %scan3A_406, %mul3A_700 : i32
          %add3A_702 = arith.constant 5 : i32
          %add3A_703 = arith.addi %mul3A_701, %add3A_702 : i32
          %get3A_704 = arith.constant 2 : i32
          %get3A_705 = arith.index_cast %get3A_704 : i32 to index
          %get3A_706 = arith.index_cast %add3A_703 : i32 to index
          %get3A_707 = arith.constant 48 : index
          %get3A_708 = tpu.vector_load %arg7[%get3A_705, %get3A_706, %get3A_707] {strides = array<i32>} : memref<4x200x64xf32, #tpu.memory_space<vmem>>, vector<16xf32>,
          %max3A_709 = arith.maximumf %max3A_699, %get3A_708 : vector<16xf32>
          %mul3A_710 = arith.constant 8 : i32
          %mul3A_711 = arith.muli %scan3A_406, %mul3A_710 : i32
          %add3A_712 = arith.constant 6 : i32
          %add3A_713 = arith.addi %mul3A_711, %add3A_712 : i32
          %get3A_714 = arith.constant 2 : i32
          %get3A_715 = arith.index_cast %get3A_714 : i32 to index
          %get3A_716 = arith.index_cast %add3A_713 : i32 to index
          %get3A_717 = arith.constant 48 : index
          %get3A_718 = tpu.vector_load %arg7[%get3A_715, %get3A_716, %get3A_717] {strides = array<i32>} : memref<4x200x64xf32, #tpu.memory_space<vmem>>, vector<16xf32>,
          %max3A_719 = arith.maximumf %max3A_709, %get3A_718 : vector<16xf32>
          %mul3A_720 = arith.constant 8 : i32
          %mul3A_721 = arith.muli %scan3A_406, %mul3A_720 : i32
          %add3A_722 = arith.constant 7 : i32
          %add3A_723 = arith.addi %mul3A_721, %add3A_722 : i32
          %get3A_724 = arith.constant 2 : i32
          %get3A_725 = arith.index_cast %get3A_724 : i32 to index
          %get3A_726 = arith.index_cast %add3A_723 : i32 to index
          %get3A_727 = arith.constant 48 : index
          %get3A_728 = tpu.vector_load %arg7[%get3A_725, %get3A_726, %get3A_727] {strides = array<i32>} : memref<4x200x64xf32, #tpu.memory_space<vmem>>, vector<16xf32>,
          %max3A_729 = arith.maximumf %max3A_719, %get3A_728 : vector<16xf32>
          scf.yield %max3A_489, %max3A_569, %max3A_649, %max3A_729 : vector<16xf32>, vector<16xf32>, vector<16xf32>, vector<16xf32>
        }
        %scan3A_311 = arith.constant 25 : i32
        %swap3A_312 = arith.index_cast %add3A_255 : i32 to index
        %swap3A_313 = arith.constant 0 : index
        %swap3A_314 = tpu.vector_load %arg8[%swap3A_312, %swap3A_313] {strides = array<i32>} : memref<128x64xf32, #tpu.memory_space<vmem>>, vector<16xf32>,
        tpu.vector_store %arg8[%swap3A_312, %swap3A_313], %scan3A_310#0 {strides = array<i32>} : memref<128x64xf32, #tpu.memory_space<vmem>>, vector<16xf32>,
        %swap3A_315 = arith.index_cast %add3A_255 : i32 to index
        %swap3A_316 = arith.constant 16 : index
        %swap3A_317 = tpu.vector_load %arg8[%swap3A_315, %swap3A_316] {strides = array<i32>} : memref<128x64xf32, #tpu.memory_space<vmem>>, vector<16xf32>,
        tpu.vector_store %arg8[%swap3A_315, %swap3A_316], %scan3A_310#1 {strides = array<i32>} : memref<128x64xf32, #tpu.memory_space<vmem>>, vector<16xf32>,
        %swap3A_318 = arith.index_cast %add3A_255 : i32 to index
        %swap3A_319 = arith.constant 32 : index
        %swap3A_320 = tpu.vector_load %arg8[%swap3A_318, %swap3A_319] {strides = array<i32>} : memref<128x64xf32, #tpu.memory_space<vmem>>, vector<16xf32>,
        tpu.vector_store %arg8[%swap3A_318, %swap3A_319], %scan3A_310#2 {strides = array<i32>} : memref<128x64xf32, #tpu.memory_space<vmem>>, vector<16xf32>,
        %swap3A_321 = arith.index_cast %add3A_255 : i32 to index
        %swap3A_322 = arith.constant 48 : index
        %swap3A_323 = tpu.vector_load %arg8[%swap3A_321, %swap3A_322] {strides = array<i32>} : memref<128x64xf32, #tpu.memory_space<vmem>>, vector<16xf32>,
        tpu.vector_store %arg8[%swap3A_321, %swap3A_322], %scan3A_310#3 {strides = array<i32>} : memref<128x64xf32, #tpu.memory_space<vmem>>, vector<16xf32>,
        %lt3A_324 = arith.constant 31 : i32
        %lt3A_325 = arith.cmpi slt, %scan3A_103, %lt3A_324 : i32
        %convert_element_type3A_326 = arith.extui %lt3A_325 : i1 to i32
        %cond3A_327 = arith.constant 0 : i32
        %cond3A_328 = arith.cmpi ne, %convert_element_type3A_326, %cond3A_327 : i32
        scf.if %cond3A_328 {
          %add3A_406 = arith.constant 4 : i32
          %add3A_407 = arith.addi %add3A_255, %add3A_406 : i32
          %mul3A_408 = arith.constant 200 : i32
          %mul3A_409 = arith.muli %add3A_407, %mul3A_408 : i32
          %add3A_410 = arith.constant 0 : i32
          %add3A_411 = arith.addi %mul3A_409, %add3A_410 : i32
          %dma_start3A_412 = arith.constant 2 : i32
          %dma_start3A_413 = arith.constant 0 : i32
          %dma_start3A_414 = arith.constant 0 : i32
          %dma_start3A_415 = tpu.memref_slice %arg7[%dma_start3A_412, %dma_start3A_413, %dma_start3A_414] : memref<4x200x64xf32, #tpu.memory_space<vmem>> -> memref<1x128x64xf32, #tpu.memory_space<vmem>>
          %dma_start3A_416 = tpu.memref_squeeze %dma_start3A_415 : memref<1x128x64xf32, #tpu.memory_space<vmem>> -> memref<128x64xf32, #tpu.memory_space<vmem>>
          %dma_start3A_417 = tpu.memref_slice %arg6[%add3A_411] : memref<25600xi32, #tpu.memory_space<vmem>> -> memref<128xi32, #tpu.memory_space<vmem>>
          %dma_start3A_418 = arith.constant 0 : i32
          %dma_start3A_419 = arith.constant 0 : i32
          %dma_start3A_420 = tpu.memref_slice %arg3[%dma_start3A_418, %dma_start3A_419] : memref<2000000x64xf32, #tpu.memory_space<hbm>> -> memref<2000000x64xf32, #tpu.memory_space<hbm>>
          tpu.enqueue_indirect_dma source(%dma_start3A_420 : memref<2000000x64xf32, #tpu.memory_space<hbm>>) target(%dma_start3A_416 : memref<128x64xf32, #tpu.memory_space<vmem>>) offsets(%dma_start3A_417 : memref<128xi32, #tpu.memory_space<vmem>>) semaphore(%arg11 : memref<!tpu.dma_semaphore, #tpu.memory_space<semaphore_mem>>)
          %mul3A_421 = arith.constant 200 : i32
          %mul3A_422 = arith.muli %add3A_407, %mul3A_421 : i32
          %add3A_423 = arith.constant 128 : i32
          %add3A_424 = arith.addi %mul3A_422, %add3A_423 : i32
          %dma_start3A_425 = arith.constant 2 : i32
          %dma_start3A_426 = arith.constant 128 : i32
          %dma_start3A_427 = arith.constant 0 : i32
          %dma_start3A_428 = tpu.memref_slice %arg7[%dma_start3A_425, %dma_start3A_426, %dma_start3A_427] : memref<4x200x64xf32, #tpu.memory_space<vmem>> -> memref<1x72x64xf32, #tpu.memory_space<vmem>>
          %dma_start3A_429 = tpu.memref_squeeze %dma_start3A_428 : memref<1x72x64xf32, #tpu.memory_space<vmem>> -> memref<72x64xf32, #tpu.memory_space<vmem>>
          %dma_start3A_430 = tpu.memref_slice %arg6[%add3A_424] : memref<25600xi32, #tpu.memory_space<vmem>> -> memref<72xi32, #tpu.memory_space<vmem>>
          %dma_start3A_431 = arith.constant 0 : i32
          %dma_start3A_432 = arith.constant 0 : i32
          %dma_start3A_433 = tpu.memref_slice %arg3[%dma_start3A_431, %dma_start3A_432] : memref<2000000x64xf32, #tpu.memory_space<hbm>> -> memref<2000000x64xf32, #tpu.memory_space<hbm>>
          tpu.enqueue_indirect_dma source(%dma_start3A_433 : memref<2000000x64xf32, #tpu.memory_space<hbm>>) target(%dma_start3A_429 : memref<72x64xf32, #tpu.memory_space<vmem>>) offsets(%dma_start3A_430 : memref<72xi32, #tpu.memory_space<vmem>>) semaphore(%arg11 : memref<!tpu.dma_semaphore, #tpu.memory_space<semaphore_mem>>)
        } else {
        }
        %mul3A_329 = arith.constant 4 : i32
        %mul3A_330 = arith.muli %scan3A_103, %mul3A_329 : i32
        %add3A_331 = arith.constant 3 : i32
        %add3A_332 = arith.addi %mul3A_330, %add3A_331 : i32
        %mul3A_333 = arith.constant 200 : i32
        %mul3A_334 = arith.muli %add3A_332, %mul3A_333 : i32
        %add3A_335 = arith.constant 0 : i32
        %add3A_336 = arith.addi %mul3A_334, %add3A_335 : i32
        %mul3A_337 = arith.constant 200 : i32
        %mul3A_338 = arith.muli %add3A_332, %mul3A_337 : i32
        %add3A_339 = arith.constant 128 : i32
        %add3A_340 = arith.addi %mul3A_338, %add3A_339 : i32
        %dma_wait3A_341 = arith.constant 3 : i32
        %dma_wait3A_342 = arith.constant 0 : i32
        %dma_wait3A_343 = arith.constant 0 : i32
        %dma_wait3A_344 = tpu.memref_slice %arg7[%dma_wait3A_341, %dma_wait3A_342, %dma_wait3A_343] : memref<4x200x64xf32, #tpu.memory_space<vmem>> -> memref<1x128x64xf32, #tpu.memory_space<vmem>>
        %dma_wait3A_345 = tpu.memref_squeeze %dma_wait3A_344 : memref<1x128x64xf32, #tpu.memory_space<vmem>> -> memref<128x64xf32, #tpu.memory_space<vmem>>
        %dma_wait3A_346 = tpu.memref_slice %arg6[%add3A_336] : memref<25600xi32, #tpu.memory_space<vmem>> -> memref<128xi32, #tpu.memory_space<vmem>>
        %dma_wait3A_347 = arith.constant 0 : i32
        %dma_wait3A_348 = arith.constant 0 : i32
        %dma_wait3A_349 = tpu.memref_slice %arg3[%dma_wait3A_347, %dma_wait3A_348] : memref<2000000x64xf32, #tpu.memory_space<hbm>> -> memref<2000000x64xf32, #tpu.memory_space<hbm>>
        tpu.wait_indirect_dma semaphore(%arg12 : memref<!tpu.dma_semaphore, #tpu.memory_space<semaphore_mem>>) src(%dma_wait3A_349 : memref<2000000x64xf32, #tpu.memory_space<hbm>>) dst(%dma_wait3A_345 : memref<128x64xf32, #tpu.memory_space<vmem>>)
        %dma_wait3A_350 = arith.constant 3 : i32
        %dma_wait3A_351 = arith.constant 128 : i32
        %dma_wait3A_352 = arith.constant 0 : i32
        %dma_wait3A_353 = tpu.memref_slice %arg7[%dma_wait3A_350, %dma_wait3A_351, %dma_wait3A_352] : memref<4x200x64xf32, #tpu.memory_space<vmem>> -> memref<1x72x64xf32, #tpu.memory_space<vmem>>
        %dma_wait3A_354 = tpu.memref_squeeze %dma_wait3A_353 : memref<1x72x64xf32, #tpu.memory_space<vmem>> -> memref<72x64xf32, #tpu.memory_space<vmem>>
        %dma_wait3A_355 = tpu.memref_slice %arg6[%add3A_340] : memref<25600xi32, #tpu.memory_space<vmem>> -> memref<72xi32, #tpu.memory_space<vmem>>
        %dma_wait3A_356 = arith.constant 0 : i32
        %dma_wait3A_357 = arith.constant 0 : i32
        %dma_wait3A_358 = tpu.memref_slice %arg3[%dma_wait3A_356, %dma_wait3A_357] : memref<2000000x64xf32, #tpu.memory_space<hbm>> -> memref<2000000x64xf32, #tpu.memory_space<hbm>>
        tpu.wait_indirect_dma semaphore(%arg12 : memref<!tpu.dma_semaphore, #tpu.memory_space<semaphore_mem>>) src(%dma_wait3A_358 : memref<2000000x64xf32, #tpu.memory_space<hbm>>) dst(%dma_wait3A_354 : memref<72x64xf32, #tpu.memory_space<vmem>>)
        %get3A_359 = arith.constant 3 : i32
        %get3A_360 = arith.constant 0 : i32
        %get3A_361 = arith.index_cast %get3A_359 : i32 to index
        %get3A_362 = arith.index_cast %get3A_360 : i32 to index
        %get3A_363 = arith.constant 0 : index
        %get3A_364 = tpu.vector_load %arg7[%get3A_361, %get3A_362, %get3A_363] {strides = array<i32>} : memref<4x200x64xf32, #tpu.memory_space<vmem>>, vector<16xf32>,
        %get3A_365 = arith.constant 3 : i32
        %get3A_366 = arith.constant 0 : i32
        %get3A_367 = arith.index_cast %get3A_365 : i32 to index
        %get3A_368 = arith.index_cast %get3A_366 : i32 to index
        %get3A_369 = arith.constant 16 : index
        %get3A_370 = tpu.vector_load %arg7[%get3A_367, %get3A_368, %get3A_369] {strides = array<i32>} : memref<4x200x64xf32, #tpu.memory_space<vmem>>, vector<16xf32>,
        %get3A_371 = arith.constant 3 : i32
        %get3A_372 = arith.constant 0 : i32
        %get3A_373 = arith.index_cast %get3A_371 : i32 to index
        %get3A_374 = arith.index_cast %get3A_372 : i32 to index
        %get3A_375 = arith.constant 32 : index
        %get3A_376 = tpu.vector_load %arg7[%get3A_373, %get3A_374, %get3A_375] {strides = array<i32>} : memref<4x200x64xf32, #tpu.memory_space<vmem>>, vector<16xf32>,
        %get3A_377 = arith.constant 3 : i32
        %get3A_378 = arith.constant 0 : i32
        %get3A_379 = arith.index_cast %get3A_377 : i32 to index
        %get3A_380 = arith.index_cast %get3A_378 : i32 to index
        %get3A_381 = arith.constant 48 : index
        %get3A_382 = tpu.vector_load %arg7[%get3A_379, %get3A_380, %get3A_381] {strides = array<i32>} : memref<4x200x64xf32, #tpu.memory_space<vmem>>, vector<16xf32>,
        %scan3A_383 = arith.constant 0 : i32
        %scan3A_384 = arith.constant 25 : i32
        %scan3A_385 = arith.addi %scan3A_383, %scan3A_384 : i32
        %scan3A_386 = arith.constant 1 : i32
        %scan3A_387:4 = scf.for %scan3A_406 = %scan3A_383 to %scan3A_385 step %scan3A_386 iter_args(%scan3A_407 = %get3A_364, %scan3A_408 = %get3A_370, %scan3A_409 = %get3A_376, %scan3A_410 = %get3A_382) -> (vector<16xf32>, vector<16xf32>, vector<16xf32>, vector<16xf32>)  : i32 {
          %mul3A_411 = arith.constant 8 : i32
          %mul3A_412 = arith.muli %scan3A_406, %mul3A_411 : i32
          %add3A_413 = arith.constant 0 : i32
          %add3A_414 = arith.addi %mul3A_412, %add3A_413 : i32
          %get3A_415 = arith.constant 3 : i32
          %get3A_416 = arith.index_cast %get3A_415 : i32 to index
          %get3A_417 = arith.index_cast %add3A_414 : i32 to index
          %get3A_418 = arith.constant 0 : index
          %get3A_419 = tpu.vector_load %arg7[%get3A_416, %get3A_417, %get3A_418] {strides = array<i32>} : memref<4x200x64xf32, #tpu.memory_space<vmem>>, vector<16xf32>,
          %max3A = arith.maximumf %scan3A_407, %get3A_419 : vector<16xf32>
          %mul3A_420 = arith.constant 8 : i32
          %mul3A_421 = arith.muli %scan3A_406, %mul3A_420 : i32
          %add3A_422 = arith.constant 1 : i32
          %add3A_423 = arith.addi %mul3A_421, %add3A_422 : i32
          %get3A_424 = arith.constant 3 : i32
          %get3A_425 = arith.index_cast %get3A_424 : i32 to index
          %get3A_426 = arith.index_cast %add3A_423 : i32 to index
          %get3A_427 = arith.constant 0 : index
          %get3A_428 = tpu.vector_load %arg7[%get3A_425, %get3A_426, %get3A_427] {strides = array<i32>} : memref<4x200x64xf32, #tpu.memory_space<vmem>>, vector<16xf32>,
          %max3A_429 = arith.maximumf %max3A, %get3A_428 : vector<16xf32>
          %mul3A_430 = arith.constant 8 : i32
          %mul3A_431 = arith.muli %scan3A_406, %mul3A_430 : i32
          %add3A_432 = arith.constant 2 : i32
          %add3A_433 = arith.addi %mul3A_431, %add3A_432 : i32
          %get3A_434 = arith.constant 3 : i32
          %get3A_435 = arith.index_cast %get3A_434 : i32 to index
          %get3A_436 = arith.index_cast %add3A_433 : i32 to index
          %get3A_437 = arith.constant 0 : index
          %get3A_438 = tpu.vector_load %arg7[%get3A_435, %get3A_436, %get3A_437] {strides = array<i32>} : memref<4x200x64xf32, #tpu.memory_space<vmem>>, vector<16xf32>,
          %max3A_439 = arith.maximumf %max3A_429, %get3A_438 : vector<16xf32>
          %mul3A_440 = arith.constant 8 : i32
          %mul3A_441 = arith.muli %scan3A_406, %mul3A_440 : i32
          %add3A_442 = arith.constant 3 : i32
          %add3A_443 = arith.addi %mul3A_441, %add3A_442 : i32
          %get3A_444 = arith.constant 3 : i32
          %get3A_445 = arith.index_cast %get3A_444 : i32 to index
          %get3A_446 = arith.index_cast %add3A_443 : i32 to index
          %get3A_447 = arith.constant 0 : index
          %get3A_448 = tpu.vector_load %arg7[%get3A_445, %get3A_446, %get3A_447] {strides = array<i32>} : memref<4x200x64xf32, #tpu.memory_space<vmem>>, vector<16xf32>,
          %max3A_449 = arith.maximumf %max3A_439, %get3A_448 : vector<16xf32>
          %mul3A_450 = arith.constant 8 : i32
          %mul3A_451 = arith.muli %scan3A_406, %mul3A_450 : i32
          %add3A_452 = arith.constant 4 : i32
          %add3A_453 = arith.addi %mul3A_451, %add3A_452 : i32
          %get3A_454 = arith.constant 3 : i32
          %get3A_455 = arith.index_cast %get3A_454 : i32 to index
          %get3A_456 = arith.index_cast %add3A_453 : i32 to index
          %get3A_457 = arith.constant 0 : index
          %get3A_458 = tpu.vector_load %arg7[%get3A_455, %get3A_456, %get3A_457] {strides = array<i32>} : memref<4x200x64xf32, #tpu.memory_space<vmem>>, vector<16xf32>,
          %max3A_459 = arith.maximumf %max3A_449, %get3A_458 : vector<16xf32>
          %mul3A_460 = arith.constant 8 : i32
          %mul3A_461 = arith.muli %scan3A_406, %mul3A_460 : i32
          %add3A_462 = arith.constant 5 : i32
          %add3A_463 = arith.addi %mul3A_461, %add3A_462 : i32
          %get3A_464 = arith.constant 3 : i32
          %get3A_465 = arith.index_cast %get3A_464 : i32 to index
          %get3A_466 = arith.index_cast %add3A_463 : i32 to index
          %get3A_467 = arith.constant 0 : index
          %get3A_468 = tpu.vector_load %arg7[%get3A_465, %get3A_466, %get3A_467] {strides = array<i32>} : memref<4x200x64xf32, #tpu.memory_space<vmem>>, vector<16xf32>,
          %max3A_469 = arith.maximumf %max3A_459, %get3A_468 : vector<16xf32>
          %mul3A_470 = arith.constant 8 : i32
          %mul3A_471 = arith.muli %scan3A_406, %mul3A_470 : i32
          %add3A_472 = arith.constant 6 : i32
          %add3A_473 = arith.addi %mul3A_471, %add3A_472 : i32
          %get3A_474 = arith.constant 3 : i32
          %get3A_475 = arith.index_cast %get3A_474 : i32 to index
          %get3A_476 = arith.index_cast %add3A_473 : i32 to index
          %get3A_477 = arith.constant 0 : index
          %get3A_478 = tpu.vector_load %arg7[%get3A_475, %get3A_476, %get3A_477] {strides = array<i32>} : memref<4x200x64xf32, #tpu.memory_space<vmem>>, vector<16xf32>,
          %max3A_479 = arith.maximumf %max3A_469, %get3A_478 : vector<16xf32>
          %mul3A_480 = arith.constant 8 : i32
          %mul3A_481 = arith.muli %scan3A_406, %mul3A_480 : i32
          %add3A_482 = arith.constant 7 : i32
          %add3A_483 = arith.addi %mul3A_481, %add3A_482 : i32
          %get3A_484 = arith.constant 3 : i32
          %get3A_485 = arith.index_cast %get3A_484 : i32 to index
          %get3A_486 = arith.index_cast %add3A_483 : i32 to index
          %get3A_487 = arith.constant 0 : index
          %get3A_488 = tpu.vector_load %arg7[%get3A_485, %get3A_486, %get3A_487] {strides = array<i32>} : memref<4x200x64xf32, #tpu.memory_space<vmem>>, vector<16xf32>,
          %max3A_489 = arith.maximumf %max3A_479, %get3A_488 : vector<16xf32>
          %mul3A_490 = arith.constant 8 : i32
          %mul3A_491 = arith.muli %scan3A_406, %mul3A_490 : i32
          %add3A_492 = arith.constant 0 : i32
          %add3A_493 = arith.addi %mul3A_491, %add3A_492 : i32
          %get3A_494 = arith.constant 3 : i32
          %get3A_495 = arith.index_cast %get3A_494 : i32 to index
          %get3A_496 = arith.index_cast %add3A_493 : i32 to index
          %get3A_497 = arith.constant 16 : index
          %get3A_498 = tpu.vector_load %arg7[%get3A_495, %get3A_496, %get3A_497] {strides = array<i32>} : memref<4x200x64xf32, #tpu.memory_space<vmem>>, vector<16xf32>,
          %max3A_499 = arith.maximumf %scan3A_408, %get3A_498 : vector<16xf32>
          %mul3A_500 = arith.constant 8 : i32
          %mul3A_501 = arith.muli %scan3A_406, %mul3A_500 : i32
          %add3A_502 = arith.constant 1 : i32
          %add3A_503 = arith.addi %mul3A_501, %add3A_502 : i32
          %get3A_504 = arith.constant 3 : i32
          %get3A_505 = arith.index_cast %get3A_504 : i32 to index
          %get3A_506 = arith.index_cast %add3A_503 : i32 to index
          %get3A_507 = arith.constant 16 : index
          %get3A_508 = tpu.vector_load %arg7[%get3A_505, %get3A_506, %get3A_507] {strides = array<i32>} : memref<4x200x64xf32, #tpu.memory_space<vmem>>, vector<16xf32>,
          %max3A_509 = arith.maximumf %max3A_499, %get3A_508 : vector<16xf32>
          %mul3A_510 = arith.constant 8 : i32
          %mul3A_511 = arith.muli %scan3A_406, %mul3A_510 : i32
          %add3A_512 = arith.constant 2 : i32
          %add3A_513 = arith.addi %mul3A_511, %add3A_512 : i32
          %get3A_514 = arith.constant 3 : i32
          %get3A_515 = arith.index_cast %get3A_514 : i32 to index
          %get3A_516 = arith.index_cast %add3A_513 : i32 to index
          %get3A_517 = arith.constant 16 : index
          %get3A_518 = tpu.vector_load %arg7[%get3A_515, %get3A_516, %get3A_517] {strides = array<i32>} : memref<4x200x64xf32, #tpu.memory_space<vmem>>, vector<16xf32>,
          %max3A_519 = arith.maximumf %max3A_509, %get3A_518 : vector<16xf32>
          %mul3A_520 = arith.constant 8 : i32
          %mul3A_521 = arith.muli %scan3A_406, %mul3A_520 : i32
          %add3A_522 = arith.constant 3 : i32
          %add3A_523 = arith.addi %mul3A_521, %add3A_522 : i32
          %get3A_524 = arith.constant 3 : i32
          %get3A_525 = arith.index_cast %get3A_524 : i32 to index
          %get3A_526 = arith.index_cast %add3A_523 : i32 to index
          %get3A_527 = arith.constant 16 : index
          %get3A_528 = tpu.vector_load %arg7[%get3A_525, %get3A_526, %get3A_527] {strides = array<i32>} : memref<4x200x64xf32, #tpu.memory_space<vmem>>, vector<16xf32>,
          %max3A_529 = arith.maximumf %max3A_519, %get3A_528 : vector<16xf32>
          %mul3A_530 = arith.constant 8 : i32
          %mul3A_531 = arith.muli %scan3A_406, %mul3A_530 : i32
          %add3A_532 = arith.constant 4 : i32
          %add3A_533 = arith.addi %mul3A_531, %add3A_532 : i32
          %get3A_534 = arith.constant 3 : i32
          %get3A_535 = arith.index_cast %get3A_534 : i32 to index
          %get3A_536 = arith.index_cast %add3A_533 : i32 to index
          %get3A_537 = arith.constant 16 : index
          %get3A_538 = tpu.vector_load %arg7[%get3A_535, %get3A_536, %get3A_537] {strides = array<i32>} : memref<4x200x64xf32, #tpu.memory_space<vmem>>, vector<16xf32>,
          %max3A_539 = arith.maximumf %max3A_529, %get3A_538 : vector<16xf32>
          %mul3A_540 = arith.constant 8 : i32
          %mul3A_541 = arith.muli %scan3A_406, %mul3A_540 : i32
          %add3A_542 = arith.constant 5 : i32
          %add3A_543 = arith.addi %mul3A_541, %add3A_542 : i32
          %get3A_544 = arith.constant 3 : i32
          %get3A_545 = arith.index_cast %get3A_544 : i32 to index
          %get3A_546 = arith.index_cast %add3A_543 : i32 to index
          %get3A_547 = arith.constant 16 : index
          %get3A_548 = tpu.vector_load %arg7[%get3A_545, %get3A_546, %get3A_547] {strides = array<i32>} : memref<4x200x64xf32, #tpu.memory_space<vmem>>, vector<16xf32>,
          %max3A_549 = arith.maximumf %max3A_539, %get3A_548 : vector<16xf32>
          %mul3A_550 = arith.constant 8 : i32
          %mul3A_551 = arith.muli %scan3A_406, %mul3A_550 : i32
          %add3A_552 = arith.constant 6 : i32
          %add3A_553 = arith.addi %mul3A_551, %add3A_552 : i32
          %get3A_554 = arith.constant 3 : i32
          %get3A_555 = arith.index_cast %get3A_554 : i32 to index
          %get3A_556 = arith.index_cast %add3A_553 : i32 to index
          %get3A_557 = arith.constant 16 : index
          %get3A_558 = tpu.vector_load %arg7[%get3A_555, %get3A_556, %get3A_557] {strides = array<i32>} : memref<4x200x64xf32, #tpu.memory_space<vmem>>, vector<16xf32>,
          %max3A_559 = arith.maximumf %max3A_549, %get3A_558 : vector<16xf32>
          %mul3A_560 = arith.constant 8 : i32
          %mul3A_561 = arith.muli %scan3A_406, %mul3A_560 : i32
          %add3A_562 = arith.constant 7 : i32
          %add3A_563 = arith.addi %mul3A_561, %add3A_562 : i32
          %get3A_564 = arith.constant 3 : i32
          %get3A_565 = arith.index_cast %get3A_564 : i32 to index
          %get3A_566 = arith.index_cast %add3A_563 : i32 to index
          %get3A_567 = arith.constant 16 : index
          %get3A_568 = tpu.vector_load %arg7[%get3A_565, %get3A_566, %get3A_567] {strides = array<i32>} : memref<4x200x64xf32, #tpu.memory_space<vmem>>, vector<16xf32>,
          %max3A_569 = arith.maximumf %max3A_559, %get3A_568 : vector<16xf32>
          %mul3A_570 = arith.constant 8 : i32
          %mul3A_571 = arith.muli %scan3A_406, %mul3A_570 : i32
          %add3A_572 = arith.constant 0 : i32
          %add3A_573 = arith.addi %mul3A_571, %add3A_572 : i32
          %get3A_574 = arith.constant 3 : i32
          %get3A_575 = arith.index_cast %get3A_574 : i32 to index
          %get3A_576 = arith.index_cast %add3A_573 : i32 to index
          %get3A_577 = arith.constant 32 : index
          %get3A_578 = tpu.vector_load %arg7[%get3A_575, %get3A_576, %get3A_577] {strides = array<i32>} : memref<4x200x64xf32, #tpu.memory_space<vmem>>, vector<16xf32>,
          %max3A_579 = arith.maximumf %scan3A_409, %get3A_578 : vector<16xf32>
          %mul3A_580 = arith.constant 8 : i32
          %mul3A_581 = arith.muli %scan3A_406, %mul3A_580 : i32
          %add3A_582 = arith.constant 1 : i32
          %add3A_583 = arith.addi %mul3A_581, %add3A_582 : i32
          %get3A_584 = arith.constant 3 : i32
          %get3A_585 = arith.index_cast %get3A_584 : i32 to index
          %get3A_586 = arith.index_cast %add3A_583 : i32 to index
          %get3A_587 = arith.constant 32 : index
          %get3A_588 = tpu.vector_load %arg7[%get3A_585, %get3A_586, %get3A_587] {strides = array<i32>} : memref<4x200x64xf32, #tpu.memory_space<vmem>>, vector<16xf32>,
          %max3A_589 = arith.maximumf %max3A_579, %get3A_588 : vector<16xf32>
          %mul3A_590 = arith.constant 8 : i32
          %mul3A_591 = arith.muli %scan3A_406, %mul3A_590 : i32
          %add3A_592 = arith.constant 2 : i32
          %add3A_593 = arith.addi %mul3A_591, %add3A_592 : i32
          %get3A_594 = arith.constant 3 : i32
          %get3A_595 = arith.index_cast %get3A_594 : i32 to index
          %get3A_596 = arith.index_cast %add3A_593 : i32 to index
          %get3A_597 = arith.constant 32 : index
          %get3A_598 = tpu.vector_load %arg7[%get3A_595, %get3A_596, %get3A_597] {strides = array<i32>} : memref<4x200x64xf32, #tpu.memory_space<vmem>>, vector<16xf32>,
          %max3A_599 = arith.maximumf %max3A_589, %get3A_598 : vector<16xf32>
          %mul3A_600 = arith.constant 8 : i32
          %mul3A_601 = arith.muli %scan3A_406, %mul3A_600 : i32
          %add3A_602 = arith.constant 3 : i32
          %add3A_603 = arith.addi %mul3A_601, %add3A_602 : i32
          %get3A_604 = arith.constant 3 : i32
          %get3A_605 = arith.index_cast %get3A_604 : i32 to index
          %get3A_606 = arith.index_cast %add3A_603 : i32 to index
          %get3A_607 = arith.constant 32 : index
          %get3A_608 = tpu.vector_load %arg7[%get3A_605, %get3A_606, %get3A_607] {strides = array<i32>} : memref<4x200x64xf32, #tpu.memory_space<vmem>>, vector<16xf32>,
          %max3A_609 = arith.maximumf %max3A_599, %get3A_608 : vector<16xf32>
          %mul3A_610 = arith.constant 8 : i32
          %mul3A_611 = arith.muli %scan3A_406, %mul3A_610 : i32
          %add3A_612 = arith.constant 4 : i32
          %add3A_613 = arith.addi %mul3A_611, %add3A_612 : i32
          %get3A_614 = arith.constant 3 : i32
          %get3A_615 = arith.index_cast %get3A_614 : i32 to index
          %get3A_616 = arith.index_cast %add3A_613 : i32 to index
          %get3A_617 = arith.constant 32 : index
          %get3A_618 = tpu.vector_load %arg7[%get3A_615, %get3A_616, %get3A_617] {strides = array<i32>} : memref<4x200x64xf32, #tpu.memory_space<vmem>>, vector<16xf32>,
          %max3A_619 = arith.maximumf %max3A_609, %get3A_618 : vector<16xf32>
          %mul3A_620 = arith.constant 8 : i32
          %mul3A_621 = arith.muli %scan3A_406, %mul3A_620 : i32
          %add3A_622 = arith.constant 5 : i32
          %add3A_623 = arith.addi %mul3A_621, %add3A_622 : i32
          %get3A_624 = arith.constant 3 : i32
          %get3A_625 = arith.index_cast %get3A_624 : i32 to index
          %get3A_626 = arith.index_cast %add3A_623 : i32 to index
          %get3A_627 = arith.constant 32 : index
          %get3A_628 = tpu.vector_load %arg7[%get3A_625, %get3A_626, %get3A_627] {strides = array<i32>} : memref<4x200x64xf32, #tpu.memory_space<vmem>>, vector<16xf32>,
          %max3A_629 = arith.maximumf %max3A_619, %get3A_628 : vector<16xf32>
          %mul3A_630 = arith.constant 8 : i32
          %mul3A_631 = arith.muli %scan3A_406, %mul3A_630 : i32
          %add3A_632 = arith.constant 6 : i32
          %add3A_633 = arith.addi %mul3A_631, %add3A_632 : i32
          %get3A_634 = arith.constant 3 : i32
          %get3A_635 = arith.index_cast %get3A_634 : i32 to index
          %get3A_636 = arith.index_cast %add3A_633 : i32 to index
          %get3A_637 = arith.constant 32 : index
          %get3A_638 = tpu.vector_load %arg7[%get3A_635, %get3A_636, %get3A_637] {strides = array<i32>} : memref<4x200x64xf32, #tpu.memory_space<vmem>>, vector<16xf32>,
          %max3A_639 = arith.maximumf %max3A_629, %get3A_638 : vector<16xf32>
          %mul3A_640 = arith.constant 8 : i32
          %mul3A_641 = arith.muli %scan3A_406, %mul3A_640 : i32
          %add3A_642 = arith.constant 7 : i32
          %add3A_643 = arith.addi %mul3A_641, %add3A_642 : i32
          %get3A_644 = arith.constant 3 : i32
          %get3A_645 = arith.index_cast %get3A_644 : i32 to index
          %get3A_646 = arith.index_cast %add3A_643 : i32 to index
          %get3A_647 = arith.constant 32 : index
          %get3A_648 = tpu.vector_load %arg7[%get3A_645, %get3A_646, %get3A_647] {strides = array<i32>} : memref<4x200x64xf32, #tpu.memory_space<vmem>>, vector<16xf32>,
          %max3A_649 = arith.maximumf %max3A_639, %get3A_648 : vector<16xf32>
          %mul3A_650 = arith.constant 8 : i32
          %mul3A_651 = arith.muli %scan3A_406, %mul3A_650 : i32
          %add3A_652 = arith.constant 0 : i32
          %add3A_653 = arith.addi %mul3A_651, %add3A_652 : i32
          %get3A_654 = arith.constant 3 : i32
          %get3A_655 = arith.index_cast %get3A_654 : i32 to index
          %get3A_656 = arith.index_cast %add3A_653 : i32 to index
          %get3A_657 = arith.constant 48 : index
          %get3A_658 = tpu.vector_load %arg7[%get3A_655, %get3A_656, %get3A_657] {strides = array<i32>} : memref<4x200x64xf32, #tpu.memory_space<vmem>>, vector<16xf32>,
          %max3A_659 = arith.maximumf %scan3A_410, %get3A_658 : vector<16xf32>
          %mul3A_660 = arith.constant 8 : i32
          %mul3A_661 = arith.muli %scan3A_406, %mul3A_660 : i32
          %add3A_662 = arith.constant 1 : i32
          %add3A_663 = arith.addi %mul3A_661, %add3A_662 : i32
          %get3A_664 = arith.constant 3 : i32
          %get3A_665 = arith.index_cast %get3A_664 : i32 to index
          %get3A_666 = arith.index_cast %add3A_663 : i32 to index
          %get3A_667 = arith.constant 48 : index
          %get3A_668 = tpu.vector_load %arg7[%get3A_665, %get3A_666, %get3A_667] {strides = array<i32>} : memref<4x200x64xf32, #tpu.memory_space<vmem>>, vector<16xf32>,
          %max3A_669 = arith.maximumf %max3A_659, %get3A_668 : vector<16xf32>
          %mul3A_670 = arith.constant 8 : i32
          %mul3A_671 = arith.muli %scan3A_406, %mul3A_670 : i32
          %add3A_672 = arith.constant 2 : i32
          %add3A_673 = arith.addi %mul3A_671, %add3A_672 : i32
          %get3A_674 = arith.constant 3 : i32
          %get3A_675 = arith.index_cast %get3A_674 : i32 to index
          %get3A_676 = arith.index_cast %add3A_673 : i32 to index
          %get3A_677 = arith.constant 48 : index
          %get3A_678 = tpu.vector_load %arg7[%get3A_675, %get3A_676, %get3A_677] {strides = array<i32>} : memref<4x200x64xf32, #tpu.memory_space<vmem>>, vector<16xf32>,
          %max3A_679 = arith.maximumf %max3A_669, %get3A_678 : vector<16xf32>
          %mul3A_680 = arith.constant 8 : i32
          %mul3A_681 = arith.muli %scan3A_406, %mul3A_680 : i32
          %add3A_682 = arith.constant 3 : i32
          %add3A_683 = arith.addi %mul3A_681, %add3A_682 : i32
          %get3A_684 = arith.constant 3 : i32
          %get3A_685 = arith.index_cast %get3A_684 : i32 to index
          %get3A_686 = arith.index_cast %add3A_683 : i32 to index
          %get3A_687 = arith.constant 48 : index
          %get3A_688 = tpu.vector_load %arg7[%get3A_685, %get3A_686, %get3A_687] {strides = array<i32>} : memref<4x200x64xf32, #tpu.memory_space<vmem>>, vector<16xf32>,
          %max3A_689 = arith.maximumf %max3A_679, %get3A_688 : vector<16xf32>
          %mul3A_690 = arith.constant 8 : i32
          %mul3A_691 = arith.muli %scan3A_406, %mul3A_690 : i32
          %add3A_692 = arith.constant 4 : i32
          %add3A_693 = arith.addi %mul3A_691, %add3A_692 : i32
          %get3A_694 = arith.constant 3 : i32
          %get3A_695 = arith.index_cast %get3A_694 : i32 to index
          %get3A_696 = arith.index_cast %add3A_693 : i32 to index
          %get3A_697 = arith.constant 48 : index
          %get3A_698 = tpu.vector_load %arg7[%get3A_695, %get3A_696, %get3A_697] {strides = array<i32>} : memref<4x200x64xf32, #tpu.memory_space<vmem>>, vector<16xf32>,
          %max3A_699 = arith.maximumf %max3A_689, %get3A_698 : vector<16xf32>
          %mul3A_700 = arith.constant 8 : i32
          %mul3A_701 = arith.muli %scan3A_406, %mul3A_700 : i32
          %add3A_702 = arith.constant 5 : i32
          %add3A_703 = arith.addi %mul3A_701, %add3A_702 : i32
          %get3A_704 = arith.constant 3 : i32
          %get3A_705 = arith.index_cast %get3A_704 : i32 to index
          %get3A_706 = arith.index_cast %add3A_703 : i32 to index
          %get3A_707 = arith.constant 48 : index
          %get3A_708 = tpu.vector_load %arg7[%get3A_705, %get3A_706, %get3A_707] {strides = array<i32>} : memref<4x200x64xf32, #tpu.memory_space<vmem>>, vector<16xf32>,
          %max3A_709 = arith.maximumf %max3A_699, %get3A_708 : vector<16xf32>
          %mul3A_710 = arith.constant 8 : i32
          %mul3A_711 = arith.muli %scan3A_406, %mul3A_710 : i32
          %add3A_712 = arith.constant 6 : i32
          %add3A_713 = arith.addi %mul3A_711, %add3A_712 : i32
          %get3A_714 = arith.constant 3 : i32
          %get3A_715 = arith.index_cast %get3A_714 : i32 to index
          %get3A_716 = arith.index_cast %add3A_713 : i32 to index
          %get3A_717 = arith.constant 48 : index
          %get3A_718 = tpu.vector_load %arg7[%get3A_715, %get3A_716, %get3A_717] {strides = array<i32>} : memref<4x200x64xf32, #tpu.memory_space<vmem>>, vector<16xf32>,
          %max3A_719 = arith.maximumf %max3A_709, %get3A_718 : vector<16xf32>
          %mul3A_720 = arith.constant 8 : i32
          %mul3A_721 = arith.muli %scan3A_406, %mul3A_720 : i32
          %add3A_722 = arith.constant 7 : i32
          %add3A_723 = arith.addi %mul3A_721, %add3A_722 : i32
          %get3A_724 = arith.constant 3 : i32
          %get3A_725 = arith.index_cast %get3A_724 : i32 to index
          %get3A_726 = arith.index_cast %add3A_723 : i32 to index
          %get3A_727 = arith.constant 48 : index
          %get3A_728 = tpu.vector_load %arg7[%get3A_725, %get3A_726, %get3A_727] {strides = array<i32>} : memref<4x200x64xf32, #tpu.memory_space<vmem>>, vector<16xf32>,
          %max3A_729 = arith.maximumf %max3A_719, %get3A_728 : vector<16xf32>
          scf.yield %max3A_489, %max3A_569, %max3A_649, %max3A_729 : vector<16xf32>, vector<16xf32>, vector<16xf32>, vector<16xf32>
        }
        %scan3A_388 = arith.constant 25 : i32
        %swap3A_389 = arith.index_cast %add3A_332 : i32 to index
        %swap3A_390 = arith.constant 0 : index
        %swap3A_391 = tpu.vector_load %arg8[%swap3A_389, %swap3A_390] {strides = array<i32>} : memref<128x64xf32, #tpu.memory_space<vmem>>, vector<16xf32>,
        tpu.vector_store %arg8[%swap3A_389, %swap3A_390], %scan3A_387#0 {strides = array<i32>} : memref<128x64xf32, #tpu.memory_space<vmem>>, vector<16xf32>,
        %swap3A_392 = arith.index_cast %add3A_332 : i32 to index
        %swap3A_393 = arith.constant 16 : index
        %swap3A_394 = tpu.vector_load %arg8[%swap3A_392, %swap3A_393] {strides = array<i32>} : memref<128x64xf32, #tpu.memory_space<vmem>>, vector<16xf32>,
        tpu.vector_store %arg8[%swap3A_392, %swap3A_393], %scan3A_387#1 {strides = array<i32>} : memref<128x64xf32, #tpu.memory_space<vmem>>, vector<16xf32>,
        %swap3A_395 = arith.index_cast %add3A_332 : i32 to index
        %swap3A_396 = arith.constant 32 : index
        %swap3A_397 = tpu.vector_load %arg8[%swap3A_395, %swap3A_396] {strides = array<i32>} : memref<128x64xf32, #tpu.memory_space<vmem>>, vector<16xf32>,
        tpu.vector_store %arg8[%swap3A_395, %swap3A_396], %scan3A_387#2 {strides = array<i32>} : memref<128x64xf32, #tpu.memory_space<vmem>>, vector<16xf32>,
        %swap3A_398 = arith.index_cast %add3A_332 : i32 to index
        %swap3A_399 = arith.constant 48 : index
        %swap3A_400 = tpu.vector_load %arg8[%swap3A_398, %swap3A_399] {strides = array<i32>} : memref<128x64xf32, #tpu.memory_space<vmem>>, vector<16xf32>,
        tpu.vector_store %arg8[%swap3A_398, %swap3A_399], %scan3A_387#3 {strides = array<i32>} : memref<128x64xf32, #tpu.memory_space<vmem>>, vector<16xf32>,
        %lt3A_401 = arith.constant 31 : i32
        %lt3A_402 = arith.cmpi slt, %scan3A_103, %lt3A_401 : i32
        %convert_element_type3A_403 = arith.extui %lt3A_402 : i1 to i32
        %cond3A_404 = arith.constant 0 : i32
        %cond3A_405 = arith.cmpi ne, %convert_element_type3A_403, %cond3A_404 : i32
        scf.if %cond3A_405 {
          %add3A_406 = arith.constant 4 : i32
          %add3A_407 = arith.addi %add3A_332, %add3A_406 : i32
          %mul3A_408 = arith.constant 200 : i32
          %mul3A_409 = arith.muli %add3A_407, %mul3A_408 : i32
          %add3A_410 = arith.constant 0 : i32
          %add3A_411 = arith.addi %mul3A_409, %add3A_410 : i32
          %dma_start3A_412 = arith.constant 3 : i32
          %dma_start3A_413 = arith.constant 0 : i32
          %dma_start3A_414 = arith.constant 0 : i32
          %dma_start3A_415 = tpu.memref_slice %arg7[%dma_start3A_412, %dma_start3A_413, %dma_start3A_414] : memref<4x200x64xf32, #tpu.memory_space<vmem>> -> memref<1x128x64xf32, #tpu.memory_space<vmem>>
          %dma_start3A_416 = tpu.memref_squeeze %dma_start3A_415 : memref<1x128x64xf32, #tpu.memory_space<vmem>> -> memref<128x64xf32, #tpu.memory_space<vmem>>
          %dma_start3A_417 = tpu.memref_slice %arg6[%add3A_411] : memref<25600xi32, #tpu.memory_space<vmem>> -> memref<128xi32, #tpu.memory_space<vmem>>
          %dma_start3A_418 = arith.constant 0 : i32
          %dma_start3A_419 = arith.constant 0 : i32
          %dma_start3A_420 = tpu.memref_slice %arg3[%dma_start3A_418, %dma_start3A_419] : memref<2000000x64xf32, #tpu.memory_space<hbm>> -> memref<2000000x64xf32, #tpu.memory_space<hbm>>
          tpu.enqueue_indirect_dma source(%dma_start3A_420 : memref<2000000x64xf32, #tpu.memory_space<hbm>>) target(%dma_start3A_416 : memref<128x64xf32, #tpu.memory_space<vmem>>) offsets(%dma_start3A_417 : memref<128xi32, #tpu.memory_space<vmem>>) semaphore(%arg12 : memref<!tpu.dma_semaphore, #tpu.memory_space<semaphore_mem>>)
          %mul3A_421 = arith.constant 200 : i32
          %mul3A_422 = arith.muli %add3A_407, %mul3A_421 : i32
          %add3A_423 = arith.constant 128 : i32
          %add3A_424 = arith.addi %mul3A_422, %add3A_423 : i32
          %dma_start3A_425 = arith.constant 3 : i32
          %dma_start3A_426 = arith.constant 128 : i32
          %dma_start3A_427 = arith.constant 0 : i32
          %dma_start3A_428 = tpu.memref_slice %arg7[%dma_start3A_425, %dma_start3A_426, %dma_start3A_427] : memref<4x200x64xf32, #tpu.memory_space<vmem>> -> memref<1x72x64xf32, #tpu.memory_space<vmem>>
          %dma_start3A_429 = tpu.memref_squeeze %dma_start3A_428 : memref<1x72x64xf32, #tpu.memory_space<vmem>> -> memref<72x64xf32, #tpu.memory_space<vmem>>
          %dma_start3A_430 = tpu.memref_slice %arg6[%add3A_424] : memref<25600xi32, #tpu.memory_space<vmem>> -> memref<72xi32, #tpu.memory_space<vmem>>
          %dma_start3A_431 = arith.constant 0 : i32
          %dma_start3A_432 = arith.constant 0 : i32
          %dma_start3A_433 = tpu.memref_slice %arg3[%dma_start3A_431, %dma_start3A_432] : memref<2000000x64xf32, #tpu.memory_space<hbm>> -> memref<2000000x64xf32, #tpu.memory_space<hbm>>
          tpu.enqueue_indirect_dma source(%dma_start3A_433 : memref<2000000x64xf32, #tpu.memory_space<hbm>>) target(%dma_start3A_429 : memref<72x64xf32, #tpu.memory_space<vmem>>) offsets(%dma_start3A_430 : memref<72xi32, #tpu.memory_space<vmem>>) semaphore(%arg12 : memref<!tpu.dma_semaphore, #tpu.memory_space<semaphore_mem>>)
        } else {
        }
      }
      %scan3A_102 = arith.constant 32 : i32
      "tpu.region"() ({
        %run_scoped3A = tpu.sem_alloc : memref<!tpu.dma_semaphore, #tpu.memory_space<semaphore_mem>>
        %dma_start3A_103 = arith.constant 0 : i32
        %dma_start3A_104 = tpu.memref_slice %arg4[%add3A_11, %dma_start3A_103] : memref<16384x64xf32, #tpu.memory_space<hbm>> -> memref<128x64xf32, #tpu.memory_space<hbm>>
        %dma_start3A_105 = arith.constant 0 : i32
        %dma_start3A_106 = tpu.memref_slice %arg4[%add3A_11, %dma_start3A_105] : memref<16384x64xf32, #tpu.memory_space<hbm>> -> memref<128x64xf32, #tpu.memory_space<hbm>>
        tpu.enqueue_dma source(%arg8 : memref<128x64xf32, #tpu.memory_space<vmem>>) target(%dma_start3A_106 : memref<128x64xf32, #tpu.memory_space<hbm>>) target_semaphore(%run_scoped3A : memref<!tpu.dma_semaphore, #tpu.memory_space<semaphore_mem>>)
        %dma_wait3A = arith.constant 0 : i32
        %dma_wait3A_107 = tpu.memref_slice %arg4[%add3A_11, %dma_wait3A] : memref<16384x64xf32, #tpu.memory_space<hbm>> -> memref<128x64xf32, #tpu.memory_space<hbm>>
        %dma_wait3A_108 = arith.constant 0 : i32
        %dma_wait3A_109 = tpu.memref_slice %arg4[%add3A_11, %dma_wait3A_108] : memref<16384x64xf32, #tpu.memory_space<hbm>> -> memref<128x64xf32, #tpu.memory_space<hbm>>
        tpu.wait_dma2 semaphore(%run_scoped3A : memref<!tpu.dma_semaphore, #tpu.memory_space<semaphore_mem>>) src(%arg8 : memref<128x64xf32, #tpu.memory_space<vmem>>) dst(%dma_wait3A_109 : memref<128x64xf32, #tpu.memory_space<hbm>>)
        tpu.yield
      }) : () -> ()
    }
    %scan3A_7 = arith.constant 4 : i32
    return
  }
}

</mosaic_0001>

<sc_bundles>
// kernel: kernel.3.cloned.1.call-start
scs
__scs_entry_jumppad:
0x0: {  	(pc) =	sbr.rel $0x88, $3  }
0x1: {  	(tag) =	ssettag $0x0;
	lr =	simm.s32 $0x1  }
0x2: {  	[smem:$0x3F9F] =	sst lr;
	_ =	strace $0xD0000000  }
0x3: {  	_ = 	snop  }
0x4: {  	_ = 	snop  }
0x5: {  	_ = 	snop  }
0x6: {  	_ = 	snop  }
0x7: {  	_ = 	snop  }
__scs_overlays_trampoline_lowered:
0x8: {  	[smem:$0x3FAE] =	sst s0  }
0x9: {  	[smem:$0x3FAF] =	sst s1  }
0xa: {  	[smem:$0x3FB0] =	sst s2  }
0xb: {  	[smem:$0x3FB1] =	sst s3  }
0xc: {  	[smem:$0x3FB2] =	sst s4  }
0xd: {  	[smem:$0x3FB3] =	sst s5  }
0xe: {  	[smem:$0x3FB4] =	sst s6  }
0xf: {  	[smem:$0x3FB5] =	sst s7  }
0x10: {  	[smem:$0x3FB6] =	sst s8  }
0x11: {  	[smem:$0x3FB7] =	sst s9;
	s0 =	simm.s32 @!p0 $0x0  }
0x12: {  	s1 =	sld [smem:$0x3F9D];
	s0 =	simm.s32 @p0 $0x1  }
0x13: {  	[smem:$0x3FB8] =	sst s0;
	s0 =	simm.s32 @!p1 $0x0  }
0x14: {  	s2 =	sld [smem:$0x3F9C];
	s0 =	simm.s32 @p1 $0x1  }
0x15: {  	[smem:$0x3FB9] =	sst s0;
	s0 =	simm.s32 @!p2 $0x0  }
0x16: {  	s3 =	sld [smem:$0x3FDB];
	s0 =	simm.s32 @p2 $0x1  }
0x17: {  	s4 =	simm.s32 $0x1BF5;
	[smem:$0x3FBB] =	sst s0  }
0x18: {  	s0 =	sld [smem:$0x3F9E];
	_ =	swait.ge [sflag:s4], $0x0  }
0x19: {  	s7 =	sld [smem:$0x3F9F]  }
0x1a: {  	s8 =	sadd.s32 $0xFFFFE003, lr  }
0x1b: {  	s9 =	sadd.s32 $0xFFFFFEF7, lr;
	s5 =	simm.s32 $0xFFFFFFFF;
	p2 =	slt.u32 s8, $0xFFFFF086  }
0x1c: {  	p1 =	slt.u32 s9, $0xF7A;
	s5 =	simm.s32 @!p2 $0x0  }
0x1d: {  	s5 =	simm.s32 @p1 $0x1;
	p0 =	seq.s32 s7, s2  }
0x1e: {  	s7 =	smul.u32 @!p0 $0xF7A, s2;
	p2 =	seq.s32 @!p0 s5, $0x0  }
0x1f: {  	s9 =	smul.u32 $0xF7A, s1;
	s8 =	simm.s32 @!p0 $0x1BF5;
	p2 =	por !p2, p0  }
0x20: {  	[sflag:s8] =	ssyncset.s32 @!p0 $0xFFFFF086;
	s6 =	sadd.s32 @!p0 s3, s7;
	s7 =	simm.s32 @!p0 $0x108  }
0x21: {  	s3 =	sadd.s32 s3, s9;
	s6 =	sadd.s32 @!p0 $0x88, s6;
	s7 =	simm.s32 @p2 $0x1082  }
0x22: {  	[simem:s7], [sflag:s8] =	dma.local @!p0 [hbm:s6], $0xF7A  }
0x23: {  	s9 =	sor.u32 $0xD0000000, s2;
	s6 =	simm.s32 $0x108;
	_ =	swait.ge @!p0 [sflag:s8], $0x0  }
0x24: {  	s3 =	sadd.s32 $0x88, s3;
	s6 =	simm.s32 @!p1 $0x1082;
	[sflag:s4] =	ssyncset.s32 $0xFFFFF086  }
0x25: {  	[simem:s6], [sflag:s4] =	dma.local [hbm:s3], $0xF7A  }
0x26: {  	[smem:$0x3F9F] =	sst s1;
	(tag) =	ssettag s2;
	_ =	strace s9  }
0x27: {  	s1 =	sld [smem:$0x3FAF]  }
0x28: {  	s2 =	sld [smem:$0x3FB0]  }
0x29: {  	s4 =	sld [smem:$0x3FB2]  }
0x2a: {  	p0 =	seq.s32 s5, $0x0;
	s5 =	sld [smem:$0x3FB3]  }
0x2b: {  	s6 =	sld [smem:$0x3FB4]  }
0x2c: {  	s7 =	sld [smem:$0x3FB5]  }
0x2d: {  	s3 =	simm.s32 $0x108;
	s8 =	sld [smem:$0x3FB6]  }
0x2e: {  	s3 =	simm.s32 @!p0 $0x1082;
	s9 =	sld [smem:$0x3FB7]  }
0x2f: {  	lr =	sadd.s32 s0, s3;
	s0 =	sld [smem:$0x3FAE]  }
0x30: {  	s3 =	sld [smem:$0x3FB1]  }
0x31: {  	[smem:$0x3FBA] =	sst s10  }
0x32: {  	s10 =	sld [smem:$0x3FB8];
	_ =	sdelay $0x3  }
0x33: {  	p0 =	seq.s32 s10, $0x1;
	s10 =	sld [smem:$0x3FBA];
	_ =	sdelay $0x3  }
0x34: {  	[smem:$0x3FBA] =	sst s10  }
0x35: {  	s10 =	sld [smem:$0x3FB9];
	_ =	sdelay $0x3  }
0x36: {  	p1 =	seq.s32 s10, $0x1;
	s10 =	sld [smem:$0x3FBA];
	_ =	sdelay $0x3  }
0x37: {  	[smem:$0x3FBA] =	sst s10  }
0x38: {  	s10 =	sld [smem:$0x3FBB]  }
0x39: {  	_ = 	snop;
	(pc) =	sbr.ind lr, $3  }
0x3a: {  	_ = 	snop  }
0x3b: {  	_ = 	snop  }
0x3c: {  	p2 =	seq.s32 s10, $0x1;
	s10 =	sld [smem:$0x3FBA]  }
0x3d: {  	_ =	shalt  }
0x3e: {  	_ =	shalt  }
0x3f: {  	_ =	shalt  }
0x40: {  	_ =	shalt  }
0x41: {  	_ =	shalt  }
0x42: {  	_ =	shalt  }
0x43: {  	_ =	shalt  }
0x44: {  	_ =	shalt  }
0x45: {  	_ =	shalt  }
0x46: {  	_ =	shalt  }
0x47: {  	_ =	shalt  }
0x48: {  	_ =	shalt  }
0x49: {  	_ =	shalt  }
0x4a: {  	_ =	shalt  }
0x4b: {  	_ =	shalt  }
0x4c: {  	_ =	shalt  }
0x4d: {  	_ =	shalt  }
0x4e: {  	_ =	shalt  }
0x4f: {  	_ =	shalt  }
0x50: {  	_ =	shalt  }
0x51: {  	_ =	shalt  }
0x52: {  	_ =	shalt  }
0x53: {  	_ =	shalt  }
0x54: {  	_ =	shalt  }
0x55: {  	_ =	shalt  }
0x56: {  	_ =	shalt  }
0x57: {  	_ =	shalt  }
0x58: {  	_ =	shalt  }
0x59: {  	_ =	shalt  }
0x5a: {  	_ =	shalt  }
0x5b: {  	_ =	shalt  }
0x5c: {  	_ =	shalt  }
0x5d: {  	_ =	shalt  }
0x5e: {  	_ =	shalt  }
0x5f: {  	_ =	shalt  }
0x60: {  	_ =	shalt  }
0x61: {  	_ =	shalt  }
0x62: {  	_ =	shalt  }
0x63: {  	_ =	shalt  }
0x64: {  	_ =	shalt  }
0x65: {  	_ =	shalt  }
0x66: {  	_ =	shalt  }
0x67: {  	_ =	shalt  }
0x68: {  	_ =	shalt  }
0x69: {  	_ =	shalt  }
0x6a: {  	_ =	shalt  }
0x6b: {  	_ =	shalt  }
0x6c: {  	_ =	shalt  }
0x6d: {  	_ =	shalt  }
0x6e: {  	_ =	shalt  }
0x6f: {  	_ =	shalt  }
0x70: {  	_ =	shalt  }
0x71: {  	_ =	shalt  }
0x72: {  	_ =	shalt  }
0x73: {  	_ =	shalt  }
0x74: {  	_ =	shalt  }
0x75: {  	_ =	shalt  }
0x76: {  	_ =	shalt  }
0x77: {  	_ =	shalt  }
0x78: {  	_ =	shalt  }
0x79: {  	_ =	shalt  }
0x7a: {  	_ =	shalt  }
0x7b: {  	_ =	shalt  }
0x7c: {  	_ =	shalt  }
0x7d: {  	_ =	shalt  }
0x7e: {  	_ =	shalt  }
0x7f: {  	_ =	shalt  }
0x80: {  	_ =	shalt  }
0x81: {  	_ =	shalt  }
0x82: {  	_ =	shalt  }
0x83: {  	_ =	shalt  }
0x84: {  	_ =	shalt  }
0x85: {  	_ =	shalt  }
0x86: {  	_ =	shalt  }
0x87: {  	_ =	shalt  }
.Lfunc_end0:
.L_simem_size_0:
called_computation.1_lowered:
.L_overlay_start_0:
0x88: {  	s2 =	sld [smem:$0x3FD9]  }
0x89: {  	s3 =	sld [smem:$0x3FFE];
	_ =	sdelay $0x1  }
0x8a: {  	s1 =	srdreg.scid  }
0x8b: {  	s0 =	sand.u32 $0x1, s1  }
0x8c: {  	s17 =	sshll.u32 s0, $0xA;
	s2 =	sadd.s32 s3, s2  }
0x8d: {  	s2 =	sadd.s32 s2, s17  }
0x8e: {  	[smem:$0x3FC6] =	sst s2  }
0x8f: {  	_ = 	snop  }
0x90: {  	s2 =	sld [smem:$0x3FD0];
	(tm) =	ssettm $0x1  }
0x91: {  	s18 =	sld [smem:$0x3FFB];
	_ =	sdelay $0x3  }
0x92: {  	_ =	strace s18  }
0x93: {  	s3 =	sld [smem:$0x3FFC];
	_ =	sdelay $0x3  }
0x94: {  	_ =	strace s3  }
0x95: {  	s3 =	sld [smem:$0x3FFD];
	_ =	sdelay $0x3  }
0x96: {  	_ =	strace s3  }
0x97: {  	_ =	strace $0x8FFFFFFF  }
0x98: {  	s19 =	sld [smem:$0x3FDB];
	_ =	sdelay $0x1  }
0x99: {  	s4 =	simm.s32 $_scs_section_size  }
0x9a: {  	s5 =	simm.s32 $_size__tile_overlayer_lowered;
	s6 =	simm.s32 $_tile_overlayer_lowered  }
0x9b: {  	s22 =	simm.s32 $0x1BFF;
	s21 =	sshll.u32 s6, $0x1;
	s3 =	sadd.s32 s4, s19  }
0x9c: {  	s7 =	simm.s32 $0x0;
	s20 =	sshll.u32 s5, $0x1;
	s5 =	sadd.s32 s21, s3  }
0x9d: {  	[timem:s7], [sflag:s22] =	dma.local [hbm:s5], s20  }
0x9e: {  	_ =	swait.ge [sflag:s22], s20  }
0x9f: {  	s4 =	ssub.s32 $0x0, s20;
	[sflag:s22] =	ssyncset.done $0x0  }
0xa0: {  	[sflag:s22] =	ssyncadd.s32 s4;
	_ =	sdelay $0x1  }
0xa1: {  	s23 =	simm.s32 $0x1B8B  }
0xa2: {  	_ =	swait.ge [sflag:s23], $0x1  }
0xa3: {  	[sflag:s23] =	ssyncset.done $0x0  }
0xa4: {  	s25 =	simm.s32 $0x1B8E;
	s24 =	sld [smem:$0x3FFE];
	[sflag:s23] =	ssyncadd.s32 $0xFFFFFFFF  }
0xa5: {  	s26 =	simm.s32 $execute0_lowered;
	[smem:$0x3FD2] =	sst s25  }
0xa6: {  	s5 =	sshll.u32 s26, $0x1;
	_ =	strace $0x80000049;
	[dreg:$0x1] =	wrdreg $0xFFFFFFFF  }
0xa7: {  	s28 =	simm.s32 $_size_execute0_lowered;
	s3 =	sadd.s32 s3, s5;
	[dreg:$0x0] =	wrdreg $0x0  }
0xa8: {  	s5 =	sshll.u32 s28, $0x1;
	[dreg:$0x2] =	wrdreg s3  }
0xa9: {  	[dreg:$0x3] =	wrdreg s5  }
0xaa: {  	[dreg:$0x4] =	wrdreg $0xC0  }
0xab: {  	_ =	task [dreg:s7], $0x5FFFF  }
0xac: {  	[dreg:$0x1] =	wrdreg $0xFFFFFFFF  }
0xad: {  	[dreg:$0x0] =	wrdreg $0x60  }
0xae: {  	[dreg:$0x2] =	wrdreg s24  }
0xaf: {  	[dreg:$0x3] =	wrdreg s2  }
0xb0: {  	[dreg:$0x4] =	wrdreg $0x9  }
0xb1: {  	_ =	task.clear_ibuf [dreg:s7], $0x5FFFF;
	_ =	strace $0x90000049  }
0xb2: {  	s29 =	simm.s32 $0x9;
	_ =	strace $0x8000004B  }
0xb3: {  	_ =	swait.ge [sflag:s29], $0x1  }
0xb4: {  	[sflag:s29] =	ssyncadd.s32 $0xFFFFFFFF  }
0xb5: {  	_ =	strace $0x9000004B  }
0xb6: {  	_ =	sfence  }
0xb7: {  	s30 =	sld [smem:$0x0];
	_ =	sdelay $0x2  }
0xb8: {  	s31 =	sshll.u32 s1, $0xD;
	s1 =	sshrl.u32 s1, $0x2  }
0xb9: {  	s3 =	sand.u32 $0x4000, s31;
	s1 =	sadd.s32 s1, s30  }
0xba: {  	s0 =	sor.u32 s3, s0;
	s1 =	sshll.u32 s1, $0x11  }
0xbb: {  	s0 =	sor.u32 s1, s0  }
0xbc: {  	s0 =	sadd.s32 $0x8F2B, s0  }
0xbd: {  	[sflag:s0] =	ssyncadd.remote.s32 $0x1  }
0xbe: {  	_ =	sfence.sel $0xFFFF  }
0xbf: {  	[dreg:$0x0] =	wrdreg $0xFFFFFFFF;
	(pc) =	sbr.abs _section_cstart, $3  }
0xc0: {  	[dreg:$0x1] =	wrdreg $0xFFFFFFFF  }
0xc1: {  	_ =	task.clear_ibuf [dreg:s7], $0x2FFFF;
	_ =	strace $0x9FFFFFFF  }
0xc2: {  	(tm) =	ssettm $0x7FFFFFFF  }
0xc3: {  	_ =	shalt  }
tec
execute0_lowered:
.L_overlay_start_1:
0x0: {  	(tag) =	ssettag $0x1  }
0x1: {  	s0 =	rddreg [dreg:$0x0];
	s1 =	simm.s32 $0x0;
	s25 =	srdreg.scid  }
0x2: {  	s5 =	stileid.u32;
	s8 =	simm.s32 $0x80;
	s10 =	simm.s32 $0x5  }
0x3: {  	s11 =	simm.s32 $0x6400;
	s13 =	simm.s32 $0x48;
	s17 =	simm.s32 $0xFA00  }
0x4: {  	s18 =	simm.s32 $0x6548;
	s19 =	simm.s32 $0x11A00;
	s20 =	simm.s32 $0x6590  }
0x5: {  	s21 =	simm.s32 $0x12C00;
	s22 =	simm.s32 $0x6610;
	s23 =	simm.s32 $0x14C00  }
0x6: {  	s24 =	simm.s32 $0x6658;
	s28 =	simm.s32 $0x17E00;
	s29 =	simm.s32 $0x1  }
0x7: {  	s30 =	simm.s32 $0x2;
	s31 =	simm.s32 $0x3;
	[smem:$0x7FF] =	sst s1  }
0x8: {  	v0 =	vlaneseq.u32;
	s1 =	sand.u32 $0x1, s25;
	s4 =	sadd.s32 $0xF42E00, s0;
	s6 =	sshll.u32 s5, $0xA  }
.Ltmp0:
0x9: {  	s5 =	sadd.s32 $0xFA6E00, s0;
	v0 =	vmul.u32 $0xC8, v0;
	s2 =	ssub.s32 $0x2, s1;
	(pc) =	sbr.rel .LBB2_1-.Ltmp0, $4  }
0xa: {  	s25 =	simm.s32 $0x15E00;
	s1 =	sshll.u32 s1, $0x9;
	s3 =	sshrl.u32 s2, $0x1  }
0xb: {  	_ =	strace $0x8000004A;
	s6 =	sor.u32 s1, s6;
	v1 =	vadd.s32 $0xC80, v0;
	s26 =	ssub.s32 s2, s3  }
0xc: {  	v2 =	vadd.s32 $0x1900, v0;
	v3 =	vadd.s32 $0x2580, v0;
	v4 =	vadd.s32 $0x3200, v0;
	s3 =	simm.s32 $0x19000;
	s2 =	simm.s32 $0x0;
	s0 =	smax.u32 s26, $0x1  }
0xd: {  	v5 =	vadd.s32 $0x3E80, v0;
	v6 =	vadd.s32 $0x4B00, v0;
	v7 =	vadd.s32 $0x5780, v0;
	s26 =	simm.s32 $0x66D8;
	[dreg:$0x3] =	wrdreg s0;
	s0 =	simm.s32 $0x4  }
.LBB2_16:
0xe: {  	s2 =	rddreg [dreg:$0x4]  }
0xf: {  	s1 =	rddreg [dreg:$0x3];
	s2 =	sadd.s32 $0x1, s2  }
0x10: {  	p0 =	sne.s32 s2, s1  }
.Ltmp1:
0x11: {  	_ = 	snop;
	(pc) =	sbr.rel @!p0 .LBB2_17-.Ltmp1, $1  }
0x12: {  	_ =	sdelay $0x3  }
.LBB2_1:
.Ltmp2:
0x13: {  	(pc) =	sbr.rel .LBB2_2-.Ltmp2, $2  }
0x14: {  	_ =	sdelay $0x2  }
0x15: {  	[dreg:$0x4] =	wrdreg s2;
	s7 =	simm.s32 $0x0  }
.LBB2_15:
0x16: {  	s7 =	sadd.s32 $0x1, s7  }
0x17: {  	s1 =	sshll.u32 s1, $0x3;
	s2 =	rddreg [dreg:$0x1];
	p0 =	sne.s32 s7, $0x4  }
.Ltmp3:
0x18: {  	s16 =	simm.s32 $0x0;
	s1 =	sadd.s32 s2, s1;
	(pc) =	sbr.rel @!p0 .LBB2_16-.Ltmp3, $4  }
0x19: {  	[hbm4b:s1+s16] =	stream.linear.scatter [tilespmem:s3], [sflag:$0x5], $0x2000, $0x38;
	[tilespmem:$0x1B000] =	vst v63  }
0x1a: {  	_ =	swait.ge [sflag:s10], $0x2000  }
0x1b: {  	[sflag:s10] =	ssyncset.done $0x0  }
0x1c: {  	[sflag:s10] =	ssyncadd.s32 $0xFFFFE000  }
.LBB2_2:
0x1d: {  	s1 =	sshll.u32 s7, $0x7  }
0x1e: {  	s1 =	sadd.s32 s6, s1  }
0x1f: {  	s2 =	sshrl.u32 s1, $0x3  }
0x20: {  	s12 =	simm.s32 $0x0;
	s9 =	simm.s32 $0x4000;
	s2 =	sadd.s32 s4, s2  }
0x21: {  	[tilespmem:s12], [sflag:$0x5] =	stream.strided.gather [hbm4b:s2+s8], $0x6400, s9, s8, $0x38;
	[tilespmem:$0x1B000] =	vst v63  }
0x22: {  	_ =	swait.ge [sflag:s10], $0x6400  }
0x23: {  	[sflag:s10] =	ssyncset.done $0x0  }
0x24: {  	s2 =	simm.s32 $0x40;
	[sflag:s10] =	ssyncadd.s32 $0xFFFF9C00  }
0x25: {  	v8 =	vld [tilespmem:s2+$0xFFFFFFC0]  }
0x26: {  	v9 =	vadd.s32 s12, v0;
	_ =	sdelay $0x3  }
0x27: {  	v8 =	vshll.u32 v8, $0x1  }
0x28: {  	[tilespmem:v9+s11+$0x0] =	vst.idx.msk $0xffff, v8  }
0x29: {  	v8 =	vld [tilespmem:s2+$0xFFFFFFD0]  }
0x2a: {  	v9 =	vadd.s32 s12, v1;
	_ =	sdelay $0x3  }
0x2b: {  	v8 =	vshll.u32 v8, $0x1  }
0x2c: {  	[tilespmem:v9+s11+$0x0] =	vst.idx.msk $0xffff, v8  }
0x2d: {  	v8 =	vld [tilespmem:s2+$0xFFFFFFE0]  }
0x2e: {  	v9 =	vadd.s32 s12, v2;
	_ =	sdelay $0x3  }
0x2f: {  	v8 =	vshll.u32 v8, $0x1  }
0x30: {  	[tilespmem:v9+s11+$0x0] =	vst.idx.msk $0xffff, v8  }
0x31: {  	v8 =	vld [tilespmem:s2+$0xFFFFFFF0]  }
0x32: {  	v9 =	vadd.s32 s12, v3;
	_ =	sdelay $0x3  }
0x33: {  	v8 =	vshll.u32 v8, $0x1  }
0x34: {  	[tilespmem:v9+s11+$0x0] =	vst.idx.msk $0xffff, v8  }
0x35: {  	v8 =	vld [tilespmem:s2+$0x0]  }
0x36: {  	v9 =	vadd.s32 s12, v4;
	_ =	sdelay $0x3  }
0x37: {  	v8 =	vshll.u32 v8, $0x1  }
0x38: {  	[tilespmem:v9+s11+$0x0] =	vst.idx.msk $0xffff, v8  }
0x39: {  	v8 =	vld [tilespmem:s2+$0x10]  }
0x3a: {  	v9 =	vadd.s32 s12, v5;
	_ =	sdelay $0x3  }
0x3b: {  	v8 =	vshll.u32 v8, $0x1  }
0x3c: {  	[tilespmem:v9+s11+$0x0] =	vst.idx.msk $0xffff, v8  }
0x3d: {  	v8 =	vld [tilespmem:s2+$0x20]  }
0x3e: {  	v9 =	vadd.s32 s12, v6;
	_ =	sdelay $0x3  }
0x3f: {  	v8 =	vshll.u32 v8, $0x1  }
0x40: {  	[tilespmem:v9+s11+$0x0] =	vst.idx.msk $0xffff, v8  }
0x41: {  	v9 =	vld [tilespmem:s2+$0x30];
	_ =	sdelay $0x1  }
0x42: {  	v8 =	vadd.s32 s12, v7;
	_ =	sdelay $0x2  }
0x43: {  	s9 =	simm.s32 $0x1;
	v9 =	vshll.u32 v9, $0x1  }
.LBB2_3:
0x44: {  	p0 =	sne.s32 s9, $0xC7  }
0x45: {  	[tilespmem:v8+s11+$0x0] =	vst.idx.msk $0xffff, v9;
	s2 =	sadd.s32 $0x80, s2;
	s12 =	smov.u32 s9;
	s9 =	sadd.s32 $0x1, s9  }
0x46: {  	v8 =	vld [tilespmem:s2+$0xFFFFFFC0]  }
0x47: {  	v9 =	vadd.s32 s12, v0;
	_ =	sdelay $0x3  }
0x48: {  	v8 =	vshll.u32 v8, $0x1  }
0x49: {  	[tilespmem:v9+s11+$0x0] =	vst.idx.msk $0xffff, v8  }
0x4a: {  	v8 =	vld [tilespmem:s2+$0xFFFFFFD0]  }
0x4b: {  	v9 =	vadd.s32 s12, v1;
	_ =	sdelay $0x3  }
0x4c: {  	v8 =	vshll.u32 v8, $0x1  }
0x4d: {  	[tilespmem:v9+s11+$0x0] =	vst.idx.msk $0xffff, v8  }
0x4e: {  	v8 =	vld [tilespmem:s2+$0xFFFFFFE0]  }
0x4f: {  	v9 =	vadd.s32 s12, v2;
	_ =	sdelay $0x3  }
0x50: {  	v8 =	vshll.u32 v8, $0x1  }
0x51: {  	[tilespmem:v9+s11+$0x0] =	vst.idx.msk $0xffff, v8  }
0x52: {  	v8 =	vld [tilespmem:s2+$0xFFFFFFF0]  }
0x53: {  	v9 =	vadd.s32 s12, v3;
	_ =	sdelay $0x3  }
0x54: {  	v8 =	vshll.u32 v8, $0x1  }
0x55: {  	[tilespmem:v9+s11+$0x0] =	vst.idx.msk $0xffff, v8  }
0x56: {  	v8 =	vld [tilespmem:s2+$0x0]  }
0x57: {  	v9 =	vadd.s32 s12, v4;
	_ =	sdelay $0x3  }
0x58: {  	v8 =	vshll.u32 v8, $0x1  }
0x59: {  	[tilespmem:v9+s11+$0x0] =	vst.idx.msk $0xffff, v8  }
0x5a: {  	v8 =	vld [tilespmem:s2+$0x10]  }
0x5b: {  	v9 =	vadd.s32 s12, v5;
	_ =	sdelay $0x3  }
0x5c: {  	v8 =	vshll.u32 v8, $0x1  }
0x5d: {  	[tilespmem:v9+s11+$0x0] =	vst.idx.msk $0xffff, v8  }
0x5e: {  	v8 =	vld [tilespmem:s2+$0x20]  }
0x5f: {  	v9 =	vadd.s32 s12, v6;
	_ =	sdelay $0x3  }
0x60: {  	v8 =	vshll.u32 v8, $0x1  }
0x61: {  	[tilespmem:v9+s11+$0x0] =	vst.idx.msk $0xffff, v8  }
0x62: {  	v9 =	vld [tilespmem:s2+$0x30]  }
.Ltmp4:
0x63: {  	v8 =	vadd.s32 s12, v7;
	(pc) =	sbr.rel @p0 .LBB2_3-.Ltmp4, $2  }
0x64: {  	_ =	sdelay $0x2  }
0x65: {  	v9 =	vshll.u32 v9, $0x1  }
0x66: {  	_ =	sdelay $0x3  }
0x67: {  	[tilespmem:v8+s11+$0x0] =	vst.idx.msk $0xffff, v9;
	s2 =	simm.s32 $0xC800  }
0x68: {  	[tilespmem:s2], [sflag:$0x1] =	stream.indirect.gather [hbm4b:s5+s8], $0x40, s11, s8, $0xb8;
	[tilespmem:$0x1B000] =	vst v63  }
0x69: {  	s15 =	simm.s32 $0x6480;
	s9 =	simm.s32 $0xE800  }
0x6a: {  	[tilespmem:s9], [sflag:$0x1] =	stream.indirect.gather [hbm4b:s5+s13], $0x40, s15, s13, $0xb8;
	[tilespmem:$0x1B000] =	vst v63  }
0x6b: {  	s16 =	simm.s32 $0x64C8  }
0x6c: {  	[tilespmem:s17], [sflag:$0x2] =	stream.indirect.gather [hbm4b:s5+s8], $0x40, s16, s8, $0xb8;
	[tilespmem:$0x1B000] =	vst v63  }
0x6d: {  	_ = 	snop  }
0x6e: {  	[tilespmem:s19], [sflag:$0x2] =	stream.indirect.gather [hbm4b:s5+s13], $0x40, s18, s13, $0xb8;
	[tilespmem:$0x1B000] =	vst v63  }
0x6f: {  	_ = 	snop  }
0x70: {  	[tilespmem:s21], [sflag:$0x3] =	stream.indirect.gather [hbm4b:s5+s8], $0x40, s20, s8, $0xb8;
	[tilespmem:$0x1B000] =	vst v63  }
0x71: {  	_ = 	snop  }
0x72: {  	[tilespmem:s23], [sflag:$0x3] =	stream.indirect.gather [hbm4b:s5+s13], $0x40, s22, s13, $0xb8;
	[tilespmem:$0x1B000] =	vst v63  }
0x73: {  	_ = 	snop  }
0x74: {  	[tilespmem:s25], [sflag:$0x4] =	stream.indirect.gather [hbm4b:s5+s8], $0x40, s24, s8, $0xb8;
	[tilespmem:$0x1B000] =	vst v63  }
0x75: {  	s2 =	simm.s32 $0x0  }
0x76: {  	[tilespmem:s28], [sflag:$0x4] =	stream.indirect.gather [hbm4b:s5+s13], $0x40, s26, s13, $0xb8;
	[tilespmem:$0x1B000] =	vst v63  }
.LBB2_5:
0x77: {  	_ =	swait.ge [sflag:s29], $0x2000  }
0x78: {  	[sflag:s29] =	ssyncset.done $0x0  }
0x79: {  	[sflag:s29] =	ssyncadd.s32 $0xFFFFE000  }
0x7a: {  	_ =	swait.ge [sflag:s29], $0x1200  }
0x7b: {  	[sflag:s29] =	ssyncset.done $0x0  }
0x7c: {  	[sflag:s29] =	ssyncadd.s32 $0xFFFFEE00  }
0x7d: {  	v28 =	vld [tilespmem:$0xC800]  }
0x7e: {  	v19 =	vld [tilespmem:$0xC810]  }
0x7f: {  	v18 =	vld [tilespmem:$0xC820]  }
0x80: {  	s9 =	simm.s32 $0x0;
	v17 =	vld [tilespmem:$0xC830]  }
0x81: {  	v14 =	vld [tilespmem:s9+$0xC9C0]  }
0x82: {  	v9 =	vld [tilespmem:s9+$0xC9D0]  }
0x83: {  	v8 =	vld [tilespmem:s9+$0xC9E0]  }
0x84: {  	v20 =	vld [tilespmem:s9+$0xC980]  }
0x85: {  	v10 =	vld [tilespmem:s9+$0xC990]  }
0x86: {  	v11 =	vld [tilespmem:s9+$0xC9A0]  }
0x87: {  	v23 =	vld [tilespmem:s9+$0xC940]  }
0x88: {  	v12 =	vld [tilespmem:s9+$0xC950]  }
0x89: {  	v13 =	vld [tilespmem:s9+$0xC960]  }
0x8a: {  	v26 =	vld [tilespmem:s9+$0xC900]  }
0x8b: {  	v15 =	vld [tilespmem:s9+$0xC910]  }
0x8c: {  	v16 =	vld [tilespmem:s9+$0xC920]  }
0x8d: {  	v29 =	vld [tilespmem:s9+$0xC8C0]  }
0x8e: {  	v22 =	vld [tilespmem:s9+$0xC8D0]  }
0x8f: {  	v21 =	vld [tilespmem:s9+$0xC8E0]  }
0x90: {  	v31 =	vld [tilespmem:s9+$0xC880]  }
0x91: {  	v30 =	vld [tilespmem:s9+$0xC800]  }
0x92: {  	v32 =	vld [tilespmem:s9+$0xC840]  }
0x93: {  	v25 =	vld [tilespmem:s9+$0xC890]  }
0x94: {  	v24 =	vld [tilespmem:s9+$0xC8A0]  }
0x95: {  	v27 =	vld [tilespmem:s9+$0xC850]  }
0x96: {  	v30 =	vmax.f32 v28, v30;
	v28 =	vld [tilespmem:s9+$0xC860]  }
0x97: {  	v32 =	vmax.f32 v30, v32;
	v30 =	vld [tilespmem:s9+$0xC810]  }
0x98: {  	s12 =	simm.s32 $0x800;
	v32 =	vmax.f32 v32, v31;
	v31 =	vld [tilespmem:s9+$0xC820]  }
.LBB2_6:
0x99: {  	p0 =	sne.s32 s12, $0xC000;
	v29 =	vmax.f32 v32, v29;
	v32 =	vld [tilespmem:s9+$0xC830]  }
0x9a: {  	v26 =	vmax.f32 v29, v26;
	v29 =	vld [tilespmem:s9+$0xC870]  }
0x9b: {  	v23 =	vmax.f32 v26, v23;
	v26 =	vld [tilespmem:s9+$0xC8B0]  }
0x9c: {  	v20 =	vmax.f32 v23, v20;
	v23 =	vld [tilespmem:s9+$0xC8F0]  }
0x9d: {  	v33 =	vmax.f32 v20, v14;
	v20 =	vld [tilespmem:s9+$0xC930]  }
0x9e: {  	v14 =	vmax.f32 v19, v30;
	v18 =	vmax.f32 v18, v31;
	v17 =	vmax.f32 v17, v32;
	v19 =	vld [tilespmem:s9+$0xC970]  }
0x9f: {  	v14 =	vmax.f32 v14, v27;
	v18 =	vmax.f32 v18, v28;
	v17 =	vmax.f32 v17, v29;
	v27 =	vld [tilespmem:s9+$0xC9B0]  }
0xa0: {  	v25 =	vmax.f32 v14, v25;
	v18 =	vmax.f32 v18, v24;
	v17 =	vmax.f32 v17, v26;
	v24 =	vld [tilespmem:s9+$0xC9F0];
	s9 =	sshra.s32 s12, $0x2  }
0xa1: {  	v22 =	vmax.f32 v25, v22;
	v18 =	vmax.f32 v18, v21;
	v14 =	vld [tilespmem:s9+$0xC9C0];
	v17 =	vmax.f32 v17, v23  }
0xa2: {  	v15 =	vmax.f32 v22, v15;
	v16 =	vmax.f32 v18, v16;
	v21 =	vld [tilespmem:s9+$0xC9D0];
	v17 =	vmax.f32 v17, v20  }
0xa3: {  	v12 =	vmax.f32 v15, v12;
	v13 =	vmax.f32 v16, v13;
	v22 =	vld [tilespmem:s9+$0xC9E0];
	v15 =	vmax.f32 v17, v19  }
0xa4: {  	v12 =	vmax.f32 v12, v10;
	v11 =	vmax.f32 v13, v11;
	v20 =	vld [tilespmem:s9+$0xC980];
	v13 =	vmax.f32 v15, v27  }
0xa5: {  	v19 =	vmax.f32 v12, v9;
	v18 =	vmax.f32 v11, v8;
	v10 =	vld [tilespmem:s9+$0xC990];
	v17 =	vmax.f32 v13, v24  }
0xa6: {  	v11 =	vld [tilespmem:s9+$0xC9A0]  }
0xa7: {  	v23 =	vld [tilespmem:s9+$0xC940];
	v9 =	vmov v21  }
0xa8: {  	v12 =	vld [tilespmem:s9+$0xC950];
	v8 =	vmov v22  }
0xa9: {  	v13 =	vld [tilespmem:s9+$0xC960]  }
0xaa: {  	v26 =	vld [tilespmem:s9+$0xC900]  }
0xab: {  	v15 =	vld [tilespmem:s9+$0xC910]  }
0xac: {  	v16 =	vld [tilespmem:s9+$0xC920]  }
0xad: {  	v29 =	vld [tilespmem:s9+$0xC8C0]  }
0xae: {  	v22 =	vld [tilespmem:s9+$0xC8D0]  }
0xaf: {  	v21 =	vld [tilespmem:s9+$0xC8E0]  }
0xb0: {  	v31 =	vld [tilespmem:s9+$0xC880]  }
0xb1: {  	v28 =	vld [tilespmem:s9+$0xC800]  }
0xb2: {  	v30 =	vld [tilespmem:s9+$0xC840]  }
0xb3: {  	v25 =	vld [tilespmem:s9+$0xC890]  }
.Ltmp5:
0xb4: {  	v24 =	vld [tilespmem:s9+$0xC8A0];
	(pc) =	sbr.rel @p0 .LBB2_6-.Ltmp5, $4  }
0xb5: {  	v27 =	vld [tilespmem:s9+$0xC850]  }
0xb6: {  	v32 =	vmax.f32 v33, v28;
	v28 =	vld [tilespmem:s9+$0xC860]  }
0xb7: {  	v32 =	vmax.f32 v32, v30;
	v30 =	vld [tilespmem:s9+$0xC810]  }
0xb8: {  	s12 =	sadd.s32 $0x800, s12;
	v32 =	vmax.f32 v32, v31;
	v31 =	vld [tilespmem:s9+$0xC820]  }
0xb9: {  	v29 =	vmax.f32 v32, v29;
	v62 =	vld [tilespmem:s9+$0xC830]  }
0xba: {  	v26 =	vmax.f32 v29, v26;
	v29 =	vld [tilespmem:s9+$0xC870]  }
0xbb: {  	v23 =	vmax.f32 v26, v23;
	v26 =	vld [tilespmem:s9+$0xC8B0]  }
0xbc: {  	v20 =	vmax.f32 v23, v20;
	v23 =	vld [tilespmem:s9+$0xC8F0];
	v19 =	vmax.f32 v19, v30  }
0xbd: {  	v14 =	vmax.f32 v20, v14;
	v20 =	vld [tilespmem:s9+$0xC930];
	v18 =	vmax.f32 v18, v31;
	v19 =	vmax.f32 v19, v27  }
0xbe: {  	v27 =	vld [tilespmem:s9+$0xC970];
	v17 =	vmax.f32 v17, v62;
	v18 =	vmax.f32 v18, v28;
	v19 =	vmax.f32 v19, v25  }
0xbf: {  	v25 =	vld [tilespmem:s9+$0xC9B0];
	v17 =	vmax.f32 v17, v29;
	v18 =	vmax.f32 v18, v24;
	v19 =	vmax.f32 v19, v22  }
0xc0: {  	v22 =	vld [tilespmem:s9+$0xC9F0];
	v17 =	vmax.f32 v17, v26;
	v18 =	vmax.f32 v18, v21;
	v15 =	vmax.f32 v19, v15  }
0xc1: {  	s16 =	sshll.u32 s2, $0x8;
	v17 =	vmax.f32 v17, v23;
	v16 =	vmax.f32 v18, v16;
	v12 =	vmax.f32 v15, v12  }
0xc2: {  	p0 =	seq.s32 s2, $0x1F;
	s9 =	sand.u32 $0x3FFFFF00, s16;
	v15 =	vmax.f32 v17, v20;
	v13 =	vmax.f32 v16, v13;
	v10 =	vmax.f32 v12, v10  }
0xc3: {  	s12 =	smul.u32 @!p0 $0xC80, s2;
	[tilespmem:s9+$0x19000] =	vst v14;
	v12 =	vmax.f32 v15, v27;
	v11 =	vmax.f32 v13, v11;
	v9 =	vmax.f32 v10, v9  }
0xc4: {  	v10 =	vmax.f32 v12, v25;
	v8 =	vmax.f32 v11, v8;
	[tilespmem:s9+$0x19010] =	vst v9  }
0xc5: {  	s12 =	sshra.s32 @!p0 s12, $0x2;
	v9 =	vmax.f32 v10, v22;
	[tilespmem:s9+$0x19020] =	vst v8  }
0xc6: {  	s15 =	simm.s32 @!p0 $0x80;
	s14 =	sadd.s32 @!p0 $0x6720, s12;
	s16 =	simm.s32 @!p0 $0xC800;
	[tilespmem:s9+$0x19030] =	vst v9  }
0xc7: {  	[tilespmem:s16], [sflag:$0x1] =	stream.indirect.gather @!p0 [hbm4b:s5+s15], $0x40, s14, s15, $0xb8;
	[tilespmem:$0x1B000] =	vst v63  }
0xc8: {  	s14 =	sadd.s32 @!p0 $0x67A0, s12;
	s15 =	simm.s32 @!p0 $0x48;
	s16 =	simm.s32 @!p0 $0xE800  }
0xc9: {  	[tilespmem:s16], [sflag:$0x1] =	stream.indirect.gather @!p0 [hbm4b:s5+s15], $0x40, s14, s15, $0xb8;
	[tilespmem:$0x1B000] =	vst v63  }
0xca: {  	_ =	swait.ge [sflag:s30], $0x2000  }
0xcb: {  	[sflag:s30] =	ssyncset.done $0x0  }
0xcc: {  	[sflag:s30] =	ssyncadd.s32 $0xFFFFE000  }
0xcd: {  	_ =	swait.ge [sflag:s30], $0x1200  }
0xce: {  	[sflag:s30] =	ssyncset.done $0x0  }
0xcf: {  	[sflag:s30] =	ssyncadd.s32 $0xFFFFEE00  }
0xd0: {  	v28 =	vld [tilespmem:$0xFA00]  }
0xd1: {  	v19 =	vld [tilespmem:$0xFA10]  }
0xd2: {  	v18 =	vld [tilespmem:$0xFA20]  }
0xd3: {  	s14 =	simm.s32 $0x0;
	v17 =	vld [tilespmem:$0xFA30]  }
0xd4: {  	v14 =	vld [tilespmem:s14+$0xFBC0]  }
0xd5: {  	v8 =	vld [tilespmem:s14+$0xFBD0]  }
0xd6: {  	v9 =	vld [tilespmem:s14+$0xFBE0]  }
0xd7: {  	v20 =	vld [tilespmem:s14+$0xFB80]  }
0xd8: {  	v10 =	vld [tilespmem:s14+$0xFB90]  }
0xd9: {  	v11 =	vld [tilespmem:s14+$0xFBA0]  }
0xda: {  	v23 =	vld [tilespmem:s14+$0xFB40]  }
0xdb: {  	v12 =	vld [tilespmem:s14+$0xFB50]  }
0xdc: {  	v13 =	vld [tilespmem:s14+$0xFB60]  }
0xdd: {  	v26 =	vld [tilespmem:s14+$0xFB00]  }
0xde: {  	v15 =	vld [tilespmem:s14+$0xFB10]  }
0xdf: {  	v16 =	vld [tilespmem:s14+$0xFB20]  }
0xe0: {  	v29 =	vld [tilespmem:s14+$0xFAC0]  }
0xe1: {  	v22 =	vld [tilespmem:s14+$0xFAD0]  }
0xe2: {  	v21 =	vld [tilespmem:s14+$0xFAE0]  }
0xe3: {  	v31 =	vld [tilespmem:s14+$0xFA80]  }
0xe4: {  	v30 =	vld [tilespmem:s14+$0xFA00]  }
0xe5: {  	v63 =	vld [tilespmem:s14+$0xFA40]  }
0xe6: {  	v25 =	vld [tilespmem:s14+$0xFA90]  }
0xe7: {  	v24 =	vld [tilespmem:s14+$0xFAA0]  }
0xe8: {  	v27 =	vld [tilespmem:s14+$0xFA50]  }
0xe9: {  	v30 =	vmax.f32 v28, v30;
	v28 =	vld [tilespmem:s14+$0xFA60]  }
0xea: {  	v32 =	vmax.f32 v30, v63;
	v30 =	vld [tilespmem:s14+$0xFA10]  }
0xeb: {  	s15 =	simm.s32 $0x800;
	v32 =	vmax.f32 v32, v31;
	v31 =	vld [tilespmem:s14+$0xFA20]  }
.LBB2_8:
0xec: {  	p1 =	sne.s32 s15, $0xC000;
	v29 =	vmax.f32 v32, v29;
	v32 =	vld [tilespmem:s14+$0xFA30]  }
0xed: {  	v26 =	vmax.f32 v29, v26;
	v29 =	vld [tilespmem:s14+$0xFA70]  }
0xee: {  	v23 =	vmax.f32 v26, v23;
	v26 =	vld [tilespmem:s14+$0xFAB0]  }
0xef: {  	v20 =	vmax.f32 v23, v20;
	v23 =	vld [tilespmem:s14+$0xFAF0]  }
0xf0: {  	v33 =	vmax.f32 v20, v14;
	v20 =	vld [tilespmem:s14+$0xFB30]  }
0xf1: {  	v14 =	vmax.f32 v19, v30;
	v18 =	vmax.f32 v18, v31;
	v17 =	vmax.f32 v17, v32;
	v19 =	vld [tilespmem:s14+$0xFB70]  }
0xf2: {  	v14 =	vmax.f32 v14, v27;
	v18 =	vmax.f32 v18, v28;
	v17 =	vmax.f32 v17, v29;
	v27 =	vld [tilespmem:s14+$0xFBB0]  }
0xf3: {  	v25 =	vmax.f32 v14, v25;
	v18 =	vmax.f32 v18, v24;
	v17 =	vmax.f32 v17, v26;
	v24 =	vld [tilespmem:s14+$0xFBF0];
	s14 =	sshra.s32 s15, $0x2  }
0xf4: {  	v22 =	vmax.f32 v25, v22;
	v18 =	vmax.f32 v18, v21;
	v14 =	vld [tilespmem:s14+$0xFBC0];
	v17 =	vmax.f32 v17, v23  }
0xf5: {  	v15 =	vmax.f32 v22, v15;
	v16 =	vmax.f32 v18, v16;
	v21 =	vld [tilespmem:s14+$0xFBD0];
	v17 =	vmax.f32 v17, v20  }
0xf6: {  	v12 =	vmax.f32 v15, v12;
	v13 =	vmax.f32 v16, v13;
	v22 =	vld [tilespmem:s14+$0xFBE0];
	v15 =	vmax.f32 v17, v19  }
0xf7: {  	v12 =	vmax.f32 v12, v10;
	v11 =	vmax.f32 v13, v11;
	v20 =	vld [tilespmem:s14+$0xFB80];
	v13 =	vmax.f32 v15, v27  }
0xf8: {  	v19 =	vmax.f32 v12, v8;
	v18 =	vmax.f32 v11, v9;
	v10 =	vld [tilespmem:s14+$0xFB90];
	v17 =	vmax.f32 v13, v24  }
0xf9: {  	v11 =	vld [tilespmem:s14+$0xFBA0]  }
0xfa: {  	v23 =	vld [tilespmem:s14+$0xFB40];
	v8 =	vmov v21  }
0xfb: {  	v12 =	vld [tilespmem:s14+$0xFB50];
	v9 =	vmov v22  }
0xfc: {  	v13 =	vld [tilespmem:s14+$0xFB60]  }
0xfd: {  	v26 =	vld [tilespmem:s14+$0xFB00]  }
0xfe: {  	v15 =	vld [tilespmem:s14+$0xFB10]  }
0xff: {  	v16 =	vld [tilespmem:s14+$0xFB20]  }
0x100: {  	v29 =	vld [tilespmem:s14+$0xFAC0]  }
0x101: {  	v22 =	vld [tilespmem:s14+$0xFAD0]  }
0x102: {  	v21 =	vld [tilespmem:s14+$0xFAE0]  }
0x103: {  	v31 =	vld [tilespmem:s14+$0xFA80]  }
0x104: {  	v28 =	vld [tilespmem:s14+$0xFA00]  }
0x105: {  	v30 =	vld [tilespmem:s14+$0xFA40]  }
0x106: {  	v25 =	vld [tilespmem:s14+$0xFA90]  }
.Ltmp6:
0x107: {  	v24 =	vld [tilespmem:s14+$0xFAA0];
	(pc) =	sbr.rel @p1 .LBB2_8-.Ltmp6, $4  }
0x108: {  	v27 =	vld [tilespmem:s14+$0xFA50]  }
0x109: {  	v32 =	vmax.f32 v33, v28;
	v28 =	vld [tilespmem:s14+$0xFA60]  }
0x10a: {  	v32 =	vmax.f32 v32, v30;
	v30 =	vld [tilespmem:s14+$0xFA10]  }
0x10b: {  	s15 =	sadd.s32 $0x800, s15;
	v32 =	vmax.f32 v32, v31;
	v31 =	vld [tilespmem:s14+$0xFA20]  }
0x10c: {  	v29 =	vmax.f32 v32, v29;
	v62 =	vld [tilespmem:s14+$0xFA30]  }
0x10d: {  	v26 =	vmax.f32 v29, v26;
	v29 =	vld [tilespmem:s14+$0xFA70]  }
0x10e: {  	v23 =	vmax.f32 v26, v23;
	v26 =	vld [tilespmem:s14+$0xFAB0]  }
0x10f: {  	v20 =	vmax.f32 v23, v20;
	v23 =	vld [tilespmem:s14+$0xFAF0];
	v19 =	vmax.f32 v19, v30  }
0x110: {  	v14 =	vmax.f32 v20, v14;
	v20 =	vld [tilespmem:s14+$0xFB30];
	v18 =	vmax.f32 v18, v31;
	v19 =	vmax.f32 v19, v27  }
0x111: {  	v27 =	vld [tilespmem:s14+$0xFB70];
	v17 =	vmax.f32 v17, v62;
	v18 =	vmax.f32 v18, v28;
	v19 =	vmax.f32 v19, v25  }
0x112: {  	v25 =	vld [tilespmem:s14+$0xFBB0];
	v17 =	vmax.f32 v17, v29;
	v18 =	vmax.f32 v18, v24;
	v19 =	vmax.f32 v19, v22  }
0x113: {  	v22 =	vld [tilespmem:s14+$0xFBF0];
	v17 =	vmax.f32 v17, v26;
	v18 =	vmax.f32 v18, v21;
	v15 =	vmax.f32 v19, v15  }
0x114: {  	v17 =	vmax.f32 v17, v23;
	v16 =	vmax.f32 v18, v16;
	v12 =	vmax.f32 v15, v12  }
0x115: {  	v15 =	vmax.f32 v17, v20;
	v13 =	vmax.f32 v16, v13;
	v10 =	vmax.f32 v12, v10  }
0x116: {  	[tilespmem:s9+$0x19040] =	vst v14;
	v12 =	vmax.f32 v15, v27;
	v11 =	vmax.f32 v13, v11;
	v8 =	vmax.f32 v10, v8  }
0x117: {  	v10 =	vmax.f32 v12, v25;
	v9 =	vmax.f32 v11, v9;
	[tilespmem:s9+$0x19050] =	vst v8  }
0x118: {  	v8 =	vmax.f32 v10, v22;
	[tilespmem:s9+$0x19060] =	vst v9  }
0x119: {  	s15 =	simm.s32 @!p0 $0x80;
	s16 =	simm.s32 @!p0 $0xFA00;
	s14 =	sadd.s32 @!p0 $0x67E8, s12;
	[tilespmem:s9+$0x19070] =	vst v8  }
0x11a: {  	[tilespmem:s16], [sflag:$0x2] =	stream.indirect.gather @!p0 [hbm4b:s5+s15], $0x40, s14, s15, $0xb8;
	[tilespmem:$0x1B000] =	vst v63  }
0x11b: {  	s14 =	sadd.s32 @!p0 $0x6868, s12;
	s15 =	simm.s32 @!p0 $0x48;
	s16 =	simm.s32 @!p0 $0x11A00  }
0x11c: {  	[tilespmem:s16], [sflag:$0x2] =	stream.indirect.gather @!p0 [hbm4b:s5+s15], $0x40, s14, s15, $0xb8;
	[tilespmem:$0x1B000] =	vst v63  }
0x11d: {  	_ =	swait.ge [sflag:s31], $0x2000  }
0x11e: {  	[sflag:s31] =	ssyncset.done $0x0  }
0x11f: {  	[sflag:s31] =	ssyncadd.s32 $0xFFFFE000  }
0x120: {  	_ =	swait.ge [sflag:s31], $0x1200  }
0x121: {  	[sflag:s31] =	ssyncset.done $0x0  }
0x122: {  	[sflag:s31] =	ssyncadd.s32 $0xFFFFEE00  }
0x123: {  	v28 =	vld [tilespmem:$0x12C00]  }
0x124: {  	v19 =	vld [tilespmem:$0x12C10]  }
0x125: {  	v18 =	vld [tilespmem:$0x12C20]  }
0x126: {  	s14 =	simm.s32 $0x0;
	v17 =	vld [tilespmem:$0x12C30]  }
0x127: {  	v14 =	vld [tilespmem:s14+$0x12DC0]  }
0x128: {  	v8 =	vld [tilespmem:s14+$0x12DD0]  }
0x129: {  	v9 =	vld [tilespmem:s14+$0x12DE0]  }
0x12a: {  	v20 =	vld [tilespmem:s14+$0x12D80]  }
0x12b: {  	v10 =	vld [tilespmem:s14+$0x12D90]  }
0x12c: {  	v11 =	vld [tilespmem:s14+$0x12DA0]  }
0x12d: {  	v23 =	vld [tilespmem:s14+$0x12D40]  }
0x12e: {  	v12 =	vld [tilespmem:s14+$0x12D50]  }
0x12f: {  	v13 =	vld [tilespmem:s14+$0x12D60]  }
0x130: {  	v26 =	vld [tilespmem:s14+$0x12D00]  }
0x131: {  	v15 =	vld [tilespmem:s14+$0x12D10]  }
0x132: {  	v16 =	vld [tilespmem:s14+$0x12D20]  }
0x133: {  	v29 =	vld [tilespmem:s14+$0x12CC0]  }
0x134: {  	v22 =	vld [tilespmem:s14+$0x12CD0]  }
0x135: {  	v21 =	vld [tilespmem:s14+$0x12CE0]  }
0x136: {  	v31 =	vld [tilespmem:s14+$0x12C80]  }
0x137: {  	v30 =	vld [tilespmem:s14+$0x12C00]  }
0x138: {  	v63 =	vld [tilespmem:s14+$0x12C40]  }
0x139: {  	v25 =	vld [tilespmem:s14+$0x12C90]  }
0x13a: {  	v24 =	vld [tilespmem:s14+$0x12CA0]  }
0x13b: {  	v27 =	vld [tilespmem:s14+$0x12C50]  }
0x13c: {  	v30 =	vmax.f32 v28, v30;
	v28 =	vld [tilespmem:s14+$0x12C60]  }
0x13d: {  	v32 =	vmax.f32 v30, v63;
	v30 =	vld [tilespmem:s14+$0x12C10]  }
0x13e: {  	s15 =	simm.s32 $0x800;
	v32 =	vmax.f32 v32, v31;
	v31 =	vld [tilespmem:s14+$0x12C20]  }
.LBB2_10:
0x13f: {  	p1 =	sne.s32 s15, $0xC000;
	v29 =	vmax.f32 v32, v29;
	v32 =	vld [tilespmem:s14+$0x12C30]  }
0x140: {  	v26 =	vmax.f32 v29, v26;
	v29 =	vld [tilespmem:s14+$0x12C70]  }
0x141: {  	v23 =	vmax.f32 v26, v23;
	v26 =	vld [tilespmem:s14+$0x12CB0]  }
0x142: {  	v20 =	vmax.f32 v23, v20;
	v23 =	vld [tilespmem:s14+$0x12CF0]  }
0x143: {  	v33 =	vmax.f32 v20, v14;
	v20 =	vld [tilespmem:s14+$0x12D30]  }
0x144: {  	v14 =	vmax.f32 v19, v30;
	v18 =	vmax.f32 v18, v31;
	v17 =	vmax.f32 v17, v32;
	v19 =	vld [tilespmem:s14+$0x12D70]  }
0x145: {  	v14 =	vmax.f32 v14, v27;
	v18 =	vmax.f32 v18, v28;
	v17 =	vmax.f32 v17, v29;
	v27 =	vld [tilespmem:s14+$0x12DB0]  }
0x146: {  	v25 =	vmax.f32 v14, v25;
	v18 =	vmax.f32 v18, v24;
	v17 =	vmax.f32 v17, v26;
	v24 =	vld [tilespmem:s14+$0x12DF0];
	s14 =	sshra.s32 s15, $0x2  }
0x147: {  	v22 =	vmax.f32 v25, v22;
	v18 =	vmax.f32 v18, v21;
	v14 =	vld [tilespmem:s14+$0x12DC0];
	v17 =	vmax.f32 v17, v23  }
0x148: {  	v15 =	vmax.f32 v22, v15;
	v16 =	vmax.f32 v18, v16;
	v21 =	vld [tilespmem:s14+$0x12DD0];
	v17 =	vmax.f32 v17, v20  }
0x149: {  	v12 =	vmax.f32 v15, v12;
	v13 =	vmax.f32 v16, v13;
	v22 =	vld [tilespmem:s14+$0x12DE0];
	v15 =	vmax.f32 v17, v19  }
0x14a: {  	v12 =	vmax.f32 v12, v10;
	v11 =	vmax.f32 v13, v11;
	v20 =	vld [tilespmem:s14+$0x12D80];
	v13 =	vmax.f32 v15, v27  }
0x14b: {  	v19 =	vmax.f32 v12, v8;
	v18 =	vmax.f32 v11, v9;
	v10 =	vld [tilespmem:s14+$0x12D90];
	v17 =	vmax.f32 v13, v24  }
0x14c: {  	v11 =	vld [tilespmem:s14+$0x12DA0]  }
0x14d: {  	v23 =	vld [tilespmem:s14+$0x12D40];
	v8 =	vmov v21  }
0x14e: {  	v12 =	vld [tilespmem:s14+$0x12D50];
	v9 =	vmov v22  }
0x14f: {  	v13 =	vld [tilespmem:s14+$0x12D60]  }
0x150: {  	v26 =	vld [tilespmem:s14+$0x12D00]  }
0x151: {  	v15 =	vld [tilespmem:s14+$0x12D10]  }
0x152: {  	v16 =	vld [tilespmem:s14+$0x12D20]  }
0x153: {  	v29 =	vld [tilespmem:s14+$0x12CC0]  }
0x154: {  	v22 =	vld [tilespmem:s14+$0x12CD0]  }
0x155: {  	v21 =	vld [tilespmem:s14+$0x12CE0]  }
0x156: {  	v31 =	vld [tilespmem:s14+$0x12C80]  }
0x157: {  	v28 =	vld [tilespmem:s14+$0x12C00]  }
0x158: {  	v30 =	vld [tilespmem:s14+$0x12C40]  }
0x159: {  	v25 =	vld [tilespmem:s14+$0x12C90]  }
.Ltmp7:
0x15a: {  	v24 =	vld [tilespmem:s14+$0x12CA0];
	(pc) =	sbr.rel @p1 .LBB2_10-.Ltmp7, $4  }
0x15b: {  	v27 =	vld [tilespmem:s14+$0x12C50]  }
0x15c: {  	v32 =	vmax.f32 v33, v28;
	v28 =	vld [tilespmem:s14+$0x12C60]  }
0x15d: {  	v32 =	vmax.f32 v32, v30;
	v30 =	vld [tilespmem:s14+$0x12C10]  }
0x15e: {  	s15 =	sadd.s32 $0x800, s15;
	v32 =	vmax.f32 v32, v31;
	v31 =	vld [tilespmem:s14+$0x12C20]  }
0x15f: {  	v29 =	vmax.f32 v32, v29;
	v62 =	vld [tilespmem:s14+$0x12C30]  }
0x160: {  	v26 =	vmax.f32 v29, v26;
	v29 =	vld [tilespmem:s14+$0x12C70]  }
0x161: {  	v23 =	vmax.f32 v26, v23;
	v26 =	vld [tilespmem:s14+$0x12CB0]  }
0x162: {  	v20 =	vmax.f32 v23, v20;
	v23 =	vld [tilespmem:s14+$0x12CF0];
	v19 =	vmax.f32 v19, v30  }
0x163: {  	v14 =	vmax.f32 v20, v14;
	v20 =	vld [tilespmem:s14+$0x12D30];
	v18 =	vmax.f32 v18, v31;
	v19 =	vmax.f32 v19, v27  }
0x164: {  	v27 =	vld [tilespmem:s14+$0x12D70];
	v17 =	vmax.f32 v17, v62;
	v18 =	vmax.f32 v18, v28;
	v19 =	vmax.f32 v19, v25  }
0x165: {  	v25 =	vld [tilespmem:s14+$0x12DB0];
	v17 =	vmax.f32 v17, v29;
	v18 =	vmax.f32 v18, v24;
	v19 =	vmax.f32 v19, v22  }
0x166: {  	v22 =	vld [tilespmem:s14+$0x12DF0];
	v17 =	vmax.f32 v17, v26;
	v18 =	vmax.f32 v18, v21;
	v15 =	vmax.f32 v19, v15  }
0x167: {  	v17 =	vmax.f32 v17, v23;
	v16 =	vmax.f32 v18, v16;
	v12 =	vmax.f32 v15, v12  }
0x168: {  	v15 =	vmax.f32 v17, v20;
	v13 =	vmax.f32 v16, v13;
	v10 =	vmax.f32 v12, v10  }
0x169: {  	[tilespmem:s9+$0x19080] =	vst v14;
	v12 =	vmax.f32 v15, v27;
	v11 =	vmax.f32 v13, v11;
	v8 =	vmax.f32 v10, v8  }
0x16a: {  	v10 =	vmax.f32 v12, v25;
	v9 =	vmax.f32 v11, v9;
	[tilespmem:s9+$0x19090] =	vst v8  }
0x16b: {  	v8 =	vmax.f32 v10, v22;
	[tilespmem:s9+$0x190A0] =	vst v9  }
0x16c: {  	s15 =	simm.s32 @!p0 $0x80;
	s16 =	simm.s32 @!p0 $0x12C00;
	s14 =	sadd.s32 @!p0 $0x68B0, s12;
	[tilespmem:s9+$0x190B0] =	vst v8  }
0x16d: {  	[tilespmem:s16], [sflag:$0x3] =	stream.indirect.gather @!p0 [hbm4b:s5+s15], $0x40, s14, s15, $0xb8;
	[tilespmem:$0x1B000] =	vst v63  }
0x16e: {  	s12 =	sadd.s32 @!p0 $0x6930, s12;
	s14 =	simm.s32 @!p0 $0x48;
	s15 =	simm.s32 @!p0 $0x14C00  }
0x16f: {  	[tilespmem:s15], [sflag:$0x3] =	stream.indirect.gather @!p0 [hbm4b:s5+s14], $0x40, s12, s14, $0xb8;
	[tilespmem:$0x1B000] =	vst v63  }
0x170: {  	_ =	swait.ge [sflag:s0], $0x2000  }
0x171: {  	[sflag:s0] =	ssyncset.done $0x0  }
0x172: {  	[sflag:s0] =	ssyncadd.s32 $0xFFFFE000  }
0x173: {  	_ =	swait.ge [sflag:s0], $0x1200  }
0x174: {  	[sflag:s0] =	ssyncset.done $0x0  }
0x175: {  	[sflag:s0] =	ssyncadd.s32 $0xFFFFEE00  }
0x176: {  	v28 =	vld [tilespmem:$0x15E00]  }
0x177: {  	v19 =	vld [tilespmem:$0x15E10]  }
0x178: {  	v18 =	vld [tilespmem:$0x15E20]  }
0x179: {  	s12 =	simm.s32 $0x0;
	v17 =	vld [tilespmem:$0x15E30]  }
0x17a: {  	v14 =	vld [tilespmem:s12+$0x15FC0]  }
0x17b: {  	v8 =	vld [tilespmem:s12+$0x15FD0]  }
0x17c: {  	v9 =	vld [tilespmem:s12+$0x15FE0]  }
0x17d: {  	v20 =	vld [tilespmem:s12+$0x15F80]  }
0x17e: {  	v10 =	vld [tilespmem:s12+$0x15F90]  }
0x17f: {  	v11 =	vld [tilespmem:s12+$0x15FA0]  }
0x180: {  	v23 =	vld [tilespmem:s12+$0x15F40]  }
0x181: {  	v12 =	vld [tilespmem:s12+$0x15F50]  }
0x182: {  	v13 =	vld [tilespmem:s12+$0x15F60]  }
0x183: {  	v26 =	vld [tilespmem:s12+$0x15F00]  }
0x184: {  	v15 =	vld [tilespmem:s12+$0x15F10]  }
0x185: {  	v16 =	vld [tilespmem:s12+$0x15F20]  }
0x186: {  	v29 =	vld [tilespmem:s12+$0x15EC0]  }
0x187: {  	v22 =	vld [tilespmem:s12+$0x15ED0]  }
0x188: {  	v21 =	vld [tilespmem:s12+$0x15EE0]  }
0x189: {  	v31 =	vld [tilespmem:s12+$0x15E80]  }
0x18a: {  	v30 =	vld [tilespmem:s12+$0x15E00]  }
0x18b: {  	v63 =	vld [tilespmem:s12+$0x15E40]  }
0x18c: {  	v25 =	vld [tilespmem:s12+$0x15E90]  }
0x18d: {  	v24 =	vld [tilespmem:s12+$0x15EA0]  }
0x18e: {  	v27 =	vld [tilespmem:s12+$0x15E50]  }
0x18f: {  	v30 =	vmax.f32 v28, v30;
	v28 =	vld [tilespmem:s12+$0x15E60]  }
0x190: {  	v32 =	vmax.f32 v30, v63;
	v30 =	vld [tilespmem:s12+$0x15E10]  }
0x191: {  	s14 =	simm.s32 $0x800;
	v32 =	vmax.f32 v32, v31;
	v31 =	vld [tilespmem:s12+$0x15E20]  }
.LBB2_12:
0x192: {  	p1 =	sne.s32 s14, $0xC000;
	v29 =	vmax.f32 v32, v29;
	v32 =	vld [tilespmem:s12+$0x15E30]  }
0x193: {  	v26 =	vmax.f32 v29, v26;
	v29 =	vld [tilespmem:s12+$0x15E70]  }
0x194: {  	v23 =	vmax.f32 v26, v23;
	v26 =	vld [tilespmem:s12+$0x15EB0]  }
0x195: {  	v20 =	vmax.f32 v23, v20;
	v23 =	vld [tilespmem:s12+$0x15EF0]  }
0x196: {  	v33 =	vmax.f32 v20, v14;
	v20 =	vld [tilespmem:s12+$0x15F30]  }
0x197: {  	v14 =	vmax.f32 v19, v30;
	v18 =	vmax.f32 v18, v31;
	v17 =	vmax.f32 v17, v32;
	v19 =	vld [tilespmem:s12+$0x15F70]  }
0x198: {  	v14 =	vmax.f32 v14, v27;
	v18 =	vmax.f32 v18, v28;
	v17 =	vmax.f32 v17, v29;
	v27 =	vld [tilespmem:s12+$0x15FB0]  }
0x199: {  	v25 =	vmax.f32 v14, v25;
	v18 =	vmax.f32 v18, v24;
	v17 =	vmax.f32 v17, v26;
	v24 =	vld [tilespmem:s12+$0x15FF0];
	s12 =	sshra.s32 s14, $0x2  }
0x19a: {  	v22 =	vmax.f32 v25, v22;
	v18 =	vmax.f32 v18, v21;
	v14 =	vld [tilespmem:s12+$0x15FC0];
	v17 =	vmax.f32 v17, v23  }
0x19b: {  	v15 =	vmax.f32 v22, v15;
	v16 =	vmax.f32 v18, v16;
	v21 =	vld [tilespmem:s12+$0x15FD0];
	v17 =	vmax.f32 v17, v20  }
0x19c: {  	v12 =	vmax.f32 v15, v12;
	v13 =	vmax.f32 v16, v13;
	v22 =	vld [tilespmem:s12+$0x15FE0];
	v15 =	vmax.f32 v17, v19  }
0x19d: {  	v12 =	vmax.f32 v12, v10;
	v11 =	vmax.f32 v13, v11;
	v20 =	vld [tilespmem:s12+$0x15F80];
	v13 =	vmax.f32 v15, v27  }
0x19e: {  	v19 =	vmax.f32 v12, v8;
	v18 =	vmax.f32 v11, v9;
	v10 =	vld [tilespmem:s12+$0x15F90];
	v17 =	vmax.f32 v13, v24  }
0x19f: {  	v11 =	vld [tilespmem:s12+$0x15FA0]  }
0x1a0: {  	v23 =	vld [tilespmem:s12+$0x15F40];
	v8 =	vmov v21  }
0x1a1: {  	v12 =	vld [tilespmem:s12+$0x15F50];
	v9 =	vmov v22  }
0x1a2: {  	v13 =	vld [tilespmem:s12+$0x15F60]  }
0x1a3: {  	v26 =	vld [tilespmem:s12+$0x15F00]  }
0x1a4: {  	v15 =	vld [tilespmem:s12+$0x15F10]  }
0x1a5: {  	v16 =	vld [tilespmem:s12+$0x15F20]  }
0x1a6: {  	v29 =	vld [tilespmem:s12+$0x15EC0]  }
0x1a7: {  	v22 =	vld [tilespmem:s12+$0x15ED0]  }
0x1a8: {  	v21 =	vld [tilespmem:s12+$0x15EE0]  }
0x1a9: {  	v31 =	vld [tilespmem:s12+$0x15E80]  }
0x1aa: {  	v28 =	vld [tilespmem:s12+$0x15E00]  }
0x1ab: {  	v30 =	vld [tilespmem:s12+$0x15E40]  }
0x1ac: {  	v25 =	vld [tilespmem:s12+$0x15E90]  }
.Ltmp8:
0x1ad: {  	v24 =	vld [tilespmem:s12+$0x15EA0];
	(pc) =	sbr.rel @p1 .LBB2_12-.Ltmp8, $4  }
0x1ae: {  	v27 =	vld [tilespmem:s12+$0x15E50]  }
0x1af: {  	v32 =	vmax.f32 v33, v28;
	v28 =	vld [tilespmem:s12+$0x15E60]  }
0x1b0: {  	v32 =	vmax.f32 v32, v30;
	v30 =	vld [tilespmem:s12+$0x15E10]  }
0x1b1: {  	s14 =	sadd.s32 $0x800, s14;
	v32 =	vmax.f32 v32, v31;
	v31 =	vld [tilespmem:s12+$0x15E20]  }
0x1b2: {  	v29 =	vmax.f32 v32, v29;
	v53 =	vld [tilespmem:s12+$0x15E30]  }
0x1b3: {  	v54 =	vld [tilespmem:s12+$0x15E70];
	v26 =	vmax.f32 v29, v26  }
0x1b4: {  	v55 =	vld [tilespmem:s12+$0x15EB0];
	v23 =	vmax.f32 v26, v23  }
0x1b5: {  	v56 =	vld [tilespmem:s12+$0x15EF0];
	v20 =	vmax.f32 v23, v20;
	v19 =	vmax.f32 v19, v30  }
0x1b6: {  	v57 =	vld [tilespmem:s12+$0x15F30];
	v14 =	vmax.f32 v20, v14;
	v18 =	vmax.f32 v18, v31;
	v19 =	vmax.f32 v19, v27  }
0x1b7: {  	v58 =	vld [tilespmem:s12+$0x15F70];
	v17 =	vmax.f32 v17, v53;
	v18 =	vmax.f32 v18, v28;
	v19 =	vmax.f32 v19, v25  }
0x1b8: {  	v59 =	vld [tilespmem:s12+$0x15FB0];
	v17 =	vmax.f32 v17, v54;
	v18 =	vmax.f32 v18, v24;
	v19 =	vmax.f32 v19, v22  }
0x1b9: {  	v60 =	vld [tilespmem:s12+$0x15FF0];
	v17 =	vmax.f32 v17, v55;
	v18 =	vmax.f32 v18, v21;
	v15 =	vmax.f32 v19, v15  }
0x1ba: {  	v17 =	vmax.f32 v17, v56;
	v16 =	vmax.f32 v18, v16;
	v12 =	vmax.f32 v15, v12  }
.Ltmp9:
0x1bb: {  	v61 =	vmax.f32 v17, v57;
	v13 =	vmax.f32 v16, v13;
	v10 =	vmax.f32 v12, v10;
	(pc) =	sbr.rel @p0 .LBB2_15-.Ltmp9, $4  }
0x1bc: {  	[tilespmem:s9+$0x190C0] =	vst v14;
	v62 =	vmax.f32 v61, v58;
	v11 =	vmax.f32 v13, v11;
	v8 =	vmax.f32 v10, v8  }
0x1bd: {  	v63 =	vmax.f32 v62, v59;
	v9 =	vmax.f32 v11, v9;
	[tilespmem:s9+$0x190D0] =	vst v8  }
0x1be: {  	v8 =	vmax.f32 v63, v60;
	[tilespmem:s9+$0x190E0] =	vst v9  }
0x1bf: {  	[tilespmem:s9+$0x190F0] =	vst v8  }
0x1c0: {  	s9 =	smul.u32 $0xC80, s2;
	_ =	sdelay $0x1  }
.Ltmp10:
0x1c1: {  	s9 =	sshra.s32 s9, $0x2;
	(pc) =	sbr.rel .LBB2_5-.Ltmp10, $4  }
0x1c2: {  	s12 =	sadd.s32 $0x6978, s9  }
0x1c3: {  	[tilespmem:s25], [sflag:$0x4] =	stream.indirect.gather [hbm4b:s5+s8], $0x40, s12, s8, $0xb8;
	[tilespmem:$0x1B000] =	vst v63  }
0x1c4: {  	s2 =	sadd.s32 $0x1, s2;
	s9 =	sadd.s32 $0x69F8, s9  }
0x1c5: {  	[tilespmem:s28], [sflag:$0x4] =	stream.indirect.gather [hbm4b:s5+s13], $0x40, s9, s13, $0xb8;
	[tilespmem:$0x1B000] =	vst v63  }
.LBB2_17:
0x1c6: {  	_ =	sfence.sel $0x180000  }
0x1c7: {  	[bflag:$0x0] =	sbarrier.arrive $0xFFFF  }
0x1c8: {  	_ =	strace $0x9000004A  }
0x1c9: {  	s0 =	stileid.u32;
	[bflag:$0x2] =	sbarrier.arrive $0xFFFF  }
0x1ca: {  	p0 =	sne.s32 s0, $0x0;
	s0 =	rddreg [dreg:$0x2]  }
0x1cb: {  	s0 =	sadd.s32 @!p0 $0x100000, s0  }
0x1cc: {  	[sflag:s0] =	ssyncadd.tile.s32 @!p0 $0x1;
	_ =	shalt  }
.Lfunc_end2:
_tile_overlayer_lowered:
.L_overlay_start_2:
0x1cd: {  	(tag) =	ssettag $0x2  }
0x1ce: {  	s0 =	rddreg [dreg:$0x0];
	s2 =	stileid.u32  }
0x1cf: {  	s1 =	rddreg [dreg:$0x1];
	p0 =	sne.s32 s2, $0x0  }
0x1d0: {  	s3 =	rddreg [dreg:$0x2];
	[bflag:$0x3] =	sbarrier.arrive $0xFFFF;
	s2 =	simm.s32 @!p0 $0x1C05  }
0x1d1: {  	[timem:s3], [sflag:s2] =	dma.local @!p0 [hbm:s0], s1  }
0x1d2: {  	s0 =	simm.s32 @!p0 $0x5  }
0x1d3: {  	_ =	swait.ge @!p0 [sflag:s0], s1  }
0x1d4: {  	s1 =	ssub.s32 @!p0 $0x0, s1;
	[sflag:s0] =	ssyncset.done @!p0 $0x0  }
0x1d5: {  	[sflag:s0] =	ssyncadd.s32 @!p0 s1  }
0x1d6: {  	[bflag:$0x3] =	sbarrier.arrive $0xFFFF  }
0x1d7: {  	_ =	shalt  }

// kernel: sparse-core-data-format-call.cloned.1.call-start
scs
called_computation_lowered:
.L_overlay_start_0:
0x0: {  	s2 =	sld [smem:$0x3FD9]  }
0x1: {  	s3 =	sld [smem:$0x3FFE];
	_ =	sdelay $0x1  }
0x2: {  	s1 =	srdreg.scid  }
0x3: {  	s0 =	sand.u32 $0x1, s1  }
0x4: {  	s18 =	sshll.u32 s0, $0xA;
	s2 =	sadd.s32 s3, s2  }
0x5: {  	s2 =	sadd.s32 s2, s18  }
0x6: {  	[smem:$0x3FC6] =	sst s2  }
0x7: {  	_ = 	snop  }
0x8: {  	s2 =	sld [smem:$0x3FC8];
	(tm) =	ssettm $0x1  }
0x9: {  	s19 =	sld [smem:$0x3FFB];
	_ =	sdelay $0x3  }
0xa: {  	_ =	strace s19  }
0xb: {  	s3 =	sld [smem:$0x3FFC];
	_ =	sdelay $0x3  }
0xc: {  	_ =	strace s3  }
0xd: {  	s3 =	sld [smem:$0x3FFD];
	_ =	sdelay $0x3  }
0xe: {  	_ =	strace s3  }
0xf: {  	_ =	strace $0x8FFFFFFF  }
0x10: {  	s20 =	sld [smem:$0x3FDB];
	_ =	sdelay $0x1  }
0x11: {  	s4 =	simm.s32 $_scs_section_size  }
0x12: {  	s5 =	simm.s32 $_size__tile_overlayer_lowered;
	s6 =	simm.s32 $_tile_overlayer_lowered  }
0x13: {  	s23 =	simm.s32 $0x1BFF;
	s22 =	sshll.u32 s6, $0x1;
	s3 =	sadd.s32 s4, s20  }
0x14: {  	s7 =	simm.s32 $0x0;
	s21 =	sshll.u32 s5, $0x1;
	s5 =	sadd.s32 s22, s3  }
0x15: {  	[timem:s7], [sflag:s23] =	dma.local [hbm:s5], s21  }
0x16: {  	_ =	swait.ge [sflag:s23], s21  }
0x17: {  	s4 =	ssub.s32 $0x0, s21;
	[sflag:s23] =	ssyncset.done $0x0  }
0x18: {  	[sflag:s23] =	ssyncadd.s32 s4;
	_ =	sdelay $0x1  }
0x19: {  	s24 =	simm.s32 $0x1B8B  }
0x1a: {  	_ =	swait.ge [sflag:s24], $0x1  }
0x1b: {  	[sflag:s24] =	ssyncset.done $0x0  }
0x1c: {  	s26 =	simm.s32 $0x1B8E;
	s25 =	sld [smem:$0x3FFE];
	[sflag:s24] =	ssyncadd.s32 $0xFFFFFFFF  }
0x1d: {  	s27 =	simm.s32 $execute0_lowered;
	[smem:$0x3FD2] =	sst s26  }
0x1e: {  	s5 =	sshll.u32 s27, $0x1;
	_ =	strace $0x80000046;
	[dreg:$0x1] =	wrdreg $0xFFFFFFFF  }
0x1f: {  	s28 =	simm.s32 $_size_execute0_lowered;
	s3 =	sadd.s32 s3, s5;
	[dreg:$0x0] =	wrdreg $0x0  }
0x20: {  	s5 =	sshll.u32 s28, $0x1;
	[dreg:$0x2] =	wrdreg s3  }
0x21: {  	[dreg:$0x3] =	wrdreg s5  }
0x22: {  	[dreg:$0x4] =	wrdreg $0xC0  }
0x23: {  	_ =	task [dreg:s7], $0x5FFFF  }
0x24: {  	[dreg:$0x1] =	wrdreg $0xFFFFFFFF  }
0x25: {  	[dreg:$0x0] =	wrdreg $0x60  }
0x26: {  	[dreg:$0x2] =	wrdreg s2  }
0x27: {  	[dreg:$0x3] =	wrdreg s25  }
0x28: {  	[dreg:$0x4] =	wrdreg $0x9  }
0x29: {  	_ =	task.clear_ibuf [dreg:s7], $0x5FFFF;
	_ =	strace $0x90000046  }
0x2a: {  	s29 =	simm.s32 $0x9;
	_ =	strace $0x80000048  }
0x2b: {  	_ =	swait.ge [sflag:s29], $0x1  }
0x2c: {  	[sflag:s29] =	ssyncadd.s32 $0xFFFFFFFF  }
0x2d: {  	_ =	strace $0x90000048  }
0x2e: {  	_ =	sfence  }
0x2f: {  	s30 =	sld [smem:$0x0];
	_ =	sdelay $0x2  }
0x30: {  	s31 =	sshll.u32 s1, $0xD;
	s1 =	sshrl.u32 s1, $0x2  }
0x31: {  	s3 =	sand.u32 $0x4000, s31;
	s1 =	sadd.s32 s1, s30  }
0x32: {  	s0 =	sor.u32 s3, s0;
	s1 =	sshll.u32 s1, $0x11  }
0x33: {  	s0 =	sor.u32 s1, s0  }
0x34: {  	s0 =	sadd.s32 $0x8F2B, s0  }
0x35: {  	[sflag:s0] =	ssyncadd.remote.s32 $0x1  }
0x36: {  	_ =	sfence.sel $0xFFFF  }
0x37: {  	[dreg:$0x0] =	wrdreg $0xFFFFFFFF;
	(pc) =	sbr.abs _section_cstart, $3  }
0x38: {  	[dreg:$0x1] =	wrdreg $0xFFFFFFFF  }
0x39: {  	_ =	task.clear_ibuf [dreg:s7], $0x2FFFF;
	_ =	strace $0x9FFFFFFF  }
0x3a: {  	(tm) =	ssettm $0x7FFFFFFF  }
0x3b: {  	_ =	shalt  }
tec
execute0_lowered:
.L_overlay_start_1:
0x0: {  	(tag) =	ssettag $0x1  }
0x1: {  	s0 =	srdreg.scid;
	s2 =	rddreg [dreg:$0x0]  }
0x2: {  	s5 =	rddreg [dreg:$0x1];
	s1 =	stileid.u32  }
0x3: {  	s4 =	simm.s32 $0x1;
	s6 =	simm.s32 $0x2;
	s15 =	simm.s32 $0x0  }
0x4: {  	p0 =	por $0x0, $0x0;
	s8 =	simm.s32 $0x80;
	s0 =	sshll.u32 s0, $0x4  }
0x5: {  	s14 =	simm.s32 $0x0;
	s9 =	simm.s32 $0x0;
	s3 =	sand.u32 $0x10, s0  }
.Ltmp0:
0x6: {  	s10 =	simm.s32 $0x0;
	s3 =	sor.u32 s1, s3;
	(pc) =	sbr.rel .LBB1_1-.Ltmp0, $4  }
0x7: {  	s0 =	rddreg [dreg:$0x2];
	_ =	strace $0x80000047;
	s3 =	sshll.u32 s3, $0x7  }
0x8: {  	s12 =	simm.s32 $0x0;
	[sflag:s4] =	ssyncpa.u1 $0x0;
	s7 =	ssub.s32 $0xF4200, s3  }
0x9: {  	s13 =	simm.s32 $0x0;
	[sflag:s6] =	ssyncpa.u1 $0x0;
	s6 =	sshrl.u32 s7, $0xC  }
0xa: {  	s5 =	sadd.s32 $0xA00, s5;
	s11 =	smov.u32 s3;
	s7 =	sadd.s32 $0x2, s6  }
.LBB1_5:
0xb: {  	p1 =	slt.u32 s13, $0x2  }
0xc: {  	s17 =	smov.u32 s15;
	p2 =	sgt.s32 @!p1 s15, $0xF41C0;
	s16 =	sshra.s32 @!p1 s15, $0x1F  }
0xd: {  	p3 =	sgt.s32 @!p1 s14, $0x40;
	s18 =	sshra.s32 @!p1 s14, $0x1F;
	p2 =	por !p2, p1  }
0xe: {  	s15 =	sand.u32 @!p1 s16, s15;
	p3 =	por !p3, p1;
	s16 =	smov.u32 s14  }
0xf: {  	s14 =	sand.u32 @!p1 s18, s14;
	s17 =	simm.s32 @p2 $0xF41C0;
	s16 =	simm.s32 @p3 $0x40  }
0x10: {  	s15 =	ssub.s32 @!p1 s17, s15;
	s14 =	ssub.s32 @!p1 s16, s14  }
0x11: {  	s18 =	smov.u32 s12;
	s16 =	sadd.s32 @!p1 $0xFFF0BE40, s15;
	s17 =	sadd.s32 @!p1 $0xFFFFFFC0, s14  }
0x12: {  	s15 =	ssub.s32 @!p1 $0xF4240, s15;
	p2 =	sgt.s32 @!p1 s16, $0x7F;
	p3 =	sgt.s32 @!p1 s17, $0x3F  }
0x13: {  	s14 =	ssub.s32 @!p1 $0x80, s14;
	p2 =	por !p2, p1;
	p3 =	por !p3, p1  }
0x14: {  	s16 =	sadd.s32 $0x1000, s11;
	s15 =	simm.s32 @!p2 $0x0;
	s14 =	simm.s32 @!p3 $0x0  }
0x15: {  	p2 =	sgt.s32 s16, $0xF423F;
	s14 =	smul.u32 @!p1 s14, s15;
	s15 =	sadd.s32 $0x40, s12  }
0x16: {  	s18 =	smov.u32 @p2 s15  }
0x17: {  	s16 =	smov.u32 @p2 s3;
	p2 =	sgt.s32 s18, $0x3F  }
0x18: {  	s18 =	simm.s32 @p2 $0x0;
	p2 =	sne.s32 s13, s7  }
.Ltmp1:
0x19: {  	p0 =	por !p0, !p0;
	s17 =	simm.s32 @!p1 $0x2;
	(pc) =	sbr.rel @!p2 .LBB1_6-.Ltmp1, $4  }
0x1a: {  	s15 =	smov.u32 s9;
	s9 =	smov.u32 s11;
	s14 =	sand.u32 @!p1 $0x3FFFFFFF, s14  }
0x1b: {  	s11 =	smov.u32 s16;
	_ =	swait.ge @!p1 [sflag:s17], s14;
	s19 =	ssub.s32 @!p1 $0x0, s14  }
0x1c: {  	s14 =	smov.u32 s10;
	s13 =	sadd.s32 $0x1, s13;
	[sflag:s17] =	ssyncset.done @!p1 $0x0  }
0x1d: {  	s10 =	smov.u32 s12;
	s12 =	smov.u32 s18;
	[sflag:s17] =	ssyncadd.s32 @!p1 s19  }
.LBB1_1:
0x1e: {  	p1 =	sgt.u32 s13, s6  }
0x1f: {  	s16 =	sshrl.u32 @!p1 s12, $0x3  }
0x20: {  	s17 =	sshll.u32 @!p1 s11, $0x3;
	s16 =	smul.u32 @!p1 $0x7A1400, s16  }
0x21: {  	s18 =	sshll.u32 @!p1 s12, $0x7;
	s17 =	sand.u32 @!p1 $0xFFFFFC00, s17  }
0x22: {  	s16 =	sadd.s32 @!p1 s16, s17;
	s17 =	sand.u32 @!p1 $0x380, s18  }
0x23: {  	s18 =	sand.u32 @!p1 $0x7F, s11;
	s16 =	sor.u32 @!p1 s17, s16  }
0x24: {  	s17 =	sor.u32 @!p1 s18, s16  }
0x25: {  	s18 =	smulhi.u32 @!p1 $0x218D6287, s17;
	_ =	sdelay $0x1  }
0x26: {  	s16 =	smulhi.u32 @!p1 $0x218D6287, s16;
	s18 =	sshrl.u32 @!p1 s18, $0x11  }
0x27: {  	s18 =	smul.u32 @!p1 $0xF4280, s18  }
0x28: {  	s19 =	sxor.u32 @!p1 $0xFFFFFFFF, s13;
	s16 =	sshrl.u32 @!p1 s16, $0x11  }
0x29: {  	s19 =	sshll.u32 @!p1 s19, $0xD;
	s16 =	sand.u32 @!p1 $0x3F, s16;
	s17 =	ssub.s32 @!p1 s17, s18  }
0x2a: {  	s16 =	smul.u32 @!p1 $0x1E850, s16;
	s18 =	sshrl.u32 @!p1 s17, $0x3;
	s17 =	sand.u32 @!p1 $0x7, s17  }
0x2b: {  	s19 =	sand.u32 @!p1 $0x2000, s19;
	s18 =	sadd.s32 @!p1 s2, s18;
	s17 =	sshll.u32 @!p1 s17, $0x12  }
0x2c: {  	s16 =	sadd.s32 @!p1 s16, s18;
	s17 =	sor.u32 @!p1 $0x400, s17;
	s18 =	simm.s32 @!p1 $0x7A1400  }
0x2d: {  	[tilespmem:s19], [sflag:$0x1] =	stream.strided.gather @!p1 [hbm4b:s16+s17], $0x2000, s18, s17, $0x38;
	[tilespmem:$0x8100] =	vst v63  }
0x2e: {  	p1 =	seq.s32 s13, $0x0  }
0x2f: {  	p2 =	sge.u32 @!p1 s13, s7  }
0x30: {  	p1 =	por p1, p2  }
.Ltmp2:
0x31: {  	_ = 	snop;
	(pc) =	sbr.rel @p1 .LBB1_5-.Ltmp2, $1  }
0x32: {  	_ =	sdelay $0x3  }
0x33: {  	s16 =	simm.s32 $0x1  }
0x34: {  	_ =	swait.ge [sflag:s4], $0x2000;
	s16 =	simm.s32 @!p0 $0x0  }
0x35: {  	[sflag:s4] =	ssyncset.done $0x0;
	s17 =	sshll.u32 s16, $0xD  }
0x36: {  	[sflag:s4] =	ssyncadd.s32 $0xFFFFE000;
	s17 =	sor.u32 $0x40, s17  }
0x37: {  	s16 =	smul.u32 $0x8200, s16;
	v0 =	vld [tilespmem:s17+$0x30]  }
0x38: {  	v1 =	vld [tilespmem:s17+$0xFFFFFFD0]  }
0x39: {  	s16 =	sshrl.u32 s16, $0x2;
	v5 =	vld [tilespmem:s17+$0xFFFFFFE0]  }
0x3a: {  	v6 =	vld [tilespmem:s17+$0xFFFFFFF0];
	s19 =	sor.u32 $0x4000, s16  }
0x3b: {  	s31 =	sand.u32 $0x1, s13;
	v4 =	vld [tilespmem:s17+$0x0];
	s18 =	sadd.s32 $0x0, s19  }
0x3c: {  	v3 =	vld [tilespmem:s17+$0x10];
	s16 =	smul.u32 $0x8200, s31;
	[tilespmem:s18+$0x1C70 ss:$0x41] =	vst.msk $0xffff, v0  }
0x3d: {  	v2 =	vld [tilespmem:s17+$0x20];
	[tilespmem:s18+$0x410 ss:$0x41] =	vst.msk $0xffff, v1  }
0x3e: {  	s16 =	sshrl.u32 s16, $0x2;
	v1 =	vld [tilespmem:s17+$0xFFFFFFC0];
	[tilespmem:s18+$0x820 ss:$0x41] =	vst.msk $0xffff, v5;
	s17 =	sadd.s32 $0x80, s17  }
0x3f: {  	s20 =	simm.s32 $0x4;
	s21 =	simm.s32 $0x8;
	s16 =	sor.u32 $0x4000, s16;
	[tilespmem:s18+$0xC30 ss:$0x41] =	vst.msk $0xffff, v6;
	v0 =	vld [tilespmem:s17+$0x30]  }
.LBB1_3:
0x40: {  	p1 =	sne.s32 s21, $0xFC;
	v5 =	vld [tilespmem:s17+$0xFFFFFFD0];
	[tilespmem:s18+$0x1040 ss:$0x41] =	vst.msk $0xffff, v4  }
0x41: {  	v6 =	vld [tilespmem:s17+$0xFFFFFFE0];
	[tilespmem:s18+$0x1450 ss:$0x41] =	vst.msk $0xffff, v3  }
0x42: {  	s22 =	sshra.s32 s20, $0x2;
	s20 =	smov.u32 s21;
	v7 =	vld [tilespmem:s17+$0xFFFFFFF0];
	[tilespmem:s18+$0x1860 ss:$0x41] =	vst.msk $0xffff, v2  }
.Ltmp3:
0x43: {  	v4 =	vld [tilespmem:s17+$0x0];
	[tilespmem:s18+$0x0 ss:$0x41] =	vst.msk $0xffff, v1;
	s18 =	sadd.s32 s22, s19;
	(pc) =	sbr.rel @p1 .LBB1_3-.Ltmp3, $4  }
0x44: {  	v3 =	vld [tilespmem:s17+$0x10];
	[tilespmem:s18+$0x1C70 ss:$0x41] =	vst.msk $0xffff, v0  }
0x45: {  	[tilespmem:s18+$0x410 ss:$0x41] =	vst.msk $0xffff, v5;
	v2 =	vld [tilespmem:s17+$0x20]  }
0x46: {  	v1 =	vld [tilespmem:s17+$0xFFFFFFC0];
	[tilespmem:s18+$0x820 ss:$0x41] =	vst.msk $0xffff, v6;
	s17 =	sadd.s32 $0x80, s17  }
0x47: {  	s21 =	sadd.s32 $0x4, s21;
	v0 =	vld [tilespmem:s17+$0x30];
	[tilespmem:s18+$0xC30 ss:$0x41] =	vst.msk $0xffff, v7  }
0x48: {  	s21 =	sshll.u32 s9, $0x7;
	s22 =	sshll.u32 s10, $0x3;
	s20 =	sshra.s32 s20, $0x2  }
0x49: {  	p1 =	sgt.s32 s9, $0xF41C0;
	s30 =	sshra.s32 s9, $0x1F;
	s25 =	sshra.s32 s10, $0x1F  }
0x4a: {  	v5 =	vld [tilespmem:s17+$0xFFFFFFD0];
	s28 =	sshrl.u32 s10, $0x3;
	s23 =	sand.u32 $0xFFFFFC00, s21;
	s22 =	sand.u32 $0xFFFFFC00, s22  }
0x4b: {  	[tilespmem:s18+$0x1040 ss:$0x41] =	vst.msk $0xffff, v4;
	v58 =	vld [tilespmem:s17+$0xFFFFFFE0];
	s21 =	sand.u32 $0x380, s21;
	s19 =	sadd.s32 s20, s19;
	s22 =	sadd.s32 s22, s23  }
0x4c: {  	v59 =	vld [tilespmem:s17+$0xFFFFFFF0];
	[tilespmem:s18+$0x1450 ss:$0x41] =	vst.msk $0xffff, v3;
	s29 =	sor.u32 s21, s22;
	s21 =	smov.u32 s9;
	s22 =	sand.u32 s30, s9  }
0x4d: {  	v60 =	vld [tilespmem:s17+$0x0];
	[tilespmem:s18+$0x1860 ss:$0x41] =	vst.msk $0xffff, v2;
	s30 =	sand.u32 $0x7, s10;
	s20 =	sshrl.u32 s29, $0x7;
	s21 =	simm.s32 @!p1 $0xF41C0  }
0x4e: {  	v61 =	vld [tilespmem:s17+$0x10];
	[tilespmem:s18+$0x0 ss:$0x41] =	vst.msk $0xffff, v1;
	p1 =	sgt.s32 s10, $0x40;
	s24 =	ssub.s32 s21, s22;
	s21 =	smov.u32 s10  }
0x4f: {  	v62 =	vld [tilespmem:s17+$0x20];
	[tilespmem:s19+$0x1C70 ss:$0x41] =	vst.msk $0xffff, v0;
	s31 =	smulhi.u32 $0x218DEF5, s20;
	s22 =	sand.u32 s25, s10;
	s21 =	simm.s32 @!p1 $0x40  }
0x50: {  	v63 =	vld [tilespmem:s17+$0xFFFFFFC0];
	[tilespmem:s19+$0x410 ss:$0x41] =	vst.msk $0xffff, v5;
	s26 =	sadd.s32 $0xFFF0BE40, s24;
	s17 =	ssub.s32 $0xF4240, s24;
	s21 =	ssub.s32 s21, s22  }
0x51: {  	[tilespmem:s19+$0x820 ss:$0x41] =	vst.msk $0xffff, v58;
	s23 =	sshrl.u32 s31, $0xD;
	p1 =	sgt.s32 s26, $0x7F;
	s27 =	sadd.s32 $0xFFFFFFC0, s21  }
0x52: {  	[tilespmem:s19+$0xC30 ss:$0x41] =	vst.msk $0xffff, v59;
	s23 =	smul.u32 $0xF4240, s23;
	s18 =	ssub.s32 $0x80, s21;
	p2 =	sgt.s32 s27, $0x3F  }
.Ltmp4:
0x53: {  	[tilespmem:s19+$0x1040 ss:$0x41] =	vst.msk $0xffff, v60;
	s17 =	simm.s32 @p1 $0x0;
	s18 =	simm.s32 @p2 $0x0;
	(pc) =	sbr.rel .LBB1_5-.Ltmp4, $4  }
0x54: {  	s29 =	sand.u32 $0xF, s28;
	[tilespmem:s19+$0x1450 ss:$0x41] =	vst.msk $0xffff, v61;
	s20 =	ssub.s32 s20, s23;
	s17 =	smul.u32 s18, s17  }
0x55: {  	[tilespmem:s19+$0x1860 ss:$0x41] =	vst.msk $0xffff, v62;
	s21 =	sshll.u32 s30, $0x12;
	s20 =	sshll.u32 s20, $0x4;
	s18 =	sadd.s32 s5, s29  }
0x56: {  	[tilespmem:s19+$0x0 ss:$0x41] =	vst.msk $0xffff, v63;
	s31 =	sor.u32 $0x40, s21;
	s18 =	sadd.s32 s20, s18;
	s17 =	sand.u32 $0x3FFFFFFF, s17  }
0x57: {  	[hbm4b:s18+s31] =	stream.strided.scatter [tilespmem:s16], [sflag:$0x2], s17, s8, s31, $0x18;
	[tilespmem:$0x8100] =	vst v63  }
.LBB1_6:
0x58: {  	_ =	sfence.sel $0x180000  }
0x59: {  	s2 =	simm.s32 $0x1;
	[bflag:$0x0] =	sbarrier.arrive $0xFFFF  }
0x5a: {  	s31 =	simm.s32 $0x2;
	[sflag:s2] =	ssyncpa.u1 $0x1  }
0x5b: {  	[sflag:s31] =	ssyncpa.u1 $0x1  }
0x5c: {  	p0 =	sne.s32 s1, $0x0;
	_ =	strace $0x90000047  }
0x5d: {  	s0 =	sadd.s32 @!p0 $0x100000, s0;
	[bflag:$0x2] =	sbarrier.arrive $0xFFFF  }
0x5e: {  	[sflag:s0] =	ssyncadd.tile.s32 @!p0 $0x1;
	_ =	shalt  }
.Lfunc_end1:
_tile_overlayer_lowered:
.L_overlay_start_2:
0x5f: {  	(tag) =	ssettag $0x2  }
0x60: {  	s0 =	rddreg [dreg:$0x0];
	s2 =	stileid.u32  }
0x61: {  	s1 =	rddreg [dreg:$0x1];
	p0 =	sne.s32 s2, $0x0  }
0x62: {  	s3 =	rddreg [dreg:$0x2];
	[bflag:$0x3] =	sbarrier.arrive $0xFFFF;
	s2 =	simm.s32 @!p0 $0x1C01  }
0x63: {  	[timem:s3], [sflag:s2] =	dma.local @!p0 [hbm:s0], s1  }
0x64: {  	s0 =	simm.s32 @!p0 $0x1  }
0x65: {  	_ =	swait.ge @!p0 [sflag:s0], s1  }
0x66: {  	s1 =	ssub.s32 @!p0 $0x0, s1;
	[sflag:s0] =	ssyncset.done @!p0 $0x0  }
0x67: {  	[sflag:s0] =	ssyncadd.s32 @!p0 s1  }
0x68: {  	[bflag:$0x3] =	sbarrier.arrive $0xFFFF  }
0x69: {  	_ =	shalt  }

</sc_bundles>
